<compile_context>
chip_gen: v7x
topology: tpu7x:2x2x1
jax: 0.10.2.dev20260603
libtpu: 0.0.44.dev20260713+nightly
codegen_flags: <defaults>
</compile_context>

<pallas_src>
import jax
import jax.numpy as jnp
from jax import lax
from jax.experimental import pallas as pl
from jax.experimental.pallas import tpu as pltpu
from jax.experimental.pallas import tpu_sc as plsc

_SCORE_THRESH = 0.05
_NMS_THRESH = 0.5
_DET = 100
_N = 5000
_L = 16
_TILES = 16
_PER_TILE = 320
_NVEC = _PER_TILE // _L
_NPAD = _TILES * _PER_TILE
_XCH = _TILES * _L


def _shuf(v, lanes, sh):
    return v.at[lanes ^ sh].get(mode="promise_in_bounds")


def _tree_argmax(val, idx, lanes):
    for sh in (8, 4, 2, 1):
        pv = _shuf(val, lanes, sh)
        pi = _shuf(idx, lanes, sh)
        gt = pv > val
        eq = pv == val
        idx = jnp.where(gt, pi, jnp.where(eq, jnp.minimum(idx, pi), idx))
        val = jnp.where(gt, pv, val)
    return val, idx


def _tree_min(v, lanes):
    for sh in (8, 4, 2, 1):
        v = jnp.minimum(v, _shuf(v, lanes, sh))
    return v


def _nms_body(x1h, y1h, x2h, y2h, sh, outh,
              x1v, y1v, x2v, y2v, sv, alive, taken, row_v, rb_v, out_v, shared):
    c = lax.axis_index("c")
    s = lax.axis_index("s")
    base = s * _PER_TILE

    pltpu.sync_copy(x1h.at[pl.ds(base, _PER_TILE)], x1v)
    pltpu.sync_copy(y1h.at[pl.ds(base, _PER_TILE)], y1v)
    pltpu.sync_copy(x2h.at[pl.ds(base, _PER_TILE)], x2v)
    pltpu.sync_copy(y2h.at[pl.ds(base, _PER_TILE)], y2v)
    pltpu.sync_copy(sh.at[pl.ds(base, _PER_TILE)], sv)

    ones = jnp.ones((_L,), jnp.float32)
    zeros = jnp.zeros((_L,), jnp.float32)
    lanes = lax.iota(jnp.int32, _L)

    def init_j(j, carry):
        alive[pl.ds(j * _L, _L)] = ones
        taken[pl.ds(j * _L, _L)] = zeros
        return carry

    lax.fori_loop(0, _NVEC, init_j, 0)

    def local_pass(winner):
        bestv = jnp.full((_L,), -3e9, jnp.float32)
        besti = jnp.zeros((_L,), jnp.int32)
        for j in range(_NVEC):
            sl = pl.ds(j * _L, _L)
            svv = sv[sl]
            al = alive[sl]
            tv = taken[sl]
            if winner is None:
                anew = al
            else:
                wx1g, wy1g, wx2g, wy2g, areaw = winner
                ax1 = x1v[sl]
                ay1 = y1v[sl]
                ax2 = x2v[sl]
                ay2 = y2v[sl]
                ltx = jnp.maximum(wx1g, ax1)
                lty = jnp.maximum(wy1g, ay1)
                rbx = jnp.minimum(wx2g, ax2)
                rby = jnp.minimum(wy2g, ay2)
                inter = jnp.maximum(rbx - ltx, 0.0) * jnp.maximum(rby - lty, 0.0)
                areaa = (ax2 - ax1) * (ay2 - ay1)
                iou = inter / (areaa + areaw - inter + 1e-9)
                anew = jnp.where(iou > _NMS_THRESH, 0.0, al)
                alive[sl] = anew
            key = jnp.where((anew > 0.5) & (svv > _SCORE_THRESH), svv + 2.0,
                            jnp.where(tv > 0.5, jnp.float32(-1e9), svv))
            gidx = base + j * _L + lanes
            upd = key > bestv
            bestv = jnp.where(upd, key, bestv)
            besti = jnp.where(upd, gidx, besti)
        return bestv, besti

    bestv0, besti0 = local_pass(None)

    def round_body(k, carry):
        bestv, besti = carry
        kmaxv, gminv = _tree_argmax(bestv, besti, lanes)
        lidxv = jnp.clip(gminv - base, 0, _PER_TILE - 1)
        wx1 = plsc.load_gather(x1v, [lidxv])
        wy1 = plsc.load_gather(y1v, [lidxv])
        wx2 = plsc.load_gather(x2v, [lidxv])
        wy2 = plsc.load_gather(y2v, [lidxv])
        wsc = plsc.load_gather(sv, [lidxv])
        row = jnp.where(lanes == 0, kmaxv,
              jnp.where(lanes == 1, gminv.astype(jnp.float32),
              jnp.where(lanes == 2, wx1,
              jnp.where(lanes == 3, wy1,
              jnp.where(lanes == 4, wx2,
              jnp.where(lanes == 5, wy2,
              jnp.where(lanes == 6, wsc, zeros)))))))
        row_v[...] = row
        off = (k % 2) * _XCH
        pltpu.sync_copy(row_v, shared.at[pl.ds(off + s * _L, _L)])
        plsc.subcore_barrier()
        pltpu.sync_copy(shared.at[pl.ds(off, _XCH)], rb_v)

        keys = plsc.load_gather(rb_v, [lanes * _L])
        gidxs = plsc.load_gather(rb_v, [lanes * _L + 1])
        kmgv, gmgv = _tree_argmax(keys, gidxs, lanes)
        rstarv = _tree_min(
            jnp.where((keys == kmgv) & (gidxs == gmgv), lanes,
                      jnp.int32(_TILES + 1)), lanes)
        wbv = rstarv * _L

        def bcast(o):
            return plsc.load_gather(rb_v, [wbv + o])

        wx1g = bcast(2)
        wy1g = bcast(3)
        wx2g = bcast(4)
        wy2g = bcast(5)
        wsg = bcast(6)
        keptv = kmgv > 2.0
        areaw = (wx2g - wx1g) * (wy2g - wy1g)

        ilw = gmgv.astype(jnp.int32) - base
        owner = (ilw >= 0) & (ilw < _PER_TILE) & (lanes == 0)
        ilwc = jnp.clip(ilw, 0, _PER_TILE - 1)
        plsc.store_scatter(taken, [ilwc], ones, mask=owner)
        plsc.store_scatter(alive, [ilwc], zeros, mask=owner)

        @pl.when((c == 0) & (s == 0))
        def _emit():
            sout = jnp.where(keptv, wsg, jnp.full((_L,), -1.0, jnp.float32))
            orow = jnp.where(lanes == 0, wx1g,
                   jnp.where(lanes == 1, wy1g,
                   jnp.where(lanes == 2, wx2g,
                   jnp.where(lanes == 3, wy2g,
                   jnp.where(lanes == 4, sout, zeros)))))
            plsc.store_scatter(out_v, [k * _L + lanes], orow)

        return local_pass((wx1g, wy1g, wx2g, wy2g, areaw))

    lax.fori_loop(0, _DET, round_body, (bestv0, besti0))

    @pl.when((c == 0) & (s == 0))
    def _flush():
        pltpu.sync_copy(out_v, outh)


_nms_call = pl.kernel(
    _nms_body,
    out_type=jax.ShapeDtypeStruct((_DET * _L,), jnp.float32),
    mesh=plsc.VectorSubcoreMesh(core_axis_name="c", subcore_axis_name="s"),
    compiler_params=pltpu.CompilerParams(needs_layout_passes=False),
    scratch_types=[
        pltpu.VMEM((_PER_TILE,), jnp.float32),
        pltpu.VMEM((_PER_TILE,), jnp.float32),
        pltpu.VMEM((_PER_TILE,), jnp.float32),
        pltpu.VMEM((_PER_TILE,), jnp.float32),
        pltpu.VMEM((_PER_TILE,), jnp.float32),
        pltpu.VMEM((_PER_TILE,), jnp.float32),
        pltpu.VMEM((_PER_TILE,), jnp.float32),
        pltpu.VMEM((_L,), jnp.float32),
        pltpu.VMEM((_XCH,), jnp.float32),
        pltpu.VMEM((_DET * _L,), jnp.float32),
        pltpu.VMEM_SHARED((2 * _XCH,), jnp.float32),
    ],
)


@jax.jit
def kernel(boxes, scores):
    pad = _NPAD - _N
    x1 = jnp.pad(boxes[:, 0], (0, pad))
    y1 = jnp.pad(boxes[:, 1], (0, pad))
    x2 = jnp.pad(boxes[:, 2], (0, pad))
    y2 = jnp.pad(boxes[:, 3], (0, pad))
    sp = jnp.pad(scores, (0, pad), constant_values=-1.0)
    out = _nms_call(x1, y1, x2, y2, sp)
    return out.reshape(_DET, _L)[:, :5]

# --- scband reference (transcript-rebuilt; emitter-appended) ---
"""Pipeline reference for scband-commonality-roiheads-90872918049435 (READ-ONLY COPY).

The authoritative reference and input builder live on the scoring server;
editing this copy changes nothing except your own understanding.
"""

import jax, jax.numpy as jnp
import numpy as np

SCORE_THRESH = 0.05
NMS_THRESH = 0.5
DET_PER_IMG = 100
N = 5000


def setup_inputs(seed: int = 0) -> dict:
    key = jax.random.key(seed)
    k1, k2, k3, k4, k5 = jax.random.split(key, 5)
    cx = jax.random.uniform(k1, (N,), minval=0.0, maxval=1024.0)
    cy = jax.random.uniform(k2, (N,), minval=0.0, maxval=1024.0)
    w = jax.random.uniform(k3, (N,), minval=8.0, maxval=256.0)
    h = jax.random.uniform(k4, (N,), minval=8.0, maxval=256.0)
    boxes = jnp.stack([cx - w / 2, cy - h / 2, cx + w / 2, cy + h / 2], axis=1).astype(jnp.float32)
    scores = jax.random.uniform(k5, (N,), minval=0.0, maxval=1.0).astype(jnp.float32)
    return {"boxes": boxes, "scores": scores}


def _pairwise_iou(a, b):
    # a: [Na,4], b: [Nb,4] in (x1,y1,x2,y2); mirrors detectron2 pairwise_iou
    area_a = (a[:, 2] - a[:, 0]) * (a[:, 3] - a[:, 1])
    area_b = (b[:, 2] - b[:, 0]) * (b[:, 3] - b[:, 1])
    lt = jnp.maximum(a[:, None, :2], b[None, :, :2])
    rb = jnp.minimum(a[:, None, 2:], b[None, :, 2:])
    wh = jnp.clip(rb - lt, 0.0)
    inter = wh[..., 0] * wh[..., 1]
    return inter / (area_a[:, None] + area_b[None, :] - inter + 1e-9)


def reference(boxes, scores):
    # fast_rcnn_inference-style post-processing: score filter -> greedy NMS -> top-k
    n = boxes.shape[0]
    order = jnp.argsort(-scores)
    b = jnp.take(boxes, order, axis=0)
    s = jnp.take(scores, order, axis=0)
    valid = (s > SCORE_THRESH).astype(jnp.float32)
    iou = _pairwise_iou(b, b)  # [N, N] working set dominates -> memory bound
    idxs = jnp.arange(n)

    def step(keep, i):
        col = jnp.take(iou, i, axis=1)  # iou of all boxes vs box i
        overlap = col * keep * (idxs < i).astype(jnp.float32)
        suppressed = jnp.max(overlap) > NMS_THRESH
        new_val = jnp.where(suppressed, 0.0, keep[i])
        keep = keep.at[i].set(new_val)
        return keep, new_val

    keep, _ = jax.lax.scan(step, valid, idxs)
    final_scores = jnp.where(keep > 0, s, -1.0)
    top_s, top_i = jax.lax.top_k(final_scores, DET_PER_IMG)
    top_boxes = jnp.take(b, top_i, axis=0)
    out = jnp.concatenate([top_boxes, top_s[:, None]], axis=1)  # [DET_PER_IMG, 5]
    return out

if __name__ == "__main__":
    import jax
    _d = setup_inputs()
    print(jax.jit(kernel)(*tuple(_d.values())))

</pallas_src>

<mosaic_0001>
#map = affine_map<(d0, d1) -> (0)>
module attributes {stable_mosaic.version = 14 : i64} {
  func.func @_nms_body(%arg0: i32, %arg1: i32, %arg2: memref<5120xf32, #tpu.memory_space<hbm>>, %arg3: memref<5120xf32, #tpu.memory_space<hbm>>, %arg4: memref<5120xf32, #tpu.memory_space<hbm>>, %arg5: memref<5120xf32, #tpu.memory_space<hbm>>, %arg6: memref<5120xf32, #tpu.memory_space<hbm>>, %arg7: memref<1600xf32, #tpu.memory_space<hbm>>, %arg8: memref<320xf32, #tpu.memory_space<vmem>>, %arg9: memref<320xf32, #tpu.memory_space<vmem>>, %arg10: memref<320xf32, #tpu.memory_space<vmem>>, %arg11: memref<320xf32, #tpu.memory_space<vmem>>, %arg12: memref<320xf32, #tpu.memory_space<vmem>>, %arg13: memref<320xf32, #tpu.memory_space<vmem>>, %arg14: memref<320xf32, #tpu.memory_space<vmem>>, %arg15: memref<16xf32, #tpu.memory_space<vmem>>, %arg16: memref<256xf32, #tpu.memory_space<vmem>>, %arg17: memref<1600xf32, #tpu.memory_space<vmem>>, %arg18: memref<512xf32, #tpu.memory_space<vmem_shared>>) attributes {dimension_semantics = [#tpu.dimension_semantics<core_parallel>, #tpu.dimension_semantics<subcore_parallel>], iteration_bounds = array<i64: 2, 16>, scalar_prefetch = 0 : i64, scratch_operands = 11 : i64, tpu.core_type = #tpu.core_type<sc_vector_subcore>, window_params = [{transform_indices = #map}, {transform_indices = #map}, {transform_indices = #map}, {transform_indices = #map}, {transform_indices = #map}, {transform_indices = #map}]} {
    %mul3A = arith.constant 320 : i32
    %mul3A_0 = arith.muli %arg1, %mul3A : i32
    "tpu.region"() ({
      %run_scoped3A = tpu.sem_alloc : memref<!tpu.dma_semaphore, #tpu.memory_space<semaphore_mem>>
      %dma_start3A = tpu.memref_slice %arg2[%mul3A_0] : memref<5120xf32, #tpu.memory_space<hbm>> -> memref<320xf32, #tpu.memory_space<hbm>>
      %dma_start3A_618 = tpu.memref_slice %arg2[%mul3A_0] : memref<5120xf32, #tpu.memory_space<hbm>> -> memref<320xf32, #tpu.memory_space<hbm>>
      tpu.enqueue_dma source(%dma_start3A_618 : memref<320xf32, #tpu.memory_space<hbm>>) target(%arg8 : memref<320xf32, #tpu.memory_space<vmem>>) target_semaphore(%run_scoped3A : memref<!tpu.dma_semaphore, #tpu.memory_space<semaphore_mem>>)
      %dma_wait3A = tpu.memref_slice %arg2[%mul3A_0] : memref<5120xf32, #tpu.memory_space<hbm>> -> memref<320xf32, #tpu.memory_space<hbm>>
      %dma_wait3A_619 = tpu.memref_slice %arg2[%mul3A_0] : memref<5120xf32, #tpu.memory_space<hbm>> -> memref<320xf32, #tpu.memory_space<hbm>>
      tpu.wait_dma2 semaphore(%run_scoped3A : memref<!tpu.dma_semaphore, #tpu.memory_space<semaphore_mem>>) src(%dma_wait3A_619 : memref<320xf32, #tpu.memory_space<hbm>>) dst(%arg8 : memref<320xf32, #tpu.memory_space<vmem>>)
      tpu.yield
    }) : () -> ()
    "tpu.region"() ({
      %run_scoped3A = tpu.sem_alloc : memref<!tpu.dma_semaphore, #tpu.memory_space<semaphore_mem>>
      %dma_start3A = tpu.memref_slice %arg3[%mul3A_0] : memref<5120xf32, #tpu.memory_space<hbm>> -> memref<320xf32, #tpu.memory_space<hbm>>
      %dma_start3A_618 = tpu.memref_slice %arg3[%mul3A_0] : memref<5120xf32, #tpu.memory_space<hbm>> -> memref<320xf32, #tpu.memory_space<hbm>>
      tpu.enqueue_dma source(%dma_start3A_618 : memref<320xf32, #tpu.memory_space<hbm>>) target(%arg9 : memref<320xf32, #tpu.memory_space<vmem>>) target_semaphore(%run_scoped3A : memref<!tpu.dma_semaphore, #tpu.memory_space<semaphore_mem>>)
      %dma_wait3A = tpu.memref_slice %arg3[%mul3A_0] : memref<5120xf32, #tpu.memory_space<hbm>> -> memref<320xf32, #tpu.memory_space<hbm>>
      %dma_wait3A_619 = tpu.memref_slice %arg3[%mul3A_0] : memref<5120xf32, #tpu.memory_space<hbm>> -> memref<320xf32, #tpu.memory_space<hbm>>
      tpu.wait_dma2 semaphore(%run_scoped3A : memref<!tpu.dma_semaphore, #tpu.memory_space<semaphore_mem>>) src(%dma_wait3A_619 : memref<320xf32, #tpu.memory_space<hbm>>) dst(%arg9 : memref<320xf32, #tpu.memory_space<vmem>>)
      tpu.yield
    }) : () -> ()
    "tpu.region"() ({
      %run_scoped3A = tpu.sem_alloc : memref<!tpu.dma_semaphore, #tpu.memory_space<semaphore_mem>>
      %dma_start3A = tpu.memref_slice %arg4[%mul3A_0] : memref<5120xf32, #tpu.memory_space<hbm>> -> memref<320xf32, #tpu.memory_space<hbm>>
      %dma_start3A_618 = tpu.memref_slice %arg4[%mul3A_0] : memref<5120xf32, #tpu.memory_space<hbm>> -> memref<320xf32, #tpu.memory_space<hbm>>
      tpu.enqueue_dma source(%dma_start3A_618 : memref<320xf32, #tpu.memory_space<hbm>>) target(%arg10 : memref<320xf32, #tpu.memory_space<vmem>>) target_semaphore(%run_scoped3A : memref<!tpu.dma_semaphore, #tpu.memory_space<semaphore_mem>>)
      %dma_wait3A = tpu.memref_slice %arg4[%mul3A_0] : memref<5120xf32, #tpu.memory_space<hbm>> -> memref<320xf32, #tpu.memory_space<hbm>>
      %dma_wait3A_619 = tpu.memref_slice %arg4[%mul3A_0] : memref<5120xf32, #tpu.memory_space<hbm>> -> memref<320xf32, #tpu.memory_space<hbm>>
      tpu.wait_dma2 semaphore(%run_scoped3A : memref<!tpu.dma_semaphore, #tpu.memory_space<semaphore_mem>>) src(%dma_wait3A_619 : memref<320xf32, #tpu.memory_space<hbm>>) dst(%arg10 : memref<320xf32, #tpu.memory_space<vmem>>)
      tpu.yield
    }) : () -> ()
    "tpu.region"() ({
      %run_scoped3A = tpu.sem_alloc : memref<!tpu.dma_semaphore, #tpu.memory_space<semaphore_mem>>
      %dma_start3A = tpu.memref_slice %arg5[%mul3A_0] : memref<5120xf32, #tpu.memory_space<hbm>> -> memref<320xf32, #tpu.memory_space<hbm>>
      %dma_start3A_618 = tpu.memref_slice %arg5[%mul3A_0] : memref<5120xf32, #tpu.memory_space<hbm>> -> memref<320xf32, #tpu.memory_space<hbm>>
      tpu.enqueue_dma source(%dma_start3A_618 : memref<320xf32, #tpu.memory_space<hbm>>) target(%arg11 : memref<320xf32, #tpu.memory_space<vmem>>) target_semaphore(%run_scoped3A : memref<!tpu.dma_semaphore, #tpu.memory_space<semaphore_mem>>)
      %dma_wait3A = tpu.memref_slice %arg5[%mul3A_0] : memref<5120xf32, #tpu.memory_space<hbm>> -> memref<320xf32, #tpu.memory_space<hbm>>
      %dma_wait3A_619 = tpu.memref_slice %arg5[%mul3A_0] : memref<5120xf32, #tpu.memory_space<hbm>> -> memref<320xf32, #tpu.memory_space<hbm>>
      tpu.wait_dma2 semaphore(%run_scoped3A : memref<!tpu.dma_semaphore, #tpu.memory_space<semaphore_mem>>) src(%dma_wait3A_619 : memref<320xf32, #tpu.memory_space<hbm>>) dst(%arg11 : memref<320xf32, #tpu.memory_space<vmem>>)
      tpu.yield
    }) : () -> ()
    "tpu.region"() ({
      %run_scoped3A = tpu.sem_alloc : memref<!tpu.dma_semaphore, #tpu.memory_space<semaphore_mem>>
      %dma_start3A = tpu.memref_slice %arg6[%mul3A_0] : memref<5120xf32, #tpu.memory_space<hbm>> -> memref<320xf32, #tpu.memory_space<hbm>>
      %dma_start3A_618 = tpu.memref_slice %arg6[%mul3A_0] : memref<5120xf32, #tpu.memory_space<hbm>> -> memref<320xf32, #tpu.memory_space<hbm>>
      tpu.enqueue_dma source(%dma_start3A_618 : memref<320xf32, #tpu.memory_space<hbm>>) target(%arg12 : memref<320xf32, #tpu.memory_space<vmem>>) target_semaphore(%run_scoped3A : memref<!tpu.dma_semaphore, #tpu.memory_space<semaphore_mem>>)
      %dma_wait3A = tpu.memref_slice %arg6[%mul3A_0] : memref<5120xf32, #tpu.memory_space<hbm>> -> memref<320xf32, #tpu.memory_space<hbm>>
      %dma_wait3A_619 = tpu.memref_slice %arg6[%mul3A_0] : memref<5120xf32, #tpu.memory_space<hbm>> -> memref<320xf32, #tpu.memory_space<hbm>>
      tpu.wait_dma2 semaphore(%run_scoped3A : memref<!tpu.dma_semaphore, #tpu.memory_space<semaphore_mem>>) src(%dma_wait3A_619 : memref<320xf32, #tpu.memory_space<hbm>>) dst(%arg12 : memref<320xf32, #tpu.memory_space<vmem>>)
      tpu.yield
    }) : () -> ()
    %broadcast_in_dim3A = arith.constant 1.000000e+00 : f32
    %broadcast_in_dim3A_1 = vector.broadcast %broadcast_in_dim3A : f32 to vector<16xf32>
    %broadcast_in_dim3A_2 = arith.constant 0.000000e+00 : f32
    %broadcast_in_dim3A_3 = vector.broadcast %broadcast_in_dim3A_2 : f32 to vector<16xf32>
    %iota3A = tpu.iota {dimensions = array<i32: 0>} : vector<16xi32>
    %scan3A = arith.constant 0 : i32
    %scan3A_4 = arith.constant 0 : i32
    %scan3A_5 = arith.constant 20 : i32
    %scan3A_6 = arith.addi %scan3A_4, %scan3A_5 : i32
    %scan3A_7 = arith.constant 1 : i32
    scf.for %scan3A_618 = %scan3A_4 to %scan3A_6 step %scan3A_7  : i32 {
      %mul3A_619 = arith.constant 16 : i32
      %mul3A_620 = arith.muli %scan3A_618, %mul3A_619 : i32
      %swap3A = arith.index_cast %mul3A_620 : i32 to index
      %swap3A_621 = tpu.vector_load %arg13[%swap3A] {strides = array<i32>} : memref<320xf32, #tpu.memory_space<vmem>>, vector<16xf32>,
      tpu.vector_store %arg13[%swap3A], %broadcast_in_dim3A_1 {strides = array<i32>} : memref<320xf32, #tpu.memory_space<vmem>>, vector<16xf32>,
      %mul3A_622 = arith.constant 16 : i32
      %mul3A_623 = arith.muli %scan3A_618, %mul3A_622 : i32
      %swap3A_624 = arith.index_cast %mul3A_623 : i32 to index
      %swap3A_625 = tpu.vector_load %arg14[%swap3A_624] {strides = array<i32>} : memref<320xf32, #tpu.memory_space<vmem>>, vector<16xf32>,
      tpu.vector_store %arg14[%swap3A_624], %broadcast_in_dim3A_3 {strides = array<i32>} : memref<320xf32, #tpu.memory_space<vmem>>, vector<16xf32>,
    }
    %scan3A_8 = arith.constant 20 : i32
    %broadcast_in_dim3A_9 = arith.constant -3.000000e+09 : f32
    %broadcast_in_dim3A_10 = vector.broadcast %broadcast_in_dim3A_9 : f32 to vector<16xf32>
    %broadcast_in_dim3A_11 = arith.constant 0 : i32
    %broadcast_in_dim3A_12 = vector.broadcast %broadcast_in_dim3A_11 : i32 to vector<16xi32>
    %get3A = arith.constant 0 : index
    %get3A_13 = tpu.vector_load %arg12[%get3A] {strides = array<i32>} : memref<320xf32, #tpu.memory_space<vmem>>, vector<16xf32>,
    %get3A_14 = arith.constant 0 : index
    %get3A_15 = tpu.vector_load %arg13[%get3A_14] {strides = array<i32>} : memref<320xf32, #tpu.memory_space<vmem>>, vector<16xf32>,
    %get3A_16 = arith.constant 0 : index
    %get3A_17 = tpu.vector_load %arg14[%get3A_16] {strides = array<i32>} : memref<320xf32, #tpu.memory_space<vmem>>, vector<16xf32>,
    %gt3A = arith.constant 5.000000e-01 : f32
    %gt3A_18 = vector.broadcast %gt3A : f32 to vector<16xf32>
    %gt3A_19 = arith.cmpf ogt, %get3A_15, %gt3A_18 : vector<16xf32>
    %gt3A_20 = arith.constant 5.000000e-02 : f32
    %gt3A_21 = vector.broadcast %gt3A_20 : f32 to vector<16xf32>
    %gt3A_22 = arith.cmpf ogt, %get3A_13, %gt3A_21 : vector<16xf32>
    %and3A = arith.andi %gt3A_19, %gt3A_22 : vector<16xi1>
    %add3A = arith.constant 2.000000e+00 : f32
    %add3A_23 = vector.broadcast %add3A : f32 to vector<16xf32>
    %add3A_24 = arith.addf %get3A_13, %add3A_23 : vector<16xf32>
    %gt3A_25 = arith.constant 5.000000e-01 : f32
    %gt3A_26 = vector.broadcast %gt3A_25 : f32 to vector<16xf32>
    %gt3A_27 = arith.cmpf ogt, %get3A_17, %gt3A_26 : vector<16xf32>
    %jit3A = arith.constant -1.000000e+09 : f32
    %broadcast_in_dim3A_28 = vector.broadcast %jit3A : f32 to vector<16xf32>
    %select_n3A = arith.select %gt3A_27, %broadcast_in_dim3A_28, %get3A_13 : vector<16xi1>, vector<16xf32>
    %select_n3A_29 = arith.select %and3A, %add3A_24, %select_n3A : vector<16xi1>, vector<16xf32>
    %add3A_30 = arith.constant 0 : i32
    %add3A_31 = arith.addi %mul3A_0, %add3A_30 : i32
    %add3A_32 = vector.broadcast %add3A_31 : i32 to vector<16xi32>
    %add3A_33 = arith.addi %add3A_32, %iota3A : vector<16xi32>
    %gt3A_34 = arith.cmpf ogt, %select_n3A_29, %broadcast_in_dim3A_10 : vector<16xf32>
    %select_n3A_35 = arith.select %gt3A_34, %select_n3A_29, %broadcast_in_dim3A_10 : vector<16xi1>, vector<16xf32>
    %select_n3A_36 = arith.select %gt3A_34, %add3A_33, %broadcast_in_dim3A_12 : vector<16xi1>, vector<16xi32>
    %get3A_37 = arith.constant 16 : index
    %get3A_38 = tpu.vector_load %arg12[%get3A_37] {strides = array<i32>} : memref<320xf32, #tpu.memory_space<vmem>>, vector<16xf32>,
    %get3A_39 = arith.constant 16 : index
    %get3A_40 = tpu.vector_load %arg13[%get3A_39] {strides = array<i32>} : memref<320xf32, #tpu.memory_space<vmem>>, vector<16xf32>,
    %get3A_41 = arith.constant 16 : index
    %get3A_42 = tpu.vector_load %arg14[%get3A_41] {strides = array<i32>} : memref<320xf32, #tpu.memory_space<vmem>>, vector<16xf32>,
    %gt3A_43 = arith.constant 5.000000e-01 : f32
    %gt3A_44 = vector.broadcast %gt3A_43 : f32 to vector<16xf32>
    %gt3A_45 = arith.cmpf ogt, %get3A_40, %gt3A_44 : vector<16xf32>
    %gt3A_46 = arith.constant 5.000000e-02 : f32
    %gt3A_47 = vector.broadcast %gt3A_46 : f32 to vector<16xf32>
    %gt3A_48 = arith.cmpf ogt, %get3A_38, %gt3A_47 : vector<16xf32>
    %and3A_49 = arith.andi %gt3A_45, %gt3A_48 : vector<16xi1>
    %add3A_50 = arith.constant 2.000000e+00 : f32
    %add3A_51 = vector.broadcast %add3A_50 : f32 to vector<16xf32>
    %add3A_52 = arith.addf %get3A_38, %add3A_51 : vector<16xf32>
    %gt3A_53 = arith.constant 5.000000e-01 : f32
    %gt3A_54 = vector.broadcast %gt3A_53 : f32 to vector<16xf32>
    %gt3A_55 = arith.cmpf ogt, %get3A_42, %gt3A_54 : vector<16xf32>
    %jit3A_56 = arith.constant -1.000000e+09 : f32
    %broadcast_in_dim3A_57 = vector.broadcast %jit3A_56 : f32 to vector<16xf32>
    %select_n3A_58 = arith.select %gt3A_55, %broadcast_in_dim3A_57, %get3A_38 : vector<16xi1>, vector<16xf32>
    %select_n3A_59 = arith.select %and3A_49, %add3A_52, %select_n3A_58 : vector<16xi1>, vector<16xf32>
    %add3A_60 = arith.constant 16 : i32
    %add3A_61 = arith.addi %mul3A_0, %add3A_60 : i32
    %add3A_62 = vector.broadcast %add3A_61 : i32 to vector<16xi32>
    %add3A_63 = arith.addi %add3A_62, %iota3A : vector<16xi32>
    %gt3A_64 = arith.cmpf ogt, %select_n3A_59, %select_n3A_35 : vector<16xf32>
    %select_n3A_65 = arith.select %gt3A_64, %select_n3A_59, %select_n3A_35 : vector<16xi1>, vector<16xf32>
    %select_n3A_66 = arith.select %gt3A_64, %add3A_63, %select_n3A_36 : vector<16xi1>, vector<16xi32>
    %get3A_67 = arith.constant 32 : index
    %get3A_68 = tpu.vector_load %arg12[%get3A_67] {strides = array<i32>} : memref<320xf32, #tpu.memory_space<vmem>>, vector<16xf32>,
    %get3A_69 = arith.constant 32 : index
    %get3A_70 = tpu.vector_load %arg13[%get3A_69] {strides = array<i32>} : memref<320xf32, #tpu.memory_space<vmem>>, vector<16xf32>,
    %get3A_71 = arith.constant 32 : index
    %get3A_72 = tpu.vector_load %arg14[%get3A_71] {strides = array<i32>} : memref<320xf32, #tpu.memory_space<vmem>>, vector<16xf32>,
    %gt3A_73 = arith.constant 5.000000e-01 : f32
    %gt3A_74 = vector.broadcast %gt3A_73 : f32 to vector<16xf32>
    %gt3A_75 = arith.cmpf ogt, %get3A_70, %gt3A_74 : vector<16xf32>
    %gt3A_76 = arith.constant 5.000000e-02 : f32
    %gt3A_77 = vector.broadcast %gt3A_76 : f32 to vector<16xf32>
    %gt3A_78 = arith.cmpf ogt, %get3A_68, %gt3A_77 : vector<16xf32>
    %and3A_79 = arith.andi %gt3A_75, %gt3A_78 : vector<16xi1>
    %add3A_80 = arith.constant 2.000000e+00 : f32
    %add3A_81 = vector.broadcast %add3A_80 : f32 to vector<16xf32>
    %add3A_82 = arith.addf %get3A_68, %add3A_81 : vector<16xf32>
    %gt3A_83 = arith.constant 5.000000e-01 : f32
    %gt3A_84 = vector.broadcast %gt3A_83 : f32 to vector<16xf32>
    %gt3A_85 = arith.cmpf ogt, %get3A_72, %gt3A_84 : vector<16xf32>
    %jit3A_86 = arith.constant -1.000000e+09 : f32
    %broadcast_in_dim3A_87 = vector.broadcast %jit3A_86 : f32 to vector<16xf32>
    %select_n3A_88 = arith.select %gt3A_85, %broadcast_in_dim3A_87, %get3A_68 : vector<16xi1>, vector<16xf32>
    %select_n3A_89 = arith.select %and3A_79, %add3A_82, %select_n3A_88 : vector<16xi1>, vector<16xf32>
    %add3A_90 = arith.constant 32 : i32
    %add3A_91 = arith.addi %mul3A_0, %add3A_90 : i32
    %add3A_92 = vector.broadcast %add3A_91 : i32 to vector<16xi32>
    %add3A_93 = arith.addi %add3A_92, %iota3A : vector<16xi32>
    %gt3A_94 = arith.cmpf ogt, %select_n3A_89, %select_n3A_65 : vector<16xf32>
    %select_n3A_95 = arith.select %gt3A_94, %select_n3A_89, %select_n3A_65 : vector<16xi1>, vector<16xf32>
    %select_n3A_96 = arith.select %gt3A_94, %add3A_93, %select_n3A_66 : vector<16xi1>, vector<16xi32>
    %get3A_97 = arith.constant 48 : index
    %get3A_98 = tpu.vector_load %arg12[%get3A_97] {strides = array<i32>} : memref<320xf32, #tpu.memory_space<vmem>>, vector<16xf32>,
    %get3A_99 = arith.constant 48 : index
    %get3A_100 = tpu.vector_load %arg13[%get3A_99] {strides = array<i32>} : memref<320xf32, #tpu.memory_space<vmem>>, vector<16xf32>,
    %get3A_101 = arith.constant 48 : index
    %get3A_102 = tpu.vector_load %arg14[%get3A_101] {strides = array<i32>} : memref<320xf32, #tpu.memory_space<vmem>>, vector<16xf32>,
    %gt3A_103 = arith.constant 5.000000e-01 : f32
    %gt3A_104 = vector.broadcast %gt3A_103 : f32 to vector<16xf32>
    %gt3A_105 = arith.cmpf ogt, %get3A_100, %gt3A_104 : vector<16xf32>
    %gt3A_106 = arith.constant 5.000000e-02 : f32
    %gt3A_107 = vector.broadcast %gt3A_106 : f32 to vector<16xf32>
    %gt3A_108 = arith.cmpf ogt, %get3A_98, %gt3A_107 : vector<16xf32>
    %and3A_109 = arith.andi %gt3A_105, %gt3A_108 : vector<16xi1>
    %add3A_110 = arith.constant 2.000000e+00 : f32
    %add3A_111 = vector.broadcast %add3A_110 : f32 to vector<16xf32>
    %add3A_112 = arith.addf %get3A_98, %add3A_111 : vector<16xf32>
    %gt3A_113 = arith.constant 5.000000e-01 : f32
    %gt3A_114 = vector.broadcast %gt3A_113 : f32 to vector<16xf32>
    %gt3A_115 = arith.cmpf ogt, %get3A_102, %gt3A_114 : vector<16xf32>
    %jit3A_116 = arith.constant -1.000000e+09 : f32
    %broadcast_in_dim3A_117 = vector.broadcast %jit3A_116 : f32 to vector<16xf32>
    %select_n3A_118 = arith.select %gt3A_115, %broadcast_in_dim3A_117, %get3A_98 : vector<16xi1>, vector<16xf32>
    %select_n3A_119 = arith.select %and3A_109, %add3A_112, %select_n3A_118 : vector<16xi1>, vector<16xf32>
    %add3A_120 = arith.constant 48 : i32
    %add3A_121 = arith.addi %mul3A_0, %add3A_120 : i32
    %add3A_122 = vector.broadcast %add3A_121 : i32 to vector<16xi32>
    %add3A_123 = arith.addi %add3A_122, %iota3A : vector<16xi32>
    %gt3A_124 = arith.cmpf ogt, %select_n3A_119, %select_n3A_95 : vector<16xf32>
    %select_n3A_125 = arith.select %gt3A_124, %select_n3A_119, %select_n3A_95 : vector<16xi1>, vector<16xf32>
    %select_n3A_126 = arith.select %gt3A_124, %add3A_123, %select_n3A_96 : vector<16xi1>, vector<16xi32>
    %get3A_127 = arith.constant 64 : index
    %get3A_128 = tpu.vector_load %arg12[%get3A_127] {strides = array<i32>} : memref<320xf32, #tpu.memory_space<vmem>>, vector<16xf32>,
    %get3A_129 = arith.constant 64 : index
    %get3A_130 = tpu.vector_load %arg13[%get3A_129] {strides = array<i32>} : memref<320xf32, #tpu.memory_space<vmem>>, vector<16xf32>,
    %get3A_131 = arith.constant 64 : index
    %get3A_132 = tpu.vector_load %arg14[%get3A_131] {strides = array<i32>} : memref<320xf32, #tpu.memory_space<vmem>>, vector<16xf32>,
    %gt3A_133 = arith.constant 5.000000e-01 : f32
    %gt3A_134 = vector.broadcast %gt3A_133 : f32 to vector<16xf32>
    %gt3A_135 = arith.cmpf ogt, %get3A_130, %gt3A_134 : vector<16xf32>
    %gt3A_136 = arith.constant 5.000000e-02 : f32
    %gt3A_137 = vector.broadcast %gt3A_136 : f32 to vector<16xf32>
    %gt3A_138 = arith.cmpf ogt, %get3A_128, %gt3A_137 : vector<16xf32>
    %and3A_139 = arith.andi %gt3A_135, %gt3A_138 : vector<16xi1>
    %add3A_140 = arith.constant 2.000000e+00 : f32
    %add3A_141 = vector.broadcast %add3A_140 : f32 to vector<16xf32>
    %add3A_142 = arith.addf %get3A_128, %add3A_141 : vector<16xf32>
    %gt3A_143 = arith.constant 5.000000e-01 : f32
    %gt3A_144 = vector.broadcast %gt3A_143 : f32 to vector<16xf32>
    %gt3A_145 = arith.cmpf ogt, %get3A_132, %gt3A_144 : vector<16xf32>
    %jit3A_146 = arith.constant -1.000000e+09 : f32
    %broadcast_in_dim3A_147 = vector.broadcast %jit3A_146 : f32 to vector<16xf32>
    %select_n3A_148 = arith.select %gt3A_145, %broadcast_in_dim3A_147, %get3A_128 : vector<16xi1>, vector<16xf32>
    %select_n3A_149 = arith.select %and3A_139, %add3A_142, %select_n3A_148 : vector<16xi1>, vector<16xf32>
    %add3A_150 = arith.constant 64 : i32
    %add3A_151 = arith.addi %mul3A_0, %add3A_150 : i32
    %add3A_152 = vector.broadcast %add3A_151 : i32 to vector<16xi32>
    %add3A_153 = arith.addi %add3A_152, %iota3A : vector<16xi32>
    %gt3A_154 = arith.cmpf ogt, %select_n3A_149, %select_n3A_125 : vector<16xf32>
    %select_n3A_155 = arith.select %gt3A_154, %select_n3A_149, %select_n3A_125 : vector<16xi1>, vector<16xf32>
    %select_n3A_156 = arith.select %gt3A_154, %add3A_153, %select_n3A_126 : vector<16xi1>, vector<16xi32>
    %get3A_157 = arith.constant 80 : index
    %get3A_158 = tpu.vector_load %arg12[%get3A_157] {strides = array<i32>} : memref<320xf32, #tpu.memory_space<vmem>>, vector<16xf32>,
    %get3A_159 = arith.constant 80 : index
    %get3A_160 = tpu.vector_load %arg13[%get3A_159] {strides = array<i32>} : memref<320xf32, #tpu.memory_space<vmem>>, vector<16xf32>,
    %get3A_161 = arith.constant 80 : index
    %get3A_162 = tpu.vector_load %arg14[%get3A_161] {strides = array<i32>} : memref<320xf32, #tpu.memory_space<vmem>>, vector<16xf32>,
    %gt3A_163 = arith.constant 5.000000e-01 : f32
    %gt3A_164 = vector.broadcast %gt3A_163 : f32 to vector<16xf32>
    %gt3A_165 = arith.cmpf ogt, %get3A_160, %gt3A_164 : vector<16xf32>
    %gt3A_166 = arith.constant 5.000000e-02 : f32
    %gt3A_167 = vector.broadcast %gt3A_166 : f32 to vector<16xf32>
    %gt3A_168 = arith.cmpf ogt, %get3A_158, %gt3A_167 : vector<16xf32>
    %and3A_169 = arith.andi %gt3A_165, %gt3A_168 : vector<16xi1>
    %add3A_170 = arith.constant 2.000000e+00 : f32
    %add3A_171 = vector.broadcast %add3A_170 : f32 to vector<16xf32>
    %add3A_172 = arith.addf %get3A_158, %add3A_171 : vector<16xf32>
    %gt3A_173 = arith.constant 5.000000e-01 : f32
    %gt3A_174 = vector.broadcast %gt3A_173 : f32 to vector<16xf32>
    %gt3A_175 = arith.cmpf ogt, %get3A_162, %gt3A_174 : vector<16xf32>
    %jit3A_176 = arith.constant -1.000000e+09 : f32
    %broadcast_in_dim3A_177 = vector.broadcast %jit3A_176 : f32 to vector<16xf32>
    %select_n3A_178 = arith.select %gt3A_175, %broadcast_in_dim3A_177, %get3A_158 : vector<16xi1>, vector<16xf32>
    %select_n3A_179 = arith.select %and3A_169, %add3A_172, %select_n3A_178 : vector<16xi1>, vector<16xf32>
    %add3A_180 = arith.constant 80 : i32
    %add3A_181 = arith.addi %mul3A_0, %add3A_180 : i32
    %add3A_182 = vector.broadcast %add3A_181 : i32 to vector<16xi32>
    %add3A_183 = arith.addi %add3A_182, %iota3A : vector<16xi32>
    %gt3A_184 = arith.cmpf ogt, %select_n3A_179, %select_n3A_155 : vector<16xf32>
    %select_n3A_185 = arith.select %gt3A_184, %select_n3A_179, %select_n3A_155 : vector<16xi1>, vector<16xf32>
    %select_n3A_186 = arith.select %gt3A_184, %add3A_183, %select_n3A_156 : vector<16xi1>, vector<16xi32>
    %get3A_187 = arith.constant 96 : index
    %get3A_188 = tpu.vector_load %arg12[%get3A_187] {strides = array<i32>} : memref<320xf32, #tpu.memory_space<vmem>>, vector<16xf32>,
    %get3A_189 = arith.constant 96 : index
    %get3A_190 = tpu.vector_load %arg13[%get3A_189] {strides = array<i32>} : memref<320xf32, #tpu.memory_space<vmem>>, vector<16xf32>,
    %get3A_191 = arith.constant 96 : index
    %get3A_192 = tpu.vector_load %arg14[%get3A_191] {strides = array<i32>} : memref<320xf32, #tpu.memory_space<vmem>>, vector<16xf32>,
    %gt3A_193 = arith.constant 5.000000e-01 : f32
    %gt3A_194 = vector.broadcast %gt3A_193 : f32 to vector<16xf32>
    %gt3A_195 = arith.cmpf ogt, %get3A_190, %gt3A_194 : vector<16xf32>
    %gt3A_196 = arith.constant 5.000000e-02 : f32
    %gt3A_197 = vector.broadcast %gt3A_196 : f32 to vector<16xf32>
    %gt3A_198 = arith.cmpf ogt, %get3A_188, %gt3A_197 : vector<16xf32>
    %and3A_199 = arith.andi %gt3A_195, %gt3A_198 : vector<16xi1>
    %add3A_200 = arith.constant 2.000000e+00 : f32
    %add3A_201 = vector.broadcast %add3A_200 : f32 to vector<16xf32>
    %add3A_202 = arith.addf %get3A_188, %add3A_201 : vector<16xf32>
    %gt3A_203 = arith.constant 5.000000e-01 : f32
    %gt3A_204 = vector.broadcast %gt3A_203 : f32 to vector<16xf32>
    %gt3A_205 = arith.cmpf ogt, %get3A_192, %gt3A_204 : vector<16xf32>
    %jit3A_206 = arith.constant -1.000000e+09 : f32
    %broadcast_in_dim3A_207 = vector.broadcast %jit3A_206 : f32 to vector<16xf32>
    %select_n3A_208 = arith.select %gt3A_205, %broadcast_in_dim3A_207, %get3A_188 : vector<16xi1>, vector<16xf32>
    %select_n3A_209 = arith.select %and3A_199, %add3A_202, %select_n3A_208 : vector<16xi1>, vector<16xf32>
    %add3A_210 = arith.constant 96 : i32
    %add3A_211 = arith.addi %mul3A_0, %add3A_210 : i32
    %add3A_212 = vector.broadcast %add3A_211 : i32 to vector<16xi32>
    %add3A_213 = arith.addi %add3A_212, %iota3A : vector<16xi32>
    %gt3A_214 = arith.cmpf ogt, %select_n3A_209, %select_n3A_185 : vector<16xf32>
    %select_n3A_215 = arith.select %gt3A_214, %select_n3A_209, %select_n3A_185 : vector<16xi1>, vector<16xf32>
    %select_n3A_216 = arith.select %gt3A_214, %add3A_213, %select_n3A_186 : vector<16xi1>, vector<16xi32>
    %get3A_217 = arith.constant 112 : index
    %get3A_218 = tpu.vector_load %arg12[%get3A_217] {strides = array<i32>} : memref<320xf32, #tpu.memory_space<vmem>>, vector<16xf32>,
    %get3A_219 = arith.constant 112 : index
    %get3A_220 = tpu.vector_load %arg13[%get3A_219] {strides = array<i32>} : memref<320xf32, #tpu.memory_space<vmem>>, vector<16xf32>,
    %get3A_221 = arith.constant 112 : index
    %get3A_222 = tpu.vector_load %arg14[%get3A_221] {strides = array<i32>} : memref<320xf32, #tpu.memory_space<vmem>>, vector<16xf32>,
    %gt3A_223 = arith.constant 5.000000e-01 : f32
    %gt3A_224 = vector.broadcast %gt3A_223 : f32 to vector<16xf32>
    %gt3A_225 = arith.cmpf ogt, %get3A_220, %gt3A_224 : vector<16xf32>
    %gt3A_226 = arith.constant 5.000000e-02 : f32
    %gt3A_227 = vector.broadcast %gt3A_226 : f32 to vector<16xf32>
    %gt3A_228 = arith.cmpf ogt, %get3A_218, %gt3A_227 : vector<16xf32>
    %and3A_229 = arith.andi %gt3A_225, %gt3A_228 : vector<16xi1>
    %add3A_230 = arith.constant 2.000000e+00 : f32
    %add3A_231 = vector.broadcast %add3A_230 : f32 to vector<16xf32>
    %add3A_232 = arith.addf %get3A_218, %add3A_231 : vector<16xf32>
    %gt3A_233 = arith.constant 5.000000e-01 : f32
    %gt3A_234 = vector.broadcast %gt3A_233 : f32 to vector<16xf32>
    %gt3A_235 = arith.cmpf ogt, %get3A_222, %gt3A_234 : vector<16xf32>
    %jit3A_236 = arith.constant -1.000000e+09 : f32
    %broadcast_in_dim3A_237 = vector.broadcast %jit3A_236 : f32 to vector<16xf32>
    %select_n3A_238 = arith.select %gt3A_235, %broadcast_in_dim3A_237, %get3A_218 : vector<16xi1>, vector<16xf32>
    %select_n3A_239 = arith.select %and3A_229, %add3A_232, %select_n3A_238 : vector<16xi1>, vector<16xf32>
    %add3A_240 = arith.constant 112 : i32
    %add3A_241 = arith.addi %mul3A_0, %add3A_240 : i32
    %add3A_242 = vector.broadcast %add3A_241 : i32 to vector<16xi32>
    %add3A_243 = arith.addi %add3A_242, %iota3A : vector<16xi32>
    %gt3A_244 = arith.cmpf ogt, %select_n3A_239, %select_n3A_215 : vector<16xf32>
    %select_n3A_245 = arith.select %gt3A_244, %select_n3A_239, %select_n3A_215 : vector<16xi1>, vector<16xf32>
    %select_n3A_246 = arith.select %gt3A_244, %add3A_243, %select_n3A_216 : vector<16xi1>, vector<16xi32>
    %get3A_247 = arith.constant 128 : index
    %get3A_248 = tpu.vector_load %arg12[%get3A_247] {strides = array<i32>} : memref<320xf32, #tpu.memory_space<vmem>>, vector<16xf32>,
    %get3A_249 = arith.constant 128 : index
    %get3A_250 = tpu.vector_load %arg13[%get3A_249] {strides = array<i32>} : memref<320xf32, #tpu.memory_space<vmem>>, vector<16xf32>,
    %get3A_251 = arith.constant 128 : index
    %get3A_252 = tpu.vector_load %arg14[%get3A_251] {strides = array<i32>} : memref<320xf32, #tpu.memory_space<vmem>>, vector<16xf32>,
    %gt3A_253 = arith.constant 5.000000e-01 : f32
    %gt3A_254 = vector.broadcast %gt3A_253 : f32 to vector<16xf32>
    %gt3A_255 = arith.cmpf ogt, %get3A_250, %gt3A_254 : vector<16xf32>
    %gt3A_256 = arith.constant 5.000000e-02 : f32
    %gt3A_257 = vector.broadcast %gt3A_256 : f32 to vector<16xf32>
    %gt3A_258 = arith.cmpf ogt, %get3A_248, %gt3A_257 : vector<16xf32>
    %and3A_259 = arith.andi %gt3A_255, %gt3A_258 : vector<16xi1>
    %add3A_260 = arith.constant 2.000000e+00 : f32
    %add3A_261 = vector.broadcast %add3A_260 : f32 to vector<16xf32>
    %add3A_262 = arith.addf %get3A_248, %add3A_261 : vector<16xf32>
    %gt3A_263 = arith.constant 5.000000e-01 : f32
    %gt3A_264 = vector.broadcast %gt3A_263 : f32 to vector<16xf32>
    %gt3A_265 = arith.cmpf ogt, %get3A_252, %gt3A_264 : vector<16xf32>
    %jit3A_266 = arith.constant -1.000000e+09 : f32
    %broadcast_in_dim3A_267 = vector.broadcast %jit3A_266 : f32 to vector<16xf32>
    %select_n3A_268 = arith.select %gt3A_265, %broadcast_in_dim3A_267, %get3A_248 : vector<16xi1>, vector<16xf32>
    %select_n3A_269 = arith.select %and3A_259, %add3A_262, %select_n3A_268 : vector<16xi1>, vector<16xf32>
    %add3A_270 = arith.constant 128 : i32
    %add3A_271 = arith.addi %mul3A_0, %add3A_270 : i32
    %add3A_272 = vector.broadcast %add3A_271 : i32 to vector<16xi32>
    %add3A_273 = arith.addi %add3A_272, %iota3A : vector<16xi32>
    %gt3A_274 = arith.cmpf ogt, %select_n3A_269, %select_n3A_245 : vector<16xf32>
    %select_n3A_275 = arith.select %gt3A_274, %select_n3A_269, %select_n3A_245 : vector<16xi1>, vector<16xf32>
    %select_n3A_276 = arith.select %gt3A_274, %add3A_273, %select_n3A_246 : vector<16xi1>, vector<16xi32>
    %get3A_277 = arith.constant 144 : index
    %get3A_278 = tpu.vector_load %arg12[%get3A_277] {strides = array<i32>} : memref<320xf32, #tpu.memory_space<vmem>>, vector<16xf32>,
    %get3A_279 = arith.constant 144 : index
    %get3A_280 = tpu.vector_load %arg13[%get3A_279] {strides = array<i32>} : memref<320xf32, #tpu.memory_space<vmem>>, vector<16xf32>,
    %get3A_281 = arith.constant 144 : index
    %get3A_282 = tpu.vector_load %arg14[%get3A_281] {strides = array<i32>} : memref<320xf32, #tpu.memory_space<vmem>>, vector<16xf32>,
    %gt3A_283 = arith.constant 5.000000e-01 : f32
    %gt3A_284 = vector.broadcast %gt3A_283 : f32 to vector<16xf32>
    %gt3A_285 = arith.cmpf ogt, %get3A_280, %gt3A_284 : vector<16xf32>
    %gt3A_286 = arith.constant 5.000000e-02 : f32
    %gt3A_287 = vector.broadcast %gt3A_286 : f32 to vector<16xf32>
    %gt3A_288 = arith.cmpf ogt, %get3A_278, %gt3A_287 : vector<16xf32>
    %and3A_289 = arith.andi %gt3A_285, %gt3A_288 : vector<16xi1>
    %add3A_290 = arith.constant 2.000000e+00 : f32
    %add3A_291 = vector.broadcast %add3A_290 : f32 to vector<16xf32>
    %add3A_292 = arith.addf %get3A_278, %add3A_291 : vector<16xf32>
    %gt3A_293 = arith.constant 5.000000e-01 : f32
    %gt3A_294 = vector.broadcast %gt3A_293 : f32 to vector<16xf32>
    %gt3A_295 = arith.cmpf ogt, %get3A_282, %gt3A_294 : vector<16xf32>
    %jit3A_296 = arith.constant -1.000000e+09 : f32
    %broadcast_in_dim3A_297 = vector.broadcast %jit3A_296 : f32 to vector<16xf32>
    %select_n3A_298 = arith.select %gt3A_295, %broadcast_in_dim3A_297, %get3A_278 : vector<16xi1>, vector<16xf32>
    %select_n3A_299 = arith.select %and3A_289, %add3A_292, %select_n3A_298 : vector<16xi1>, vector<16xf32>
    %add3A_300 = arith.constant 144 : i32
    %add3A_301 = arith.addi %mul3A_0, %add3A_300 : i32
    %add3A_302 = vector.broadcast %add3A_301 : i32 to vector<16xi32>
    %add3A_303 = arith.addi %add3A_302, %iota3A : vector<16xi32>
    %gt3A_304 = arith.cmpf ogt, %select_n3A_299, %select_n3A_275 : vector<16xf32>
    %select_n3A_305 = arith.select %gt3A_304, %select_n3A_299, %select_n3A_275 : vector<16xi1>, vector<16xf32>
    %select_n3A_306 = arith.select %gt3A_304, %add3A_303, %select_n3A_276 : vector<16xi1>, vector<16xi32>
    %get3A_307 = arith.constant 160 : index
    %get3A_308 = tpu.vector_load %arg12[%get3A_307] {strides = array<i32>} : memref<320xf32, #tpu.memory_space<vmem>>, vector<16xf32>,
    %get3A_309 = arith.constant 160 : index
    %get3A_310 = tpu.vector_load %arg13[%get3A_309] {strides = array<i32>} : memref<320xf32, #tpu.memory_space<vmem>>, vector<16xf32>,
    %get3A_311 = arith.constant 160 : index
    %get3A_312 = tpu.vector_load %arg14[%get3A_311] {strides = array<i32>} : memref<320xf32, #tpu.memory_space<vmem>>, vector<16xf32>,
    %gt3A_313 = arith.constant 5.000000e-01 : f32
    %gt3A_314 = vector.broadcast %gt3A_313 : f32 to vector<16xf32>
    %gt3A_315 = arith.cmpf ogt, %get3A_310, %gt3A_314 : vector<16xf32>
    %gt3A_316 = arith.constant 5.000000e-02 : f32
    %gt3A_317 = vector.broadcast %gt3A_316 : f32 to vector<16xf32>
    %gt3A_318 = arith.cmpf ogt, %get3A_308, %gt3A_317 : vector<16xf32>
    %and3A_319 = arith.andi %gt3A_315, %gt3A_318 : vector<16xi1>
    %add3A_320 = arith.constant 2.000000e+00 : f32
    %add3A_321 = vector.broadcast %add3A_320 : f32 to vector<16xf32>
    %add3A_322 = arith.addf %get3A_308, %add3A_321 : vector<16xf32>
    %gt3A_323 = arith.constant 5.000000e-01 : f32
    %gt3A_324 = vector.broadcast %gt3A_323 : f32 to vector<16xf32>
    %gt3A_325 = arith.cmpf ogt, %get3A_312, %gt3A_324 : vector<16xf32>
    %jit3A_326 = arith.constant -1.000000e+09 : f32
    %broadcast_in_dim3A_327 = vector.broadcast %jit3A_326 : f32 to vector<16xf32>
    %select_n3A_328 = arith.select %gt3A_325, %broadcast_in_dim3A_327, %get3A_308 : vector<16xi1>, vector<16xf32>
    %select_n3A_329 = arith.select %and3A_319, %add3A_322, %select_n3A_328 : vector<16xi1>, vector<16xf32>
    %add3A_330 = arith.constant 160 : i32
    %add3A_331 = arith.addi %mul3A_0, %add3A_330 : i32
    %add3A_332 = vector.broadcast %add3A_331 : i32 to vector<16xi32>
    %add3A_333 = arith.addi %add3A_332, %iota3A : vector<16xi32>
    %gt3A_334 = arith.cmpf ogt, %select_n3A_329, %select_n3A_305 : vector<16xf32>
    %select_n3A_335 = arith.select %gt3A_334, %select_n3A_329, %select_n3A_305 : vector<16xi1>, vector<16xf32>
    %select_n3A_336 = arith.select %gt3A_334, %add3A_333, %select_n3A_306 : vector<16xi1>, vector<16xi32>
    %get3A_337 = arith.constant 176 : index
    %get3A_338 = tpu.vector_load %arg12[%get3A_337] {strides = array<i32>} : memref<320xf32, #tpu.memory_space<vmem>>, vector<16xf32>,
    %get3A_339 = arith.constant 176 : index
    %get3A_340 = tpu.vector_load %arg13[%get3A_339] {strides = array<i32>} : memref<320xf32, #tpu.memory_space<vmem>>, vector<16xf32>,
    %get3A_341 = arith.constant 176 : index
    %get3A_342 = tpu.vector_load %arg14[%get3A_341] {strides = array<i32>} : memref<320xf32, #tpu.memory_space<vmem>>, vector<16xf32>,
    %gt3A_343 = arith.constant 5.000000e-01 : f32
    %gt3A_344 = vector.broadcast %gt3A_343 : f32 to vector<16xf32>
    %gt3A_345 = arith.cmpf ogt, %get3A_340, %gt3A_344 : vector<16xf32>
    %gt3A_346 = arith.constant 5.000000e-02 : f32
    %gt3A_347 = vector.broadcast %gt3A_346 : f32 to vector<16xf32>
    %gt3A_348 = arith.cmpf ogt, %get3A_338, %gt3A_347 : vector<16xf32>
    %and3A_349 = arith.andi %gt3A_345, %gt3A_348 : vector<16xi1>
    %add3A_350 = arith.constant 2.000000e+00 : f32
    %add3A_351 = vector.broadcast %add3A_350 : f32 to vector<16xf32>
    %add3A_352 = arith.addf %get3A_338, %add3A_351 : vector<16xf32>
    %gt3A_353 = arith.constant 5.000000e-01 : f32
    %gt3A_354 = vector.broadcast %gt3A_353 : f32 to vector<16xf32>
    %gt3A_355 = arith.cmpf ogt, %get3A_342, %gt3A_354 : vector<16xf32>
    %jit3A_356 = arith.constant -1.000000e+09 : f32
    %broadcast_in_dim3A_357 = vector.broadcast %jit3A_356 : f32 to vector<16xf32>
    %select_n3A_358 = arith.select %gt3A_355, %broadcast_in_dim3A_357, %get3A_338 : vector<16xi1>, vector<16xf32>
    %select_n3A_359 = arith.select %and3A_349, %add3A_352, %select_n3A_358 : vector<16xi1>, vector<16xf32>
    %add3A_360 = arith.constant 176 : i32
    %add3A_361 = arith.addi %mul3A_0, %add3A_360 : i32
    %add3A_362 = vector.broadcast %add3A_361 : i32 to vector<16xi32>
    %add3A_363 = arith.addi %add3A_362, %iota3A : vector<16xi32>
    %gt3A_364 = arith.cmpf ogt, %select_n3A_359, %select_n3A_335 : vector<16xf32>
    %select_n3A_365 = arith.select %gt3A_364, %select_n3A_359, %select_n3A_335 : vector<16xi1>, vector<16xf32>
    %select_n3A_366 = arith.select %gt3A_364, %add3A_363, %select_n3A_336 : vector<16xi1>, vector<16xi32>
    %get3A_367 = arith.constant 192 : index
    %get3A_368 = tpu.vector_load %arg12[%get3A_367] {strides = array<i32>} : memref<320xf32, #tpu.memory_space<vmem>>, vector<16xf32>,
    %get3A_369 = arith.constant 192 : index
    %get3A_370 = tpu.vector_load %arg13[%get3A_369] {strides = array<i32>} : memref<320xf32, #tpu.memory_space<vmem>>, vector<16xf32>,
    %get3A_371 = arith.constant 192 : index
    %get3A_372 = tpu.vector_load %arg14[%get3A_371] {strides = array<i32>} : memref<320xf32, #tpu.memory_space<vmem>>, vector<16xf32>,
    %gt3A_373 = arith.constant 5.000000e-01 : f32
    %gt3A_374 = vector.broadcast %gt3A_373 : f32 to vector<16xf32>
    %gt3A_375 = arith.cmpf ogt, %get3A_370, %gt3A_374 : vector<16xf32>
    %gt3A_376 = arith.constant 5.000000e-02 : f32
    %gt3A_377 = vector.broadcast %gt3A_376 : f32 to vector<16xf32>
    %gt3A_378 = arith.cmpf ogt, %get3A_368, %gt3A_377 : vector<16xf32>
    %and3A_379 = arith.andi %gt3A_375, %gt3A_378 : vector<16xi1>
    %add3A_380 = arith.constant 2.000000e+00 : f32
    %add3A_381 = vector.broadcast %add3A_380 : f32 to vector<16xf32>
    %add3A_382 = arith.addf %get3A_368, %add3A_381 : vector<16xf32>
    %gt3A_383 = arith.constant 5.000000e-01 : f32
    %gt3A_384 = vector.broadcast %gt3A_383 : f32 to vector<16xf32>
    %gt3A_385 = arith.cmpf ogt, %get3A_372, %gt3A_384 : vector<16xf32>
    %jit3A_386 = arith.constant -1.000000e+09 : f32
    %broadcast_in_dim3A_387 = vector.broadcast %jit3A_386 : f32 to vector<16xf32>
    %select_n3A_388 = arith.select %gt3A_385, %broadcast_in_dim3A_387, %get3A_368 : vector<16xi1>, vector<16xf32>
    %select_n3A_389 = arith.select %and3A_379, %add3A_382, %select_n3A_388 : vector<16xi1>, vector<16xf32>
    %add3A_390 = arith.constant 192 : i32
    %add3A_391 = arith.addi %mul3A_0, %add3A_390 : i32
    %add3A_392 = vector.broadcast %add3A_391 : i32 to vector<16xi32>
    %add3A_393 = arith.addi %add3A_392, %iota3A : vector<16xi32>
    %gt3A_394 = arith.cmpf ogt, %select_n3A_389, %select_n3A_365 : vector<16xf32>
    %select_n3A_395 = arith.select %gt3A_394, %select_n3A_389, %select_n3A_365 : vector<16xi1>, vector<16xf32>
    %select_n3A_396 = arith.select %gt3A_394, %add3A_393, %select_n3A_366 : vector<16xi1>, vector<16xi32>
    %get3A_397 = arith.constant 208 : index
    %get3A_398 = tpu.vector_load %arg12[%get3A_397] {strides = array<i32>} : memref<320xf32, #tpu.memory_space<vmem>>, vector<16xf32>,
    %get3A_399 = arith.constant 208 : index
    %get3A_400 = tpu.vector_load %arg13[%get3A_399] {strides = array<i32>} : memref<320xf32, #tpu.memory_space<vmem>>, vector<16xf32>,
    %get3A_401 = arith.constant 208 : index
    %get3A_402 = tpu.vector_load %arg14[%get3A_401] {strides = array<i32>} : memref<320xf32, #tpu.memory_space<vmem>>, vector<16xf32>,
    %gt3A_403 = arith.constant 5.000000e-01 : f32
    %gt3A_404 = vector.broadcast %gt3A_403 : f32 to vector<16xf32>
    %gt3A_405 = arith.cmpf ogt, %get3A_400, %gt3A_404 : vector<16xf32>
    %gt3A_406 = arith.constant 5.000000e-02 : f32
    %gt3A_407 = vector.broadcast %gt3A_406 : f32 to vector<16xf32>
    %gt3A_408 = arith.cmpf ogt, %get3A_398, %gt3A_407 : vector<16xf32>
    %and3A_409 = arith.andi %gt3A_405, %gt3A_408 : vector<16xi1>
    %add3A_410 = arith.constant 2.000000e+00 : f32
    %add3A_411 = vector.broadcast %add3A_410 : f32 to vector<16xf32>
    %add3A_412 = arith.addf %get3A_398, %add3A_411 : vector<16xf32>
    %gt3A_413 = arith.constant 5.000000e-01 : f32
    %gt3A_414 = vector.broadcast %gt3A_413 : f32 to vector<16xf32>
    %gt3A_415 = arith.cmpf ogt, %get3A_402, %gt3A_414 : vector<16xf32>
    %jit3A_416 = arith.constant -1.000000e+09 : f32
    %broadcast_in_dim3A_417 = vector.broadcast %jit3A_416 : f32 to vector<16xf32>
    %select_n3A_418 = arith.select %gt3A_415, %broadcast_in_dim3A_417, %get3A_398 : vector<16xi1>, vector<16xf32>
    %select_n3A_419 = arith.select %and3A_409, %add3A_412, %select_n3A_418 : vector<16xi1>, vector<16xf32>
    %add3A_420 = arith.constant 208 : i32
    %add3A_421 = arith.addi %mul3A_0, %add3A_420 : i32
    %add3A_422 = vector.broadcast %add3A_421 : i32 to vector<16xi32>
    %add3A_423 = arith.addi %add3A_422, %iota3A : vector<16xi32>
    %gt3A_424 = arith.cmpf ogt, %select_n3A_419, %select_n3A_395 : vector<16xf32>
    %select_n3A_425 = arith.select %gt3A_424, %select_n3A_419, %select_n3A_395 : vector<16xi1>, vector<16xf32>
    %select_n3A_426 = arith.select %gt3A_424, %add3A_423, %select_n3A_396 : vector<16xi1>, vector<16xi32>
    %get3A_427 = arith.constant 224 : index
    %get3A_428 = tpu.vector_load %arg12[%get3A_427] {strides = array<i32>} : memref<320xf32, #tpu.memory_space<vmem>>, vector<16xf32>,
    %get3A_429 = arith.constant 224 : index
    %get3A_430 = tpu.vector_load %arg13[%get3A_429] {strides = array<i32>} : memref<320xf32, #tpu.memory_space<vmem>>, vector<16xf32>,
    %get3A_431 = arith.constant 224 : index
    %get3A_432 = tpu.vector_load %arg14[%get3A_431] {strides = array<i32>} : memref<320xf32, #tpu.memory_space<vmem>>, vector<16xf32>,
    %gt3A_433 = arith.constant 5.000000e-01 : f32
    %gt3A_434 = vector.broadcast %gt3A_433 : f32 to vector<16xf32>
    %gt3A_435 = arith.cmpf ogt, %get3A_430, %gt3A_434 : vector<16xf32>
    %gt3A_436 = arith.constant 5.000000e-02 : f32
    %gt3A_437 = vector.broadcast %gt3A_436 : f32 to vector<16xf32>
    %gt3A_438 = arith.cmpf ogt, %get3A_428, %gt3A_437 : vector<16xf32>
    %and3A_439 = arith.andi %gt3A_435, %gt3A_438 : vector<16xi1>
    %add3A_440 = arith.constant 2.000000e+00 : f32
    %add3A_441 = vector.broadcast %add3A_440 : f32 to vector<16xf32>
    %add3A_442 = arith.addf %get3A_428, %add3A_441 : vector<16xf32>
    %gt3A_443 = arith.constant 5.000000e-01 : f32
    %gt3A_444 = vector.broadcast %gt3A_443 : f32 to vector<16xf32>
    %gt3A_445 = arith.cmpf ogt, %get3A_432, %gt3A_444 : vector<16xf32>
    %jit3A_446 = arith.constant -1.000000e+09 : f32
    %broadcast_in_dim3A_447 = vector.broadcast %jit3A_446 : f32 to vector<16xf32>
    %select_n3A_448 = arith.select %gt3A_445, %broadcast_in_dim3A_447, %get3A_428 : vector<16xi1>, vector<16xf32>
    %select_n3A_449 = arith.select %and3A_439, %add3A_442, %select_n3A_448 : vector<16xi1>, vector<16xf32>
    %add3A_450 = arith.constant 224 : i32
    %add3A_451 = arith.addi %mul3A_0, %add3A_450 : i32
    %add3A_452 = vector.broadcast %add3A_451 : i32 to vector<16xi32>
    %add3A_453 = arith.addi %add3A_452, %iota3A : vector<16xi32>
    %gt3A_454 = arith.cmpf ogt, %select_n3A_449, %select_n3A_425 : vector<16xf32>
    %select_n3A_455 = arith.select %gt3A_454, %select_n3A_449, %select_n3A_425 : vector<16xi1>, vector<16xf32>
    %select_n3A_456 = arith.select %gt3A_454, %add3A_453, %select_n3A_426 : vector<16xi1>, vector<16xi32>
    %get3A_457 = arith.constant 240 : index
    %get3A_458 = tpu.vector_load %arg12[%get3A_457] {strides = array<i32>} : memref<320xf32, #tpu.memory_space<vmem>>, vector<16xf32>,
    %get3A_459 = arith.constant 240 : index
    %get3A_460 = tpu.vector_load %arg13[%get3A_459] {strides = array<i32>} : memref<320xf32, #tpu.memory_space<vmem>>, vector<16xf32>,
    %get3A_461 = arith.constant 240 : index
    %get3A_462 = tpu.vector_load %arg14[%get3A_461] {strides = array<i32>} : memref<320xf32, #tpu.memory_space<vmem>>, vector<16xf32>,
    %gt3A_463 = arith.constant 5.000000e-01 : f32
    %gt3A_464 = vector.broadcast %gt3A_463 : f32 to vector<16xf32>
    %gt3A_465 = arith.cmpf ogt, %get3A_460, %gt3A_464 : vector<16xf32>
    %gt3A_466 = arith.constant 5.000000e-02 : f32
    %gt3A_467 = vector.broadcast %gt3A_466 : f32 to vector<16xf32>
    %gt3A_468 = arith.cmpf ogt, %get3A_458, %gt3A_467 : vector<16xf32>
    %and3A_469 = arith.andi %gt3A_465, %gt3A_468 : vector<16xi1>
    %add3A_470 = arith.constant 2.000000e+00 : f32
    %add3A_471 = vector.broadcast %add3A_470 : f32 to vector<16xf32>
    %add3A_472 = arith.addf %get3A_458, %add3A_471 : vector<16xf32>
    %gt3A_473 = arith.constant 5.000000e-01 : f32
    %gt3A_474 = vector.broadcast %gt3A_473 : f32 to vector<16xf32>
    %gt3A_475 = arith.cmpf ogt, %get3A_462, %gt3A_474 : vector<16xf32>
    %jit3A_476 = arith.constant -1.000000e+09 : f32
    %broadcast_in_dim3A_477 = vector.broadcast %jit3A_476 : f32 to vector<16xf32>
    %select_n3A_478 = arith.select %gt3A_475, %broadcast_in_dim3A_477, %get3A_458 : vector<16xi1>, vector<16xf32>
    %select_n3A_479 = arith.select %and3A_469, %add3A_472, %select_n3A_478 : vector<16xi1>, vector<16xf32>
    %add3A_480 = arith.constant 240 : i32
    %add3A_481 = arith.addi %mul3A_0, %add3A_480 : i32
    %add3A_482 = vector.broadcast %add3A_481 : i32 to vector<16xi32>
    %add3A_483 = arith.addi %add3A_482, %iota3A : vector<16xi32>
    %gt3A_484 = arith.cmpf ogt, %select_n3A_479, %select_n3A_455 : vector<16xf32>
    %select_n3A_485 = arith.select %gt3A_484, %select_n3A_479, %select_n3A_455 : vector<16xi1>, vector<16xf32>
    %select_n3A_486 = arith.select %gt3A_484, %add3A_483, %select_n3A_456 : vector<16xi1>, vector<16xi32>
    %get3A_487 = arith.constant 256 : index
    %get3A_488 = tpu.vector_load %arg12[%get3A_487] {strides = array<i32>} : memref<320xf32, #tpu.memory_space<vmem>>, vector<16xf32>,
    %get3A_489 = arith.constant 256 : index
    %get3A_490 = tpu.vector_load %arg13[%get3A_489] {strides = array<i32>} : memref<320xf32, #tpu.memory_space<vmem>>, vector<16xf32>,
    %get3A_491 = arith.constant 256 : index
    %get3A_492 = tpu.vector_load %arg14[%get3A_491] {strides = array<i32>} : memref<320xf32, #tpu.memory_space<vmem>>, vector<16xf32>,
    %gt3A_493 = arith.constant 5.000000e-01 : f32
    %gt3A_494 = vector.broadcast %gt3A_493 : f32 to vector<16xf32>
    %gt3A_495 = arith.cmpf ogt, %get3A_490, %gt3A_494 : vector<16xf32>
    %gt3A_496 = arith.constant 5.000000e-02 : f32
    %gt3A_497 = vector.broadcast %gt3A_496 : f32 to vector<16xf32>
    %gt3A_498 = arith.cmpf ogt, %get3A_488, %gt3A_497 : vector<16xf32>
    %and3A_499 = arith.andi %gt3A_495, %gt3A_498 : vector<16xi1>
    %add3A_500 = arith.constant 2.000000e+00 : f32
    %add3A_501 = vector.broadcast %add3A_500 : f32 to vector<16xf32>
    %add3A_502 = arith.addf %get3A_488, %add3A_501 : vector<16xf32>
    %gt3A_503 = arith.constant 5.000000e-01 : f32
    %gt3A_504 = vector.broadcast %gt3A_503 : f32 to vector<16xf32>
    %gt3A_505 = arith.cmpf ogt, %get3A_492, %gt3A_504 : vector<16xf32>
    %jit3A_506 = arith.constant -1.000000e+09 : f32
    %broadcast_in_dim3A_507 = vector.broadcast %jit3A_506 : f32 to vector<16xf32>
    %select_n3A_508 = arith.select %gt3A_505, %broadcast_in_dim3A_507, %get3A_488 : vector<16xi1>, vector<16xf32>
    %select_n3A_509 = arith.select %and3A_499, %add3A_502, %select_n3A_508 : vector<16xi1>, vector<16xf32>
    %add3A_510 = arith.constant 256 : i32
    %add3A_511 = arith.addi %mul3A_0, %add3A_510 : i32
    %add3A_512 = vector.broadcast %add3A_511 : i32 to vector<16xi32>
    %add3A_513 = arith.addi %add3A_512, %iota3A : vector<16xi32>
    %gt3A_514 = arith.cmpf ogt, %select_n3A_509, %select_n3A_485 : vector<16xf32>
    %select_n3A_515 = arith.select %gt3A_514, %select_n3A_509, %select_n3A_485 : vector<16xi1>, vector<16xf32>
    %select_n3A_516 = arith.select %gt3A_514, %add3A_513, %select_n3A_486 : vector<16xi1>, vector<16xi32>
    %get3A_517 = arith.constant 272 : index
    %get3A_518 = tpu.vector_load %arg12[%get3A_517] {strides = array<i32>} : memref<320xf32, #tpu.memory_space<vmem>>, vector<16xf32>,
    %get3A_519 = arith.constant 272 : index
    %get3A_520 = tpu.vector_load %arg13[%get3A_519] {strides = array<i32>} : memref<320xf32, #tpu.memory_space<vmem>>, vector<16xf32>,
    %get3A_521 = arith.constant 272 : index
    %get3A_522 = tpu.vector_load %arg14[%get3A_521] {strides = array<i32>} : memref<320xf32, #tpu.memory_space<vmem>>, vector<16xf32>,
    %gt3A_523 = arith.constant 5.000000e-01 : f32
    %gt3A_524 = vector.broadcast %gt3A_523 : f32 to vector<16xf32>
    %gt3A_525 = arith.cmpf ogt, %get3A_520, %gt3A_524 : vector<16xf32>
    %gt3A_526 = arith.constant 5.000000e-02 : f32
    %gt3A_527 = vector.broadcast %gt3A_526 : f32 to vector<16xf32>
    %gt3A_528 = arith.cmpf ogt, %get3A_518, %gt3A_527 : vector<16xf32>
    %and3A_529 = arith.andi %gt3A_525, %gt3A_528 : vector<16xi1>
    %add3A_530 = arith.constant 2.000000e+00 : f32
    %add3A_531 = vector.broadcast %add3A_530 : f32 to vector<16xf32>
    %add3A_532 = arith.addf %get3A_518, %add3A_531 : vector<16xf32>
    %gt3A_533 = arith.constant 5.000000e-01 : f32
    %gt3A_534 = vector.broadcast %gt3A_533 : f32 to vector<16xf32>
    %gt3A_535 = arith.cmpf ogt, %get3A_522, %gt3A_534 : vector<16xf32>
    %jit3A_536 = arith.constant -1.000000e+09 : f32
    %broadcast_in_dim3A_537 = vector.broadcast %jit3A_536 : f32 to vector<16xf32>
    %select_n3A_538 = arith.select %gt3A_535, %broadcast_in_dim3A_537, %get3A_518 : vector<16xi1>, vector<16xf32>
    %select_n3A_539 = arith.select %and3A_529, %add3A_532, %select_n3A_538 : vector<16xi1>, vector<16xf32>
    %add3A_540 = arith.constant 272 : i32
    %add3A_541 = arith.addi %mul3A_0, %add3A_540 : i32
    %add3A_542 = vector.broadcast %add3A_541 : i32 to vector<16xi32>
    %add3A_543 = arith.addi %add3A_542, %iota3A : vector<16xi32>
    %gt3A_544 = arith.cmpf ogt, %select_n3A_539, %select_n3A_515 : vector<16xf32>
    %select_n3A_545 = arith.select %gt3A_544, %select_n3A_539, %select_n3A_515 : vector<16xi1>, vector<16xf32>
    %select_n3A_546 = arith.select %gt3A_544, %add3A_543, %select_n3A_516 : vector<16xi1>, vector<16xi32>
    %get3A_547 = arith.constant 288 : index
    %get3A_548 = tpu.vector_load %arg12[%get3A_547] {strides = array<i32>} : memref<320xf32, #tpu.memory_space<vmem>>, vector<16xf32>,
    %get3A_549 = arith.constant 288 : index
    %get3A_550 = tpu.vector_load %arg13[%get3A_549] {strides = array<i32>} : memref<320xf32, #tpu.memory_space<vmem>>, vector<16xf32>,
    %get3A_551 = arith.constant 288 : index
    %get3A_552 = tpu.vector_load %arg14[%get3A_551] {strides = array<i32>} : memref<320xf32, #tpu.memory_space<vmem>>, vector<16xf32>,
    %gt3A_553 = arith.constant 5.000000e-01 : f32
    %gt3A_554 = vector.broadcast %gt3A_553 : f32 to vector<16xf32>
    %gt3A_555 = arith.cmpf ogt, %get3A_550, %gt3A_554 : vector<16xf32>
    %gt3A_556 = arith.constant 5.000000e-02 : f32
    %gt3A_557 = vector.broadcast %gt3A_556 : f32 to vector<16xf32>
    %gt3A_558 = arith.cmpf ogt, %get3A_548, %gt3A_557 : vector<16xf32>
    %and3A_559 = arith.andi %gt3A_555, %gt3A_558 : vector<16xi1>
    %add3A_560 = arith.constant 2.000000e+00 : f32
    %add3A_561 = vector.broadcast %add3A_560 : f32 to vector<16xf32>
    %add3A_562 = arith.addf %get3A_548, %add3A_561 : vector<16xf32>
    %gt3A_563 = arith.constant 5.000000e-01 : f32
    %gt3A_564 = vector.broadcast %gt3A_563 : f32 to vector<16xf32>
    %gt3A_565 = arith.cmpf ogt, %get3A_552, %gt3A_564 : vector<16xf32>
    %jit3A_566 = arith.constant -1.000000e+09 : f32
    %broadcast_in_dim3A_567 = vector.broadcast %jit3A_566 : f32 to vector<16xf32>
    %select_n3A_568 = arith.select %gt3A_565, %broadcast_in_dim3A_567, %get3A_548 : vector<16xi1>, vector<16xf32>
    %select_n3A_569 = arith.select %and3A_559, %add3A_562, %select_n3A_568 : vector<16xi1>, vector<16xf32>
    %add3A_570 = arith.constant 288 : i32
    %add3A_571 = arith.addi %mul3A_0, %add3A_570 : i32
    %add3A_572 = vector.broadcast %add3A_571 : i32 to vector<16xi32>
    %add3A_573 = arith.addi %add3A_572, %iota3A : vector<16xi32>
    %gt3A_574 = arith.cmpf ogt, %select_n3A_569, %select_n3A_545 : vector<16xf32>
    %select_n3A_575 = arith.select %gt3A_574, %select_n3A_569, %select_n3A_545 : vector<16xi1>, vector<16xf32>
    %select_n3A_576 = arith.select %gt3A_574, %add3A_573, %select_n3A_546 : vector<16xi1>, vector<16xi32>
    %get3A_577 = arith.constant 304 : index
    %get3A_578 = tpu.vector_load %arg12[%get3A_577] {strides = array<i32>} : memref<320xf32, #tpu.memory_space<vmem>>, vector<16xf32>,
    %get3A_579 = arith.constant 304 : index
    %get3A_580 = tpu.vector_load %arg13[%get3A_579] {strides = array<i32>} : memref<320xf32, #tpu.memory_space<vmem>>, vector<16xf32>,
    %get3A_581 = arith.constant 304 : index
    %get3A_582 = tpu.vector_load %arg14[%get3A_581] {strides = array<i32>} : memref<320xf32, #tpu.memory_space<vmem>>, vector<16xf32>,
    %gt3A_583 = arith.constant 5.000000e-01 : f32
    %gt3A_584 = vector.broadcast %gt3A_583 : f32 to vector<16xf32>
    %gt3A_585 = arith.cmpf ogt, %get3A_580, %gt3A_584 : vector<16xf32>
    %gt3A_586 = arith.constant 5.000000e-02 : f32
    %gt3A_587 = vector.broadcast %gt3A_586 : f32 to vector<16xf32>
    %gt3A_588 = arith.cmpf ogt, %get3A_578, %gt3A_587 : vector<16xf32>
    %and3A_589 = arith.andi %gt3A_585, %gt3A_588 : vector<16xi1>
    %add3A_590 = arith.constant 2.000000e+00 : f32
    %add3A_591 = vector.broadcast %add3A_590 : f32 to vector<16xf32>
    %add3A_592 = arith.addf %get3A_578, %add3A_591 : vector<16xf32>
    %gt3A_593 = arith.constant 5.000000e-01 : f32
    %gt3A_594 = vector.broadcast %gt3A_593 : f32 to vector<16xf32>
    %gt3A_595 = arith.cmpf ogt, %get3A_582, %gt3A_594 : vector<16xf32>
    %jit3A_596 = arith.constant -1.000000e+09 : f32
    %broadcast_in_dim3A_597 = vector.broadcast %jit3A_596 : f32 to vector<16xf32>
    %select_n3A_598 = arith.select %gt3A_595, %broadcast_in_dim3A_597, %get3A_578 : vector<16xi1>, vector<16xf32>
    %select_n3A_599 = arith.select %and3A_589, %add3A_592, %select_n3A_598 : vector<16xi1>, vector<16xf32>
    %add3A_600 = arith.constant 304 : i32
    %add3A_601 = arith.addi %mul3A_0, %add3A_600 : i32
    %add3A_602 = vector.broadcast %add3A_601 : i32 to vector<16xi32>
    %add3A_603 = arith.addi %add3A_602, %iota3A : vector<16xi32>
    %gt3A_604 = arith.cmpf ogt, %select_n3A_599, %select_n3A_575 : vector<16xf32>
    %select_n3A_605 = arith.select %gt3A_604, %select_n3A_599, %select_n3A_575 : vector<16xi1>, vector<16xf32>
    %select_n3A_606 = arith.select %gt3A_604, %add3A_603, %select_n3A_576 : vector<16xi1>, vector<16xi32>
    %scan3A_607 = arith.constant 0 : i32
    %scan3A_608 = arith.constant 100 : i32
    %scan3A_609 = arith.addi %scan3A_607, %scan3A_608 : i32
    %scan3A_610 = arith.constant 1 : i32
    %scan3A_611:2 = scf.for %scan3A_618 = %scan3A_607 to %scan3A_609 step %scan3A_610 iter_args(%scan3A_619 = %select_n3A_605, %scan3A_620 = %select_n3A_606) -> (vector<16xf32>, vector<16xi32>)  : i32 {
      %xor3A = arith.constant 8 : i32
      %xor3A_621 = vector.broadcast %xor3A : i32 to vector<16xi32>
      %xor3A_622 = arith.xori %iota3A, %xor3A_621 : vector<16xi32>
      %lt3A = arith.constant 0 : i32
      %lt3A_623 = vector.broadcast %lt3A : i32 to vector<16xi32>
      %lt3A_624 = arith.cmpi slt, %xor3A_622, %lt3A_623 : vector<16xi32>
      %add3A_625 = arith.constant 16 : i32
      %add3A_626 = vector.broadcast %add3A_625 : i32 to vector<16xi32>
      %add3A_627 = arith.addi %xor3A_622, %add3A_626 : vector<16xi32>
      %select_n3A_628 = arith.select %lt3A_624, %add3A_627, %xor3A_622 : vector<16xi1>, vector<16xi32>
      %broadcast_in_dim3A_629 = vector.shape_cast %select_n3A_628 : vector<16xi32> to vector<16x1xi32>
      %gather3A = vector.shape_cast %broadcast_in_dim3A_629 : vector<16x1xi32> to vector<16xi32>
      %gather3A_630 = tpu.dynamic_gather %scan3A_619[%gather3A] in [0] : vector<16xf32>, vector<16xi32> -> vector<16xf32>
      %xor3A_631 = arith.constant 8 : i32
      %xor3A_632 = vector.broadcast %xor3A_631 : i32 to vector<16xi32>
      %xor3A_633 = arith.xori %iota3A, %xor3A_632 : vector<16xi32>
      %lt3A_634 = arith.constant 0 : i32
      %lt3A_635 = vector.broadcast %lt3A_634 : i32 to vector<16xi32>
      %lt3A_636 = arith.cmpi slt, %xor3A_633, %lt3A_635 : vector<16xi32>
      %add3A_637 = arith.constant 16 : i32
      %add3A_638 = vector.broadcast %add3A_637 : i32 to vector<16xi32>
      %add3A_639 = arith.addi %xor3A_633, %add3A_638 : vector<16xi32>
      %select_n3A_640 = arith.select %lt3A_636, %add3A_639, %xor3A_633 : vector<16xi1>, vector<16xi32>
      %broadcast_in_dim3A_641 = vector.shape_cast %select_n3A_640 : vector<16xi32> to vector<16x1xi32>
      %gather3A_642 = vector.shape_cast %broadcast_in_dim3A_641 : vector<16x1xi32> to vector<16xi32>
      %gather3A_643 = tpu.dynamic_gather %scan3A_620[%gather3A_642] in [0] : vector<16xi32>, vector<16xi32> -> vector<16xi32>
      %gt3A_644 = arith.cmpf ogt, %gather3A_630, %scan3A_619 : vector<16xf32>
      %eq3A_645 = arith.cmpf oeq, %gather3A_630, %scan3A_619 : vector<16xf32>
      %min3A = arith.minsi %scan3A_620, %gather3A_643 : vector<16xi32>
      %select_n3A_646 = arith.select %eq3A_645, %min3A, %scan3A_620 : vector<16xi1>, vector<16xi32>
      %select_n3A_647 = arith.select %gt3A_644, %gather3A_643, %select_n3A_646 : vector<16xi1>, vector<16xi32>
      %select_n3A_648 = arith.select %gt3A_644, %gather3A_630, %scan3A_619 : vector<16xi1>, vector<16xf32>
      %xor3A_649 = arith.constant 4 : i32
      %xor3A_650 = vector.broadcast %xor3A_649 : i32 to vector<16xi32>
      %xor3A_651 = arith.xori %iota3A, %xor3A_650 : vector<16xi32>
      %lt3A_652 = arith.constant 0 : i32
      %lt3A_653 = vector.broadcast %lt3A_652 : i32 to vector<16xi32>
      %lt3A_654 = arith.cmpi slt, %xor3A_651, %lt3A_653 : vector<16xi32>
      %add3A_655 = arith.constant 16 : i32
      %add3A_656 = vector.broadcast %add3A_655 : i32 to vector<16xi32>
      %add3A_657 = arith.addi %xor3A_651, %add3A_656 : vector<16xi32>
      %select_n3A_658 = arith.select %lt3A_654, %add3A_657, %xor3A_651 : vector<16xi1>, vector<16xi32>
      %broadcast_in_dim3A_659 = vector.shape_cast %select_n3A_658 : vector<16xi32> to vector<16x1xi32>
      %gather3A_660 = vector.shape_cast %broadcast_in_dim3A_659 : vector<16x1xi32> to vector<16xi32>
      %gather3A_661 = tpu.dynamic_gather %select_n3A_648[%gather3A_660] in [0] : vector<16xf32>, vector<16xi32> -> vector<16xf32>
      %xor3A_662 = arith.constant 4 : i32
      %xor3A_663 = vector.broadcast %xor3A_662 : i32 to vector<16xi32>
      %xor3A_664 = arith.xori %iota3A, %xor3A_663 : vector<16xi32>
      %lt3A_665 = arith.constant 0 : i32
      %lt3A_666 = vector.broadcast %lt3A_665 : i32 to vector<16xi32>
      %lt3A_667 = arith.cmpi slt, %xor3A_664, %lt3A_666 : vector<16xi32>
      %add3A_668 = arith.constant 16 : i32
      %add3A_669 = vector.broadcast %add3A_668 : i32 to vector<16xi32>
      %add3A_670 = arith.addi %xor3A_664, %add3A_669 : vector<16xi32>
      %select_n3A_671 = arith.select %lt3A_667, %add3A_670, %xor3A_664 : vector<16xi1>, vector<16xi32>
      %broadcast_in_dim3A_672 = vector.shape_cast %select_n3A_671 : vector<16xi32> to vector<16x1xi32>
      %gather3A_673 = vector.shape_cast %broadcast_in_dim3A_672 : vector<16x1xi32> to vector<16xi32>
      %gather3A_674 = tpu.dynamic_gather %select_n3A_647[%gather3A_673] in [0] : vector<16xi32>, vector<16xi32> -> vector<16xi32>
      %gt3A_675 = arith.cmpf ogt, %gather3A_661, %select_n3A_648 : vector<16xf32>
      %eq3A_676 = arith.cmpf oeq, %gather3A_661, %select_n3A_648 : vector<16xf32>
      %min3A_677 = arith.minsi %select_n3A_647, %gather3A_674 : vector<16xi32>
      %select_n3A_678 = arith.select %eq3A_676, %min3A_677, %select_n3A_647 : vector<16xi1>, vector<16xi32>
      %select_n3A_679 = arith.select %gt3A_675, %gather3A_674, %select_n3A_678 : vector<16xi1>, vector<16xi32>
      %select_n3A_680 = arith.select %gt3A_675, %gather3A_661, %select_n3A_648 : vector<16xi1>, vector<16xf32>
      %xor3A_681 = arith.constant 2 : i32
      %xor3A_682 = vector.broadcast %xor3A_681 : i32 to vector<16xi32>
      %xor3A_683 = arith.xori %iota3A, %xor3A_682 : vector<16xi32>
      %lt3A_684 = arith.constant 0 : i32
      %lt3A_685 = vector.broadcast %lt3A_684 : i32 to vector<16xi32>
      %lt3A_686 = arith.cmpi slt, %xor3A_683, %lt3A_685 : vector<16xi32>
      %add3A_687 = arith.constant 16 : i32
      %add3A_688 = vector.broadcast %add3A_687 : i32 to vector<16xi32>
      %add3A_689 = arith.addi %xor3A_683, %add3A_688 : vector<16xi32>
      %select_n3A_690 = arith.select %lt3A_686, %add3A_689, %xor3A_683 : vector<16xi1>, vector<16xi32>
      %broadcast_in_dim3A_691 = vector.shape_cast %select_n3A_690 : vector<16xi32> to vector<16x1xi32>
      %gather3A_692 = vector.shape_cast %broadcast_in_dim3A_691 : vector<16x1xi32> to vector<16xi32>
      %gather3A_693 = tpu.dynamic_gather %select_n3A_680[%gather3A_692] in [0] : vector<16xf32>, vector<16xi32> -> vector<16xf32>
      %xor3A_694 = arith.constant 2 : i32
      %xor3A_695 = vector.broadcast %xor3A_694 : i32 to vector<16xi32>
      %xor3A_696 = arith.xori %iota3A, %xor3A_695 : vector<16xi32>
      %lt3A_697 = arith.constant 0 : i32
      %lt3A_698 = vector.broadcast %lt3A_697 : i32 to vector<16xi32>
      %lt3A_699 = arith.cmpi slt, %xor3A_696, %lt3A_698 : vector<16xi32>
      %add3A_700 = arith.constant 16 : i32
      %add3A_701 = vector.broadcast %add3A_700 : i32 to vector<16xi32>
      %add3A_702 = arith.addi %xor3A_696, %add3A_701 : vector<16xi32>
      %select_n3A_703 = arith.select %lt3A_699, %add3A_702, %xor3A_696 : vector<16xi1>, vector<16xi32>
      %broadcast_in_dim3A_704 = vector.shape_cast %select_n3A_703 : vector<16xi32> to vector<16x1xi32>
      %gather3A_705 = vector.shape_cast %broadcast_in_dim3A_704 : vector<16x1xi32> to vector<16xi32>
      %gather3A_706 = tpu.dynamic_gather %select_n3A_679[%gather3A_705] in [0] : vector<16xi32>, vector<16xi32> -> vector<16xi32>
      %gt3A_707 = arith.cmpf ogt, %gather3A_693, %select_n3A_680 : vector<16xf32>
      %eq3A_708 = arith.cmpf oeq, %gather3A_693, %select_n3A_680 : vector<16xf32>
      %min3A_709 = arith.minsi %select_n3A_679, %gather3A_706 : vector<16xi32>
      %select_n3A_710 = arith.select %eq3A_708, %min3A_709, %select_n3A_679 : vector<16xi1>, vector<16xi32>
      %select_n3A_711 = arith.select %gt3A_707, %gather3A_706, %select_n3A_710 : vector<16xi1>, vector<16xi32>
      %select_n3A_712 = arith.select %gt3A_707, %gather3A_693, %select_n3A_680 : vector<16xi1>, vector<16xf32>
      %xor3A_713 = arith.constant 1 : i32
      %xor3A_714 = vector.broadcast %xor3A_713 : i32 to vector<16xi32>
      %xor3A_715 = arith.xori %iota3A, %xor3A_714 : vector<16xi32>
      %lt3A_716 = arith.constant 0 : i32
      %lt3A_717 = vector.broadcast %lt3A_716 : i32 to vector<16xi32>
      %lt3A_718 = arith.cmpi slt, %xor3A_715, %lt3A_717 : vector<16xi32>
      %add3A_719 = arith.constant 16 : i32
      %add3A_720 = vector.broadcast %add3A_719 : i32 to vector<16xi32>
      %add3A_721 = arith.addi %xor3A_715, %add3A_720 : vector<16xi32>
      %select_n3A_722 = arith.select %lt3A_718, %add3A_721, %xor3A_715 : vector<16xi1>, vector<16xi32>
      %broadcast_in_dim3A_723 = vector.shape_cast %select_n3A_722 : vector<16xi32> to vector<16x1xi32>
      %gather3A_724 = vector.shape_cast %broadcast_in_dim3A_723 : vector<16x1xi32> to vector<16xi32>
      %gather3A_725 = tpu.dynamic_gather %select_n3A_712[%gather3A_724] in [0] : vector<16xf32>, vector<16xi32> -> vector<16xf32>
      %xor3A_726 = arith.constant 1 : i32
      %xor3A_727 = vector.broadcast %xor3A_726 : i32 to vector<16xi32>
      %xor3A_728 = arith.xori %iota3A, %xor3A_727 : vector<16xi32>
      %lt3A_729 = arith.constant 0 : i32
      %lt3A_730 = vector.broadcast %lt3A_729 : i32 to vector<16xi32>
      %lt3A_731 = arith.cmpi slt, %xor3A_728, %lt3A_730 : vector<16xi32>
      %add3A_732 = arith.constant 16 : i32
      %add3A_733 = vector.broadcast %add3A_732 : i32 to vector<16xi32>
      %add3A_734 = arith.addi %xor3A_728, %add3A_733 : vector<16xi32>
      %select_n3A_735 = arith.select %lt3A_731, %add3A_734, %xor3A_728 : vector<16xi1>, vector<16xi32>
      %broadcast_in_dim3A_736 = vector.shape_cast %select_n3A_735 : vector<16xi32> to vector<16x1xi32>
      %gather3A_737 = vector.shape_cast %broadcast_in_dim3A_736 : vector<16x1xi32> to vector<16xi32>
      %gather3A_738 = tpu.dynamic_gather %select_n3A_711[%gather3A_737] in [0] : vector<16xi32>, vector<16xi32> -> vector<16xi32>
      %gt3A_739 = arith.cmpf ogt, %gather3A_725, %select_n3A_712 : vector<16xf32>
      %eq3A_740 = arith.cmpf oeq, %gather3A_725, %select_n3A_712 : vector<16xf32>
      %min3A_741 = arith.minsi %select_n3A_711, %gather3A_738 : vector<16xi32>
      %select_n3A_742 = arith.select %eq3A_740, %min3A_741, %select_n3A_711 : vector<16xi1>, vector<16xi32>
      %select_n3A_743 = arith.select %gt3A_739, %gather3A_738, %select_n3A_742 : vector<16xi1>, vector<16xi32>
      %select_n3A_744 = arith.select %gt3A_739, %gather3A_725, %select_n3A_712 : vector<16xi1>, vector<16xf32>
      %sub3A = vector.broadcast %mul3A_0 : i32 to vector<16xi32>
      %sub3A_745 = arith.subi %select_n3A_743, %sub3A : vector<16xi32>
      %jit3A_746 = arith.constant 0 : i32
      %jit3A_747 = arith.constant 319 : i32
      %max3A = vector.broadcast %jit3A_746 : i32 to vector<16xi32>
      %max3A_748 = arith.maxsi %max3A, %sub3A_745 : vector<16xi32>
      %min3A_749 = vector.broadcast %jit3A_747 : i32 to vector<16xi32>
      %min3A_750 = arith.minsi %min3A_749, %max3A_748 : vector<16xi32>
      %gather3A_751 = tpu.vector_load_idx %arg8[%min3A_750] : memref<320xf32, #tpu.memory_space<vmem>>[vector<16xi32>], vector<16xf32>,
      %gather3A_752 = tpu.vector_load_idx %arg9[%min3A_750] : memref<320xf32, #tpu.memory_space<vmem>>[vector<16xi32>], vector<16xf32>,
      %gather3A_753 = tpu.vector_load_idx %arg10[%min3A_750] : memref<320xf32, #tpu.memory_space<vmem>>[vector<16xi32>], vector<16xf32>,
      %gather3A_754 = tpu.vector_load_idx %arg11[%min3A_750] : memref<320xf32, #tpu.memory_space<vmem>>[vector<16xi32>], vector<16xf32>,
      %gather3A_755 = tpu.vector_load_idx %arg12[%min3A_750] : memref<320xf32, #tpu.memory_space<vmem>>[vector<16xi32>], vector<16xf32>,
      %eq3A_756 = arith.constant 0 : i32
      %eq3A_757 = vector.broadcast %eq3A_756 : i32 to vector<16xi32>
      %eq3A_758 = arith.cmpi eq, %iota3A, %eq3A_757 : vector<16xi32>
      %eq3A_759 = arith.constant 1 : i32
      %eq3A_760 = vector.broadcast %eq3A_759 : i32 to vector<16xi32>
      %eq3A_761 = arith.cmpi eq, %iota3A, %eq3A_760 : vector<16xi32>
      %convert_element_type3A_762 = arith.sitofp %select_n3A_743 : vector<16xi32> to vector<16xf32>
      %eq3A_763 = arith.constant 2 : i32
      %eq3A_764 = vector.broadcast %eq3A_763 : i32 to vector<16xi32>
      %eq3A_765 = arith.cmpi eq, %iota3A, %eq3A_764 : vector<16xi32>
      %eq3A_766 = arith.constant 3 : i32
      %eq3A_767 = vector.broadcast %eq3A_766 : i32 to vector<16xi32>
      %eq3A_768 = arith.cmpi eq, %iota3A, %eq3A_767 : vector<16xi32>
      %eq3A_769 = arith.constant 4 : i32
      %eq3A_770 = vector.broadcast %eq3A_769 : i32 to vector<16xi32>
      %eq3A_771 = arith.cmpi eq, %iota3A, %eq3A_770 : vector<16xi32>
      %eq3A_772 = arith.constant 5 : i32
      %eq3A_773 = vector.broadcast %eq3A_772 : i32 to vector<16xi32>
      %eq3A_774 = arith.cmpi eq, %iota3A, %eq3A_773 : vector<16xi32>
      %eq3A_775 = arith.constant 6 : i32
      %eq3A_776 = vector.broadcast %eq3A_775 : i32 to vector<16xi32>
      %eq3A_777 = arith.cmpi eq, %iota3A, %eq3A_776 : vector<16xi32>
      %select_n3A_778 = arith.select %eq3A_777, %gather3A_755, %broadcast_in_dim3A_3 : vector<16xi1>, vector<16xf32>
      %select_n3A_779 = arith.select %eq3A_774, %gather3A_754, %select_n3A_778 : vector<16xi1>, vector<16xf32>
      %select_n3A_780 = arith.select %eq3A_771, %gather3A_753, %select_n3A_779 : vector<16xi1>, vector<16xf32>
      %select_n3A_781 = arith.select %eq3A_768, %gather3A_752, %select_n3A_780 : vector<16xi1>, vector<16xf32>
      %select_n3A_782 = arith.select %eq3A_765, %gather3A_751, %select_n3A_781 : vector<16xi1>, vector<16xf32>
      %select_n3A_783 = arith.select %eq3A_761, %convert_element_type3A_762, %select_n3A_782 : vector<16xi1>, vector<16xf32>
      %select_n3A_784 = arith.select %eq3A_758, %select_n3A_744, %select_n3A_783 : vector<16xi1>, vector<16xf32>
      %swap3A = arith.constant 0 : index
      %swap3A_785 = tpu.vector_load %arg15[%swap3A] {strides = array<i32>} : memref<16xf32, #tpu.memory_space<vmem>>, vector<16xf32>,
      tpu.vector_store %arg15[%swap3A], %select_n3A_784 {strides = array<i32>} : memref<16xf32, #tpu.memory_space<vmem>>, vector<16xf32>,
      %jit3A_786 = arith.constant 2 : i32
      %eq3A_787 = arith.constant 0 : i32
      %eq3A_788 = arith.cmpi eq, %jit3A_786, %eq3A_787 : i32
      %jit3A_789 = arith.constant 1 : i32
      %select_n3A_790 = arith.select %eq3A_788, %jit3A_789, %jit3A_786 : i32
      %rem3A = arith.remsi %scan3A_618, %select_n3A_790 : i32
      %ne3A = arith.constant 0 : i32
      %ne3A_791 = arith.cmpi ne, %rem3A, %ne3A : i32
      %lt3A_792 = arith.constant 0 : i32
      %lt3A_793 = arith.cmpi slt, %rem3A, %lt3A_792 : i32
      %lt3A_794 = arith.constant 0 : i32
      %lt3A_795 = arith.cmpi slt, %select_n3A_790, %lt3A_794 : i32
      %ne3A_796 = arith.xori %lt3A_793, %lt3A_795 : i1
      %and3A_797 = arith.andi %ne3A_796, %ne3A_791 : i1
      %add3A_798 = arith.addi %rem3A, %select_n3A_790 : i32
      %select_n3A_799 = arith.select %and3A_797, %add3A_798, %rem3A : i32
      %mul3A_800 = arith.constant 256 : i32
      %mul3A_801 = arith.muli %select_n3A_799, %mul3A_800 : i32
      %mul3A_802 = arith.constant 16 : i32
      %mul3A_803 = arith.muli %arg1, %mul3A_802 : i32
      %add3A_804 = arith.addi %mul3A_801, %mul3A_803 : i32
      "tpu.region"() ({
        %run_scoped3A = tpu.sem_alloc : memref<!tpu.dma_semaphore, #tpu.memory_space<semaphore_mem>>
        %dma_start3A = tpu.memref_slice %arg18[%add3A_804] : memref<512xf32, #tpu.memory_space<vmem_shared>> -> memref<16xf32, #tpu.memory_space<vmem_shared>>
        %dma_start3A_2425 = tpu.memref_slice %arg18[%add3A_804] : memref<512xf32, #tpu.memory_space<vmem_shared>> -> memref<16xf32, #tpu.memory_space<vmem_shared>>
        tpu.enqueue_dma source(%arg15 : memref<16xf32, #tpu.memory_space<vmem>>) target(%dma_start3A_2425 : memref<16xf32, #tpu.memory_space<vmem_shared>>) target_semaphore(%run_scoped3A : memref<!tpu.dma_semaphore, #tpu.memory_space<semaphore_mem>>)
        %dma_wait3A = tpu.memref_slice %arg18[%add3A_804] : memref<512xf32, #tpu.memory_space<vmem_shared>> -> memref<16xf32, #tpu.memory_space<vmem_shared>>
        %dma_wait3A_2426 = tpu.memref_slice %arg18[%add3A_804] : memref<512xf32, #tpu.memory_space<vmem_shared>> -> memref<16xf32, #tpu.memory_space<vmem_shared>>
        tpu.wait_dma2 semaphore(%run_scoped3A : memref<!tpu.dma_semaphore, #tpu.memory_space<semaphore_mem>>) src(%arg15 : memref<16xf32, #tpu.memory_space<vmem>>) dst(%dma_wait3A_2426 : memref<16xf32, #tpu.memory_space<vmem_shared>>)
        tpu.yield
      }) : () -> ()
      %barrier3A = arith.constant 0 : index
      tpu.barrier barrier_id(%barrier3A)
      "tpu.region"() ({
        %run_scoped3A = tpu.sem_alloc : memref<!tpu.dma_semaphore, #tpu.memory_space<semaphore_mem>>
        %dma_start3A = tpu.memref_slice %arg18[%mul3A_801] : memref<512xf32, #tpu.memory_space<vmem_shared>> -> memref<256xf32, #tpu.memory_space<vmem_shared>>
        %dma_start3A_2425 = tpu.memref_slice %arg18[%mul3A_801] : memref<512xf32, #tpu.memory_space<vmem_shared>> -> memref<256xf32, #tpu.memory_space<vmem_shared>>
        tpu.enqueue_dma source(%dma_start3A_2425 : memref<256xf32, #tpu.memory_space<vmem_shared>>) target(%arg16 : memref<256xf32, #tpu.memory_space<vmem>>) target_semaphore(%run_scoped3A : memref<!tpu.dma_semaphore, #tpu.memory_space<semaphore_mem>>)
        %dma_wait3A = tpu.memref_slice %arg18[%mul3A_801] : memref<512xf32, #tpu.memory_space<vmem_shared>> -> memref<256xf32, #tpu.memory_space<vmem_shared>>
        %dma_wait3A_2426 = tpu.memref_slice %arg18[%mul3A_801] : memref<512xf32, #tpu.memory_space<vmem_shared>> -> memref<256xf32, #tpu.memory_space<vmem_shared>>
        tpu.wait_dma2 semaphore(%run_scoped3A : memref<!tpu.dma_semaphore, #tpu.memory_space<semaphore_mem>>) src(%dma_wait3A_2426 : memref<256xf32, #tpu.memory_space<vmem_shared>>) dst(%arg16 : memref<256xf32, #tpu.memory_space<vmem>>)
        tpu.yield
      }) : () -> ()
      %mul3A_805 = arith.constant 16 : i32
      %mul3A_806 = vector.broadcast %mul3A_805 : i32 to vector<16xi32>
      %mul3A_807 = arith.muli %iota3A, %mul3A_806 : vector<16xi32>
      %gather3A_808 = tpu.vector_load_idx %arg16[%mul3A_807] : memref<256xf32, #tpu.memory_space<vmem>>[vector<16xi32>], vector<16xf32>,
      %mul3A_809 = arith.constant 16 : i32
      %mul3A_810 = vector.broadcast %mul3A_809 : i32 to vector<16xi32>
      %mul3A_811 = arith.muli %iota3A, %mul3A_810 : vector<16xi32>
      %add3A_812 = arith.constant 1 : i32
      %add3A_813 = vector.broadcast %add3A_812 : i32 to vector<16xi32>
      %add3A_814 = arith.addi %mul3A_811, %add3A_813 : vector<16xi32>
      %gather3A_815 = tpu.vector_load_idx %arg16[%add3A_814] : memref<256xf32, #tpu.memory_space<vmem>>[vector<16xi32>], vector<16xf32>,
      %xor3A_816 = arith.constant 8 : i32
      %xor3A_817 = vector.broadcast %xor3A_816 : i32 to vector<16xi32>
      %xor3A_818 = arith.xori %iota3A, %xor3A_817 : vector<16xi32>
      %lt3A_819 = arith.constant 0 : i32
      %lt3A_820 = vector.broadcast %lt3A_819 : i32 to vector<16xi32>
      %lt3A_821 = arith.cmpi slt, %xor3A_818, %lt3A_820 : vector<16xi32>
      %add3A_822 = arith.constant 16 : i32
      %add3A_823 = vector.broadcast %add3A_822 : i32 to vector<16xi32>
      %add3A_824 = arith.addi %xor3A_818, %add3A_823 : vector<16xi32>
      %select_n3A_825 = arith.select %lt3A_821, %add3A_824, %xor3A_818 : vector<16xi1>, vector<16xi32>
      %broadcast_in_dim3A_826 = vector.shape_cast %select_n3A_825 : vector<16xi32> to vector<16x1xi32>
      %gather3A_827 = vector.shape_cast %broadcast_in_dim3A_826 : vector<16x1xi32> to vector<16xi32>
      %gather3A_828 = tpu.dynamic_gather %gather3A_808[%gather3A_827] in [0] : vector<16xf32>, vector<16xi32> -> vector<16xf32>
      %xor3A_829 = arith.constant 8 : i32
      %xor3A_830 = vector.broadcast %xor3A_829 : i32 to vector<16xi32>
      %xor3A_831 = arith.xori %iota3A, %xor3A_830 : vector<16xi32>
      %lt3A_832 = arith.constant 0 : i32
      %lt3A_833 = vector.broadcast %lt3A_832 : i32 to vector<16xi32>
      %lt3A_834 = arith.cmpi slt, %xor3A_831, %lt3A_833 : vector<16xi32>
      %add3A_835 = arith.constant 16 : i32
      %add3A_836 = vector.broadcast %add3A_835 : i32 to vector<16xi32>
      %add3A_837 = arith.addi %xor3A_831, %add3A_836 : vector<16xi32>
      %select_n3A_838 = arith.select %lt3A_834, %add3A_837, %xor3A_831 : vector<16xi1>, vector<16xi32>
      %broadcast_in_dim3A_839 = vector.shape_cast %select_n3A_838 : vector<16xi32> to vector<16x1xi32>
      %gather3A_840 = vector.shape_cast %broadcast_in_dim3A_839 : vector<16x1xi32> to vector<16xi32>
      %gather3A_841 = tpu.dynamic_gather %gather3A_815[%gather3A_840] in [0] : vector<16xf32>, vector<16xi32> -> vector<16xf32>
      %gt3A_842 = arith.cmpf ogt, %gather3A_828, %gather3A_808 : vector<16xf32>
      %eq3A_843 = arith.cmpf oeq, %gather3A_828, %gather3A_808 : vector<16xf32>
      %min3A_844 = arith.minimumf %gather3A_815, %gather3A_841 : vector<16xf32>
      %select_n3A_845 = arith.select %eq3A_843, %min3A_844, %gather3A_815 : vector<16xi1>, vector<16xf32>
      %select_n3A_846 = arith.select %gt3A_842, %gather3A_841, %select_n3A_845 : vector<16xi1>, vector<16xf32>
      %select_n3A_847 = arith.select %gt3A_842, %gather3A_828, %gather3A_808 : vector<16xi1>, vector<16xf32>
      %xor3A_848 = arith.constant 4 : i32
      %xor3A_849 = vector.broadcast %xor3A_848 : i32 to vector<16xi32>
      %xor3A_850 = arith.xori %iota3A, %xor3A_849 : vector<16xi32>
      %lt3A_851 = arith.constant 0 : i32
      %lt3A_852 = vector.broadcast %lt3A_851 : i32 to vector<16xi32>
      %lt3A_853 = arith.cmpi slt, %xor3A_850, %lt3A_852 : vector<16xi32>
      %add3A_854 = arith.constant 16 : i32
      %add3A_855 = vector.broadcast %add3A_854 : i32 to vector<16xi32>
      %add3A_856 = arith.addi %xor3A_850, %add3A_855 : vector<16xi32>
      %select_n3A_857 = arith.select %lt3A_853, %add3A_856, %xor3A_850 : vector<16xi1>, vector<16xi32>
      %broadcast_in_dim3A_858 = vector.shape_cast %select_n3A_857 : vector<16xi32> to vector<16x1xi32>
      %gather3A_859 = vector.shape_cast %broadcast_in_dim3A_858 : vector<16x1xi32> to vector<16xi32>
      %gather3A_860 = tpu.dynamic_gather %select_n3A_847[%gather3A_859] in [0] : vector<16xf32>, vector<16xi32> -> vector<16xf32>
      %xor3A_861 = arith.constant 4 : i32
      %xor3A_862 = vector.broadcast %xor3A_861 : i32 to vector<16xi32>
      %xor3A_863 = arith.xori %iota3A, %xor3A_862 : vector<16xi32>
      %lt3A_864 = arith.constant 0 : i32
      %lt3A_865 = vector.broadcast %lt3A_864 : i32 to vector<16xi32>
      %lt3A_866 = arith.cmpi slt, %xor3A_863, %lt3A_865 : vector<16xi32>
      %add3A_867 = arith.constant 16 : i32
      %add3A_868 = vector.broadcast %add3A_867 : i32 to vector<16xi32>
      %add3A_869 = arith.addi %xor3A_863, %add3A_868 : vector<16xi32>
      %select_n3A_870 = arith.select %lt3A_866, %add3A_869, %xor3A_863 : vector<16xi1>, vector<16xi32>
      %broadcast_in_dim3A_871 = vector.shape_cast %select_n3A_870 : vector<16xi32> to vector<16x1xi32>
      %gather3A_872 = vector.shape_cast %broadcast_in_dim3A_871 : vector<16x1xi32> to vector<16xi32>
      %gather3A_873 = tpu.dynamic_gather %select_n3A_846[%gather3A_872] in [0] : vector<16xf32>, vector<16xi32> -> vector<16xf32>
      %gt3A_874 = arith.cmpf ogt, %gather3A_860, %select_n3A_847 : vector<16xf32>
      %eq3A_875 = arith.cmpf oeq, %gather3A_860, %select_n3A_847 : vector<16xf32>
      %min3A_876 = arith.minimumf %select_n3A_846, %gather3A_873 : vector<16xf32>
      %select_n3A_877 = arith.select %eq3A_875, %min3A_876, %select_n3A_846 : vector<16xi1>, vector<16xf32>
      %select_n3A_878 = arith.select %gt3A_874, %gather3A_873, %select_n3A_877 : vector<16xi1>, vector<16xf32>
      %select_n3A_879 = arith.select %gt3A_874, %gather3A_860, %select_n3A_847 : vector<16xi1>, vector<16xf32>
      %xor3A_880 = arith.constant 2 : i32
      %xor3A_881 = vector.broadcast %xor3A_880 : i32 to vector<16xi32>
      %xor3A_882 = arith.xori %iota3A, %xor3A_881 : vector<16xi32>
      %lt3A_883 = arith.constant 0 : i32
      %lt3A_884 = vector.broadcast %lt3A_883 : i32 to vector<16xi32>
      %lt3A_885 = arith.cmpi slt, %xor3A_882, %lt3A_884 : vector<16xi32>
      %add3A_886 = arith.constant 16 : i32
      %add3A_887 = vector.broadcast %add3A_886 : i32 to vector<16xi32>
      %add3A_888 = arith.addi %xor3A_882, %add3A_887 : vector<16xi32>
      %select_n3A_889 = arith.select %lt3A_885, %add3A_888, %xor3A_882 : vector<16xi1>, vector<16xi32>
      %broadcast_in_dim3A_890 = vector.shape_cast %select_n3A_889 : vector<16xi32> to vector<16x1xi32>
      %gather3A_891 = vector.shape_cast %broadcast_in_dim3A_890 : vector<16x1xi32> to vector<16xi32>
      %gather3A_892 = tpu.dynamic_gather %select_n3A_879[%gather3A_891] in [0] : vector<16xf32>, vector<16xi32> -> vector<16xf32>
      %xor3A_893 = arith.constant 2 : i32
      %xor3A_894 = vector.broadcast %xor3A_893 : i32 to vector<16xi32>
      %xor3A_895 = arith.xori %iota3A, %xor3A_894 : vector<16xi32>
      %lt3A_896 = arith.constant 0 : i32
      %lt3A_897 = vector.broadcast %lt3A_896 : i32 to vector<16xi32>
      %lt3A_898 = arith.cmpi slt, %xor3A_895, %lt3A_897 : vector<16xi32>
      %add3A_899 = arith.constant 16 : i32
      %add3A_900 = vector.broadcast %add3A_899 : i32 to vector<16xi32>
      %add3A_901 = arith.addi %xor3A_895, %add3A_900 : vector<16xi32>
      %select_n3A_902 = arith.select %lt3A_898, %add3A_901, %xor3A_895 : vector<16xi1>, vector<16xi32>
      %broadcast_in_dim3A_903 = vector.shape_cast %select_n3A_902 : vector<16xi32> to vector<16x1xi32>
      %gather3A_904 = vector.shape_cast %broadcast_in_dim3A_903 : vector<16x1xi32> to vector<16xi32>
      %gather3A_905 = tpu.dynamic_gather %select_n3A_878[%gather3A_904] in [0] : vector<16xf32>, vector<16xi32> -> vector<16xf32>
      %gt3A_906 = arith.cmpf ogt, %gather3A_892, %select_n3A_879 : vector<16xf32>
      %eq3A_907 = arith.cmpf oeq, %gather3A_892, %select_n3A_879 : vector<16xf32>
      %min3A_908 = arith.minimumf %select_n3A_878, %gather3A_905 : vector<16xf32>
      %select_n3A_909 = arith.select %eq3A_907, %min3A_908, %select_n3A_878 : vector<16xi1>, vector<16xf32>
      %select_n3A_910 = arith.select %gt3A_906, %gather3A_905, %select_n3A_909 : vector<16xi1>, vector<16xf32>
      %select_n3A_911 = arith.select %gt3A_906, %gather3A_892, %select_n3A_879 : vector<16xi1>, vector<16xf32>
      %xor3A_912 = arith.constant 1 : i32
      %xor3A_913 = vector.broadcast %xor3A_912 : i32 to vector<16xi32>
      %xor3A_914 = arith.xori %iota3A, %xor3A_913 : vector<16xi32>
      %lt3A_915 = arith.constant 0 : i32
      %lt3A_916 = vector.broadcast %lt3A_915 : i32 to vector<16xi32>
      %lt3A_917 = arith.cmpi slt, %xor3A_914, %lt3A_916 : vector<16xi32>
      %add3A_918 = arith.constant 16 : i32
      %add3A_919 = vector.broadcast %add3A_918 : i32 to vector<16xi32>
      %add3A_920 = arith.addi %xor3A_914, %add3A_919 : vector<16xi32>
      %select_n3A_921 = arith.select %lt3A_917, %add3A_920, %xor3A_914 : vector<16xi1>, vector<16xi32>
      %broadcast_in_dim3A_922 = vector.shape_cast %select_n3A_921 : vector<16xi32> to vector<16x1xi32>
      %gather3A_923 = vector.shape_cast %broadcast_in_dim3A_922 : vector<16x1xi32> to vector<16xi32>
      %gather3A_924 = tpu.dynamic_gather %select_n3A_911[%gather3A_923] in [0] : vector<16xf32>, vector<16xi32> -> vector<16xf32>
      %xor3A_925 = arith.constant 1 : i32
      %xor3A_926 = vector.broadcast %xor3A_925 : i32 to vector<16xi32>
      %xor3A_927 = arith.xori %iota3A, %xor3A_926 : vector<16xi32>
      %lt3A_928 = arith.constant 0 : i32
      %lt3A_929 = vector.broadcast %lt3A_928 : i32 to vector<16xi32>
      %lt3A_930 = arith.cmpi slt, %xor3A_927, %lt3A_929 : vector<16xi32>
      %add3A_931 = arith.constant 16 : i32
      %add3A_932 = vector.broadcast %add3A_931 : i32 to vector<16xi32>
      %add3A_933 = arith.addi %xor3A_927, %add3A_932 : vector<16xi32>
      %select_n3A_934 = arith.select %lt3A_930, %add3A_933, %xor3A_927 : vector<16xi1>, vector<16xi32>
      %broadcast_in_dim3A_935 = vector.shape_cast %select_n3A_934 : vector<16xi32> to vector<16x1xi32>
      %gather3A_936 = vector.shape_cast %broadcast_in_dim3A_935 : vector<16x1xi32> to vector<16xi32>
      %gather3A_937 = tpu.dynamic_gather %select_n3A_910[%gather3A_936] in [0] : vector<16xf32>, vector<16xi32> -> vector<16xf32>
      %gt3A_938 = arith.cmpf ogt, %gather3A_924, %select_n3A_911 : vector<16xf32>
      %eq3A_939 = arith.cmpf oeq, %gather3A_924, %select_n3A_911 : vector<16xf32>
      %min3A_940 = arith.minimumf %select_n3A_910, %gather3A_937 : vector<16xf32>
      %select_n3A_941 = arith.select %eq3A_939, %min3A_940, %select_n3A_910 : vector<16xi1>, vector<16xf32>
      %select_n3A_942 = arith.select %gt3A_938, %gather3A_937, %select_n3A_941 : vector<16xi1>, vector<16xf32>
      %select_n3A_943 = arith.select %gt3A_938, %gather3A_924, %select_n3A_911 : vector<16xi1>, vector<16xf32>
      %eq3A_944 = arith.cmpf oeq, %gather3A_808, %select_n3A_943 : vector<16xf32>
      %eq3A_945 = arith.cmpf oeq, %gather3A_815, %select_n3A_942 : vector<16xf32>
      %and3A_946 = arith.andi %eq3A_944, %eq3A_945 : vector<16xi1>
      %jit3A_947 = arith.constant 17 : i32
      %broadcast_in_dim3A_948 = vector.broadcast %jit3A_947 : i32 to vector<16xi32>
      %select_n3A_949 = arith.select %and3A_946, %iota3A, %broadcast_in_dim3A_948 : vector<16xi1>, vector<16xi32>
      %xor3A_950 = arith.constant 8 : i32
      %xor3A_951 = vector.broadcast %xor3A_950 : i32 to vector<16xi32>
      %xor3A_952 = arith.xori %iota3A, %xor3A_951 : vector<16xi32>
      %lt3A_953 = arith.constant 0 : i32
      %lt3A_954 = vector.broadcast %lt3A_953 : i32 to vector<16xi32>
      %lt3A_955 = arith.cmpi slt, %xor3A_952, %lt3A_954 : vector<16xi32>
      %add3A_956 = arith.constant 16 : i32
      %add3A_957 = vector.broadcast %add3A_956 : i32 to vector<16xi32>
      %add3A_958 = arith.addi %xor3A_952, %add3A_957 : vector<16xi32>
      %select_n3A_959 = arith.select %lt3A_955, %add3A_958, %xor3A_952 : vector<16xi1>, vector<16xi32>
      %broadcast_in_dim3A_960 = vector.shape_cast %select_n3A_959 : vector<16xi32> to vector<16x1xi32>
      %gather3A_961 = vector.shape_cast %broadcast_in_dim3A_960 : vector<16x1xi32> to vector<16xi32>
      %gather3A_962 = tpu.dynamic_gather %select_n3A_949[%gather3A_961] in [0] : vector<16xi32>, vector<16xi32> -> vector<16xi32>
      %min3A_963 = arith.minsi %select_n3A_949, %gather3A_962 : vector<16xi32>
      %xor3A_964 = arith.constant 4 : i32
      %xor3A_965 = vector.broadcast %xor3A_964 : i32 to vector<16xi32>
      %xor3A_966 = arith.xori %iota3A, %xor3A_965 : vector<16xi32>
      %lt3A_967 = arith.constant 0 : i32
      %lt3A_968 = vector.broadcast %lt3A_967 : i32 to vector<16xi32>
      %lt3A_969 = arith.cmpi slt, %xor3A_966, %lt3A_968 : vector<16xi32>
      %add3A_970 = arith.constant 16 : i32
      %add3A_971 = vector.broadcast %add3A_970 : i32 to vector<16xi32>
      %add3A_972 = arith.addi %xor3A_966, %add3A_971 : vector<16xi32>
      %select_n3A_973 = arith.select %lt3A_969, %add3A_972, %xor3A_966 : vector<16xi1>, vector<16xi32>
      %broadcast_in_dim3A_974 = vector.shape_cast %select_n3A_973 : vector<16xi32> to vector<16x1xi32>
      %gather3A_975 = vector.shape_cast %broadcast_in_dim3A_974 : vector<16x1xi32> to vector<16xi32>
      %gather3A_976 = tpu.dynamic_gather %min3A_963[%gather3A_975] in [0] : vector<16xi32>, vector<16xi32> -> vector<16xi32>
      %min3A_977 = arith.minsi %min3A_963, %gather3A_976 : vector<16xi32>
      %xor3A_978 = arith.constant 2 : i32
      %xor3A_979 = vector.broadcast %xor3A_978 : i32 to vector<16xi32>
      %xor3A_980 = arith.xori %iota3A, %xor3A_979 : vector<16xi32>
      %lt3A_981 = arith.constant 0 : i32
      %lt3A_982 = vector.broadcast %lt3A_981 : i32 to vector<16xi32>
      %lt3A_983 = arith.cmpi slt, %xor3A_980, %lt3A_982 : vector<16xi32>
      %add3A_984 = arith.constant 16 : i32
      %add3A_985 = vector.broadcast %add3A_984 : i32 to vector<16xi32>
      %add3A_986 = arith.addi %xor3A_980, %add3A_985 : vector<16xi32>
      %select_n3A_987 = arith.select %lt3A_983, %add3A_986, %xor3A_980 : vector<16xi1>, vector<16xi32>
      %broadcast_in_dim3A_988 = vector.shape_cast %select_n3A_987 : vector<16xi32> to vector<16x1xi32>
      %gather3A_989 = vector.shape_cast %broadcast_in_dim3A_988 : vector<16x1xi32> to vector<16xi32>
      %gather3A_990 = tpu.dynamic_gather %min3A_977[%gather3A_989] in [0] : vector<16xi32>, vector<16xi32> -> vector<16xi32>
      %min3A_991 = arith.minsi %min3A_977, %gather3A_990 : vector<16xi32>
      %xor3A_992 = arith.constant 1 : i32
      %xor3A_993 = vector.broadcast %xor3A_992 : i32 to vector<16xi32>
      %xor3A_994 = arith.xori %iota3A, %xor3A_993 : vector<16xi32>
      %lt3A_995 = arith.constant 0 : i32
      %lt3A_996 = vector.broadcast %lt3A_995 : i32 to vector<16xi32>
      %lt3A_997 = arith.cmpi slt, %xor3A_994, %lt3A_996 : vector<16xi32>
      %add3A_998 = arith.constant 16 : i32
      %add3A_999 = vector.broadcast %add3A_998 : i32 to vector<16xi32>
      %add3A_1000 = arith.addi %xor3A_994, %add3A_999 : vector<16xi32>
      %select_n3A_1001 = arith.select %lt3A_997, %add3A_1000, %xor3A_994 : vector<16xi1>, vector<16xi32>
      %broadcast_in_dim3A_1002 = vector.shape_cast %select_n3A_1001 : vector<16xi32> to vector<16x1xi32>
      %gather3A_1003 = vector.shape_cast %broadcast_in_dim3A_1002 : vector<16x1xi32> to vector<16xi32>
      %gather3A_1004 = tpu.dynamic_gather %min3A_991[%gather3A_1003] in [0] : vector<16xi32>, vector<16xi32> -> vector<16xi32>
      %min3A_1005 = arith.minsi %min3A_991, %gather3A_1004 : vector<16xi32>
      %mul3A_1006 = arith.constant 16 : i32
      %mul3A_1007 = vector.broadcast %mul3A_1006 : i32 to vector<16xi32>
      %mul3A_1008 = arith.muli %min3A_1005, %mul3A_1007 : vector<16xi32>
      %add3A_1009 = arith.constant 2 : i32
      %add3A_1010 = vector.broadcast %add3A_1009 : i32 to vector<16xi32>
      %add3A_1011 = arith.addi %mul3A_1008, %add3A_1010 : vector<16xi32>
      %gather3A_1012 = tpu.vector_load_idx %arg16[%add3A_1011] : memref<256xf32, #tpu.memory_space<vmem>>[vector<16xi32>], vector<16xf32>,
      %add3A_1013 = arith.constant 3 : i32
      %add3A_1014 = vector.broadcast %add3A_1013 : i32 to vector<16xi32>
      %add3A_1015 = arith.addi %mul3A_1008, %add3A_1014 : vector<16xi32>
      %gather3A_1016 = tpu.vector_load_idx %arg16[%add3A_1015] : memref<256xf32, #tpu.memory_space<vmem>>[vector<16xi32>], vector<16xf32>,
      %add3A_1017 = arith.constant 4 : i32
      %add3A_1018 = vector.broadcast %add3A_1017 : i32 to vector<16xi32>
      %add3A_1019 = arith.addi %mul3A_1008, %add3A_1018 : vector<16xi32>
      %gather3A_1020 = tpu.vector_load_idx %arg16[%add3A_1019] : memref<256xf32, #tpu.memory_space<vmem>>[vector<16xi32>], vector<16xf32>,
      %add3A_1021 = arith.constant 5 : i32
      %add3A_1022 = vector.broadcast %add3A_1021 : i32 to vector<16xi32>
      %add3A_1023 = arith.addi %mul3A_1008, %add3A_1022 : vector<16xi32>
      %gather3A_1024 = tpu.vector_load_idx %arg16[%add3A_1023] : memref<256xf32, #tpu.memory_space<vmem>>[vector<16xi32>], vector<16xf32>,
      %add3A_1025 = arith.constant 6 : i32
      %add3A_1026 = vector.broadcast %add3A_1025 : i32 to vector<16xi32>
      %add3A_1027 = arith.addi %mul3A_1008, %add3A_1026 : vector<16xi32>
      %gather3A_1028 = tpu.vector_load_idx %arg16[%add3A_1027] : memref<256xf32, #tpu.memory_space<vmem>>[vector<16xi32>], vector<16xf32>,
      %gt3A_1029 = arith.constant 2.000000e+00 : f32
      %gt3A_1030 = vector.broadcast %gt3A_1029 : f32 to vector<16xf32>
      %gt3A_1031 = arith.cmpf ogt, %select_n3A_943, %gt3A_1030 : vector<16xf32>
      %sub3A_1032 = arith.subf %gather3A_1020, %gather3A_1012 : vector<16xf32>
      %sub3A_1033 = arith.subf %gather3A_1024, %gather3A_1016 : vector<16xf32>
      %mul3A_1034 = arith.mulf %sub3A_1032, %sub3A_1033 : vector<16xf32>
      %convert_element_type3A_1035 = arith.fptosi %select_n3A_942 : vector<16xf32> to vector<16xi32>
      %sub3A_1036 = vector.broadcast %mul3A_0 : i32 to vector<16xi32>
      %sub3A_1037 = arith.subi %convert_element_type3A_1035, %sub3A_1036 : vector<16xi32>
      %ge3A = arith.constant 0 : i32
      %ge3A_1038 = vector.broadcast %ge3A : i32 to vector<16xi32>
      %ge3A_1039 = arith.cmpi sge, %sub3A_1037, %ge3A_1038 : vector<16xi32>
      %lt3A_1040 = arith.constant 320 : i32
      %lt3A_1041 = vector.broadcast %lt3A_1040 : i32 to vector<16xi32>
      %lt3A_1042 = arith.cmpi slt, %sub3A_1037, %lt3A_1041 : vector<16xi32>
      %and3A_1043 = arith.andi %ge3A_1039, %lt3A_1042 : vector<16xi1>
      %eq3A_1044 = arith.constant 0 : i32
      %eq3A_1045 = vector.broadcast %eq3A_1044 : i32 to vector<16xi32>
      %eq3A_1046 = arith.cmpi eq, %iota3A, %eq3A_1045 : vector<16xi32>
      %and3A_1047 = arith.andi %and3A_1043, %eq3A_1046 : vector<16xi1>
      %jit3A_1048 = arith.constant 0 : i32
      %jit3A_1049 = arith.constant 319 : i32
      %max3A_1050 = vector.broadcast %jit3A_1048 : i32 to vector<16xi32>
      %max3A_1051 = arith.maxsi %max3A_1050, %sub3A_1037 : vector<16xi32>
      %min3A_1052 = vector.broadcast %jit3A_1049 : i32 to vector<16xi32>
      %min3A_1053 = arith.minsi %min3A_1052, %max3A_1051 : vector<16xi32>
      tpu.vector_store_idx %arg14[%min3A_1053], %broadcast_in_dim3A_1 masked %and3A_1047 : memref<320xf32, #tpu.memory_space<vmem>>[vector<16xi32>], vector<16xf32>, vector<16xi1>
      tpu.vector_store_idx %arg13[%min3A_1053], %broadcast_in_dim3A_3 masked %and3A_1047 : memref<320xf32, #tpu.memory_space<vmem>>[vector<16xi32>], vector<16xf32>, vector<16xi1>
      %eq3A_1054 = arith.constant 0 : i32
      %eq3A_1055 = arith.cmpi eq, %arg0, %eq3A_1054 : i32
      %eq3A_1056 = arith.constant 0 : i32
      %eq3A_1057 = arith.cmpi eq, %arg1, %eq3A_1056 : i32
      %and3A_1058 = arith.andi %eq3A_1055, %eq3A_1057 : i1
      %convert_element_type3A_1059 = arith.extui %and3A_1058 : i1 to i32
      %cond3A_1060 = arith.constant 0 : i32
      %cond3A_1061 = arith.cmpi ne, %convert_element_type3A_1059, %cond3A_1060 : i32
      scf.if %cond3A_1061 {
        %broadcast_in_dim3A_2425 = arith.constant -1.000000e+00 : f32
        %broadcast_in_dim3A_2426 = vector.broadcast %broadcast_in_dim3A_2425 : f32 to vector<16xf32>
        %select_n3A_2427 = arith.select %gt3A_1031, %gather3A_1028, %broadcast_in_dim3A_2426 : vector<16xi1>, vector<16xf32>
        %eq3A_2428 = arith.constant 0 : i32
        %eq3A_2429 = vector.broadcast %eq3A_2428 : i32 to vector<16xi32>
        %eq3A_2430 = arith.cmpi eq, %iota3A, %eq3A_2429 : vector<16xi32>
        %eq3A_2431 = arith.constant 1 : i32
        %eq3A_2432 = vector.broadcast %eq3A_2431 : i32 to vector<16xi32>
        %eq3A_2433 = arith.cmpi eq, %iota3A, %eq3A_2432 : vector<16xi32>
        %eq3A_2434 = arith.constant 2 : i32
        %eq3A_2435 = vector.broadcast %eq3A_2434 : i32 to vector<16xi32>
        %eq3A_2436 = arith.cmpi eq, %iota3A, %eq3A_2435 : vector<16xi32>
        %eq3A_2437 = arith.constant 3 : i32
        %eq3A_2438 = vector.broadcast %eq3A_2437 : i32 to vector<16xi32>
        %eq3A_2439 = arith.cmpi eq, %iota3A, %eq3A_2438 : vector<16xi32>
        %eq3A_2440 = arith.constant 4 : i32
        %eq3A_2441 = vector.broadcast %eq3A_2440 : i32 to vector<16xi32>
        %eq3A_2442 = arith.cmpi eq, %iota3A, %eq3A_2441 : vector<16xi32>
        %select_n3A_2443 = arith.select %eq3A_2442, %select_n3A_2427, %broadcast_in_dim3A_3 : vector<16xi1>, vector<16xf32>
        %select_n3A_2444 = arith.select %eq3A_2439, %gather3A_1024, %select_n3A_2443 : vector<16xi1>, vector<16xf32>
        %select_n3A_2445 = arith.select %eq3A_2436, %gather3A_1020, %select_n3A_2444 : vector<16xi1>, vector<16xf32>
        %select_n3A_2446 = arith.select %eq3A_2433, %gather3A_1016, %select_n3A_2445 : vector<16xi1>, vector<16xf32>
        %select_n3A_2447 = arith.select %eq3A_2430, %gather3A_1012, %select_n3A_2446 : vector<16xi1>, vector<16xf32>
        %mul3A_2448 = arith.constant 16 : i32
        %mul3A_2449 = arith.muli %scan3A_618, %mul3A_2448 : i32
        %add3A_2450 = vector.broadcast %mul3A_2449 : i32 to vector<16xi32>
        %add3A_2451 = arith.addi %add3A_2450, %iota3A : vector<16xi32>
        tpu.vector_store_idx %arg17[%add3A_2451], %select_n3A_2447 : memref<1600xf32, #tpu.memory_space<vmem>>[vector<16xi32>], vector<16xf32>,
      } else {
      }
      %broadcast_in_dim3A_1062 = arith.constant -3.000000e+09 : f32
      %broadcast_in_dim3A_1063 = vector.broadcast %broadcast_in_dim3A_1062 : f32 to vector<16xf32>
      %broadcast_in_dim3A_1064 = arith.constant 0 : i32
      %broadcast_in_dim3A_1065 = vector.broadcast %broadcast_in_dim3A_1064 : i32 to vector<16xi32>
      %get3A_1066 = arith.constant 0 : index
      %get3A_1067 = tpu.vector_load %arg12[%get3A_1066] {strides = array<i32>} : memref<320xf32, #tpu.memory_space<vmem>>, vector<16xf32>,
      %get3A_1068 = arith.constant 0 : index
      %get3A_1069 = tpu.vector_load %arg13[%get3A_1068] {strides = array<i32>} : memref<320xf32, #tpu.memory_space<vmem>>, vector<16xf32>,
      %get3A_1070 = arith.constant 0 : index
      %get3A_1071 = tpu.vector_load %arg14[%get3A_1070] {strides = array<i32>} : memref<320xf32, #tpu.memory_space<vmem>>, vector<16xf32>,
      %get3A_1072 = arith.constant 0 : index
      %get3A_1073 = tpu.vector_load %arg8[%get3A_1072] {strides = array<i32>} : memref<320xf32, #tpu.memory_space<vmem>>, vector<16xf32>,
      %get3A_1074 = arith.constant 0 : index
      %get3A_1075 = tpu.vector_load %arg9[%get3A_1074] {strides = array<i32>} : memref<320xf32, #tpu.memory_space<vmem>>, vector<16xf32>,
      %get3A_1076 = arith.constant 0 : index
      %get3A_1077 = tpu.vector_load %arg10[%get3A_1076] {strides = array<i32>} : memref<320xf32, #tpu.memory_space<vmem>>, vector<16xf32>,
      %get3A_1078 = arith.constant 0 : index
      %get3A_1079 = tpu.vector_load %arg11[%get3A_1078] {strides = array<i32>} : memref<320xf32, #tpu.memory_space<vmem>>, vector<16xf32>,
      %max3A_1080 = arith.maximumf %gather3A_1012, %get3A_1073 : vector<16xf32>
      %max3A_1081 = arith.maximumf %gather3A_1016, %get3A_1075 : vector<16xf32>
      %min3A_1082 = arith.minimumf %gather3A_1020, %get3A_1077 : vector<16xf32>
      %min3A_1083 = arith.minimumf %gather3A_1024, %get3A_1079 : vector<16xf32>
      %sub3A_1084 = arith.subf %min3A_1082, %max3A_1080 : vector<16xf32>
      %max3A_1085 = arith.constant 0.000000e+00 : f32
      %max3A_1086 = vector.broadcast %max3A_1085 : f32 to vector<16xf32>
      %max3A_1087 = arith.maximumf %sub3A_1084, %max3A_1086 : vector<16xf32>
      %sub3A_1088 = arith.subf %min3A_1083, %max3A_1081 : vector<16xf32>
      %max3A_1089 = arith.constant 0.000000e+00 : f32
      %max3A_1090 = vector.broadcast %max3A_1089 : f32 to vector<16xf32>
      %max3A_1091 = arith.maximumf %sub3A_1088, %max3A_1090 : vector<16xf32>
      %mul3A_1092 = arith.mulf %max3A_1087, %max3A_1091 : vector<16xf32>
      %sub3A_1093 = arith.subf %get3A_1077, %get3A_1073 : vector<16xf32>
      %sub3A_1094 = arith.subf %get3A_1079, %get3A_1075 : vector<16xf32>
      %mul3A_1095 = arith.mulf %sub3A_1093, %sub3A_1094 : vector<16xf32>
      %add3A_1096 = arith.addf %mul3A_1095, %mul3A_1034 : vector<16xf32>
      %sub3A_1097 = arith.subf %add3A_1096, %mul3A_1092 : vector<16xf32>
      %add3A_1098 = arith.constant 9.99999971E-10 : f32
      %add3A_1099 = vector.broadcast %add3A_1098 : f32 to vector<16xf32>
      %add3A_1100 = arith.addf %sub3A_1097, %add3A_1099 : vector<16xf32>
      %div3A = arith.divf %mul3A_1092, %add3A_1100 : vector<16xf32>
      %gt3A_1101 = arith.constant 5.000000e-01 : f32
      %gt3A_1102 = vector.broadcast %gt3A_1101 : f32 to vector<16xf32>
      %gt3A_1103 = arith.cmpf ogt, %div3A, %gt3A_1102 : vector<16xf32>
      %jit3A_1104 = arith.constant 0.000000e+00 : f32
      %broadcast_in_dim3A_1105 = vector.broadcast %jit3A_1104 : f32 to vector<16xf32>
      %select_n3A_1106 = arith.select %gt3A_1103, %broadcast_in_dim3A_1105, %get3A_1069 : vector<16xi1>, vector<16xf32>
      %swap3A_1107 = arith.constant 0 : index
      %swap3A_1108 = tpu.vector_load %arg13[%swap3A_1107] {strides = array<i32>} : memref<320xf32, #tpu.memory_space<vmem>>, vector<16xf32>,
      tpu.vector_store %arg13[%swap3A_1107], %select_n3A_1106 {strides = array<i32>} : memref<320xf32, #tpu.memory_space<vmem>>, vector<16xf32>,
      %gt3A_1109 = arith.constant 5.000000e-01 : f32
      %gt3A_1110 = vector.broadcast %gt3A_1109 : f32 to vector<16xf32>
      %gt3A_1111 = arith.cmpf ogt, %select_n3A_1106, %gt3A_1110 : vector<16xf32>
      %gt3A_1112 = arith.constant 5.000000e-02 : f32
      %gt3A_1113 = vector.broadcast %gt3A_1112 : f32 to vector<16xf32>
      %gt3A_1114 = arith.cmpf ogt, %get3A_1067, %gt3A_1113 : vector<16xf32>
      %and3A_1115 = arith.andi %gt3A_1111, %gt3A_1114 : vector<16xi1>
      %add3A_1116 = arith.constant 2.000000e+00 : f32
      %add3A_1117 = vector.broadcast %add3A_1116 : f32 to vector<16xf32>
      %add3A_1118 = arith.addf %get3A_1067, %add3A_1117 : vector<16xf32>
      %gt3A_1119 = arith.constant 5.000000e-01 : f32
      %gt3A_1120 = vector.broadcast %gt3A_1119 : f32 to vector<16xf32>
      %gt3A_1121 = arith.cmpf ogt, %get3A_1071, %gt3A_1120 : vector<16xf32>
      %jit3A_1122 = arith.constant -1.000000e+09 : f32
      %broadcast_in_dim3A_1123 = vector.broadcast %jit3A_1122 : f32 to vector<16xf32>
      %select_n3A_1124 = arith.select %gt3A_1121, %broadcast_in_dim3A_1123, %get3A_1067 : vector<16xi1>, vector<16xf32>
      %select_n3A_1125 = arith.select %and3A_1115, %add3A_1118, %select_n3A_1124 : vector<16xi1>, vector<16xf32>
      %add3A_1126 = arith.constant 0 : i32
      %add3A_1127 = arith.addi %mul3A_0, %add3A_1126 : i32
      %add3A_1128 = vector.broadcast %add3A_1127 : i32 to vector<16xi32>
      %add3A_1129 = arith.addi %add3A_1128, %iota3A : vector<16xi32>
      %gt3A_1130 = arith.cmpf ogt, %select_n3A_1125, %broadcast_in_dim3A_1063 : vector<16xf32>
      %select_n3A_1131 = arith.select %gt3A_1130, %select_n3A_1125, %broadcast_in_dim3A_1063 : vector<16xi1>, vector<16xf32>
      %select_n3A_1132 = arith.select %gt3A_1130, %add3A_1129, %broadcast_in_dim3A_1065 : vector<16xi1>, vector<16xi32>
      %get3A_1133 = arith.constant 16 : index
      %get3A_1134 = tpu.vector_load %arg12[%get3A_1133] {strides = array<i32>} : memref<320xf32, #tpu.memory_space<vmem>>, vector<16xf32>,
      %get3A_1135 = arith.constant 16 : index
      %get3A_1136 = tpu.vector_load %arg13[%get3A_1135] {strides = array<i32>} : memref<320xf32, #tpu.memory_space<vmem>>, vector<16xf32>,
      %get3A_1137 = arith.constant 16 : index
      %get3A_1138 = tpu.vector_load %arg14[%get3A_1137] {strides = array<i32>} : memref<320xf32, #tpu.memory_space<vmem>>, vector<16xf32>,
      %get3A_1139 = arith.constant 16 : index
      %get3A_1140 = tpu.vector_load %arg8[%get3A_1139] {strides = array<i32>} : memref<320xf32, #tpu.memory_space<vmem>>, vector<16xf32>,
      %get3A_1141 = arith.constant 16 : index
      %get3A_1142 = tpu.vector_load %arg9[%get3A_1141] {strides = array<i32>} : memref<320xf32, #tpu.memory_space<vmem>>, vector<16xf32>,
      %get3A_1143 = arith.constant 16 : index
      %get3A_1144 = tpu.vector_load %arg10[%get3A_1143] {strides = array<i32>} : memref<320xf32, #tpu.memory_space<vmem>>, vector<16xf32>,
      %get3A_1145 = arith.constant 16 : index
      %get3A_1146 = tpu.vector_load %arg11[%get3A_1145] {strides = array<i32>} : memref<320xf32, #tpu.memory_space<vmem>>, vector<16xf32>,
      %max3A_1147 = arith.maximumf %gather3A_1012, %get3A_1140 : vector<16xf32>
      %max3A_1148 = arith.maximumf %gather3A_1016, %get3A_1142 : vector<16xf32>
      %min3A_1149 = arith.minimumf %gather3A_1020, %get3A_1144 : vector<16xf32>
      %min3A_1150 = arith.minimumf %gather3A_1024, %get3A_1146 : vector<16xf32>
      %sub3A_1151 = arith.subf %min3A_1149, %max3A_1147 : vector<16xf32>
      %max3A_1152 = arith.constant 0.000000e+00 : f32
      %max3A_1153 = vector.broadcast %max3A_1152 : f32 to vector<16xf32>
      %max3A_1154 = arith.maximumf %sub3A_1151, %max3A_1153 : vector<16xf32>
      %sub3A_1155 = arith.subf %min3A_1150, %max3A_1148 : vector<16xf32>
      %max3A_1156 = arith.constant 0.000000e+00 : f32
      %max3A_1157 = vector.broadcast %max3A_1156 : f32 to vector<16xf32>
      %max3A_1158 = arith.maximumf %sub3A_1155, %max3A_1157 : vector<16xf32>
      %mul3A_1159 = arith.mulf %max3A_1154, %max3A_1158 : vector<16xf32>
      %sub3A_1160 = arith.subf %get3A_1144, %get3A_1140 : vector<16xf32>
      %sub3A_1161 = arith.subf %get3A_1146, %get3A_1142 : vector<16xf32>
      %mul3A_1162 = arith.mulf %sub3A_1160, %sub3A_1161 : vector<16xf32>
      %add3A_1163 = arith.addf %mul3A_1162, %mul3A_1034 : vector<16xf32>
      %sub3A_1164 = arith.subf %add3A_1163, %mul3A_1159 : vector<16xf32>
      %add3A_1165 = arith.constant 9.99999971E-10 : f32
      %add3A_1166 = vector.broadcast %add3A_1165 : f32 to vector<16xf32>
      %add3A_1167 = arith.addf %sub3A_1164, %add3A_1166 : vector<16xf32>
      %div3A_1168 = arith.divf %mul3A_1159, %add3A_1167 : vector<16xf32>
      %gt3A_1169 = arith.constant 5.000000e-01 : f32
      %gt3A_1170 = vector.broadcast %gt3A_1169 : f32 to vector<16xf32>
      %gt3A_1171 = arith.cmpf ogt, %div3A_1168, %gt3A_1170 : vector<16xf32>
      %jit3A_1172 = arith.constant 0.000000e+00 : f32
      %broadcast_in_dim3A_1173 = vector.broadcast %jit3A_1172 : f32 to vector<16xf32>
      %select_n3A_1174 = arith.select %gt3A_1171, %broadcast_in_dim3A_1173, %get3A_1136 : vector<16xi1>, vector<16xf32>
      %swap3A_1175 = arith.constant 16 : index
      %swap3A_1176 = tpu.vector_load %arg13[%swap3A_1175] {strides = array<i32>} : memref<320xf32, #tpu.memory_space<vmem>>, vector<16xf32>,
      tpu.vector_store %arg13[%swap3A_1175], %select_n3A_1174 {strides = array<i32>} : memref<320xf32, #tpu.memory_space<vmem>>, vector<16xf32>,
      %gt3A_1177 = arith.constant 5.000000e-01 : f32
      %gt3A_1178 = vector.broadcast %gt3A_1177 : f32 to vector<16xf32>
      %gt3A_1179 = arith.cmpf ogt, %select_n3A_1174, %gt3A_1178 : vector<16xf32>
      %gt3A_1180 = arith.constant 5.000000e-02 : f32
      %gt3A_1181 = vector.broadcast %gt3A_1180 : f32 to vector<16xf32>
      %gt3A_1182 = arith.cmpf ogt, %get3A_1134, %gt3A_1181 : vector<16xf32>
      %and3A_1183 = arith.andi %gt3A_1179, %gt3A_1182 : vector<16xi1>
      %add3A_1184 = arith.constant 2.000000e+00 : f32
      %add3A_1185 = vector.broadcast %add3A_1184 : f32 to vector<16xf32>
      %add3A_1186 = arith.addf %get3A_1134, %add3A_1185 : vector<16xf32>
      %gt3A_1187 = arith.constant 5.000000e-01 : f32
      %gt3A_1188 = vector.broadcast %gt3A_1187 : f32 to vector<16xf32>
      %gt3A_1189 = arith.cmpf ogt, %get3A_1138, %gt3A_1188 : vector<16xf32>
      %jit3A_1190 = arith.constant -1.000000e+09 : f32
      %broadcast_in_dim3A_1191 = vector.broadcast %jit3A_1190 : f32 to vector<16xf32>
      %select_n3A_1192 = arith.select %gt3A_1189, %broadcast_in_dim3A_1191, %get3A_1134 : vector<16xi1>, vector<16xf32>
      %select_n3A_1193 = arith.select %and3A_1183, %add3A_1186, %select_n3A_1192 : vector<16xi1>, vector<16xf32>
      %add3A_1194 = arith.constant 16 : i32
      %add3A_1195 = arith.addi %mul3A_0, %add3A_1194 : i32
      %add3A_1196 = vector.broadcast %add3A_1195 : i32 to vector<16xi32>
      %add3A_1197 = arith.addi %add3A_1196, %iota3A : vector<16xi32>
      %gt3A_1198 = arith.cmpf ogt, %select_n3A_1193, %select_n3A_1131 : vector<16xf32>
      %select_n3A_1199 = arith.select %gt3A_1198, %select_n3A_1193, %select_n3A_1131 : vector<16xi1>, vector<16xf32>
      %select_n3A_1200 = arith.select %gt3A_1198, %add3A_1197, %select_n3A_1132 : vector<16xi1>, vector<16xi32>
      %get3A_1201 = arith.constant 32 : index
      %get3A_1202 = tpu.vector_load %arg12[%get3A_1201] {strides = array<i32>} : memref<320xf32, #tpu.memory_space<vmem>>, vector<16xf32>,
      %get3A_1203 = arith.constant 32 : index
      %get3A_1204 = tpu.vector_load %arg13[%get3A_1203] {strides = array<i32>} : memref<320xf32, #tpu.memory_space<vmem>>, vector<16xf32>,
      %get3A_1205 = arith.constant 32 : index
      %get3A_1206 = tpu.vector_load %arg14[%get3A_1205] {strides = array<i32>} : memref<320xf32, #tpu.memory_space<vmem>>, vector<16xf32>,
      %get3A_1207 = arith.constant 32 : index
      %get3A_1208 = tpu.vector_load %arg8[%get3A_1207] {strides = array<i32>} : memref<320xf32, #tpu.memory_space<vmem>>, vector<16xf32>,
      %get3A_1209 = arith.constant 32 : index
      %get3A_1210 = tpu.vector_load %arg9[%get3A_1209] {strides = array<i32>} : memref<320xf32, #tpu.memory_space<vmem>>, vector<16xf32>,
      %get3A_1211 = arith.constant 32 : index
      %get3A_1212 = tpu.vector_load %arg10[%get3A_1211] {strides = array<i32>} : memref<320xf32, #tpu.memory_space<vmem>>, vector<16xf32>,
      %get3A_1213 = arith.constant 32 : index
      %get3A_1214 = tpu.vector_load %arg11[%get3A_1213] {strides = array<i32>} : memref<320xf32, #tpu.memory_space<vmem>>, vector<16xf32>,
      %max3A_1215 = arith.maximumf %gather3A_1012, %get3A_1208 : vector<16xf32>
      %max3A_1216 = arith.maximumf %gather3A_1016, %get3A_1210 : vector<16xf32>
      %min3A_1217 = arith.minimumf %gather3A_1020, %get3A_1212 : vector<16xf32>
      %min3A_1218 = arith.minimumf %gather3A_1024, %get3A_1214 : vector<16xf32>
      %sub3A_1219 = arith.subf %min3A_1217, %max3A_1215 : vector<16xf32>
      %max3A_1220 = arith.constant 0.000000e+00 : f32
      %max3A_1221 = vector.broadcast %max3A_1220 : f32 to vector<16xf32>
      %max3A_1222 = arith.maximumf %sub3A_1219, %max3A_1221 : vector<16xf32>
      %sub3A_1223 = arith.subf %min3A_1218, %max3A_1216 : vector<16xf32>
      %max3A_1224 = arith.constant 0.000000e+00 : f32
      %max3A_1225 = vector.broadcast %max3A_1224 : f32 to vector<16xf32>
      %max3A_1226 = arith.maximumf %sub3A_1223, %max3A_1225 : vector<16xf32>
      %mul3A_1227 = arith.mulf %max3A_1222, %max3A_1226 : vector<16xf32>
      %sub3A_1228 = arith.subf %get3A_1212, %get3A_1208 : vector<16xf32>
      %sub3A_1229 = arith.subf %get3A_1214, %get3A_1210 : vector<16xf32>
      %mul3A_1230 = arith.mulf %sub3A_1228, %sub3A_1229 : vector<16xf32>
      %add3A_1231 = arith.addf %mul3A_1230, %mul3A_1034 : vector<16xf32>
      %sub3A_1232 = arith.subf %add3A_1231, %mul3A_1227 : vector<16xf32>
      %add3A_1233 = arith.constant 9.99999971E-10 : f32
      %add3A_1234 = vector.broadcast %add3A_1233 : f32 to vector<16xf32>
      %add3A_1235 = arith.addf %sub3A_1232, %add3A_1234 : vector<16xf32>
      %div3A_1236 = arith.divf %mul3A_1227, %add3A_1235 : vector<16xf32>
      %gt3A_1237 = arith.constant 5.000000e-01 : f32
      %gt3A_1238 = vector.broadcast %gt3A_1237 : f32 to vector<16xf32>
      %gt3A_1239 = arith.cmpf ogt, %div3A_1236, %gt3A_1238 : vector<16xf32>
      %jit3A_1240 = arith.constant 0.000000e+00 : f32
      %broadcast_in_dim3A_1241 = vector.broadcast %jit3A_1240 : f32 to vector<16xf32>
      %select_n3A_1242 = arith.select %gt3A_1239, %broadcast_in_dim3A_1241, %get3A_1204 : vector<16xi1>, vector<16xf32>
      %swap3A_1243 = arith.constant 32 : index
      %swap3A_1244 = tpu.vector_load %arg13[%swap3A_1243] {strides = array<i32>} : memref<320xf32, #tpu.memory_space<vmem>>, vector<16xf32>,
      tpu.vector_store %arg13[%swap3A_1243], %select_n3A_1242 {strides = array<i32>} : memref<320xf32, #tpu.memory_space<vmem>>, vector<16xf32>,
      %gt3A_1245 = arith.constant 5.000000e-01 : f32
      %gt3A_1246 = vector.broadcast %gt3A_1245 : f32 to vector<16xf32>
      %gt3A_1247 = arith.cmpf ogt, %select_n3A_1242, %gt3A_1246 : vector<16xf32>
      %gt3A_1248 = arith.constant 5.000000e-02 : f32
      %gt3A_1249 = vector.broadcast %gt3A_1248 : f32 to vector<16xf32>
      %gt3A_1250 = arith.cmpf ogt, %get3A_1202, %gt3A_1249 : vector<16xf32>
      %and3A_1251 = arith.andi %gt3A_1247, %gt3A_1250 : vector<16xi1>
      %add3A_1252 = arith.constant 2.000000e+00 : f32
      %add3A_1253 = vector.broadcast %add3A_1252 : f32 to vector<16xf32>
      %add3A_1254 = arith.addf %get3A_1202, %add3A_1253 : vector<16xf32>
      %gt3A_1255 = arith.constant 5.000000e-01 : f32
      %gt3A_1256 = vector.broadcast %gt3A_1255 : f32 to vector<16xf32>
      %gt3A_1257 = arith.cmpf ogt, %get3A_1206, %gt3A_1256 : vector<16xf32>
      %jit3A_1258 = arith.constant -1.000000e+09 : f32
      %broadcast_in_dim3A_1259 = vector.broadcast %jit3A_1258 : f32 to vector<16xf32>
      %select_n3A_1260 = arith.select %gt3A_1257, %broadcast_in_dim3A_1259, %get3A_1202 : vector<16xi1>, vector<16xf32>
      %select_n3A_1261 = arith.select %and3A_1251, %add3A_1254, %select_n3A_1260 : vector<16xi1>, vector<16xf32>
      %add3A_1262 = arith.constant 32 : i32
      %add3A_1263 = arith.addi %mul3A_0, %add3A_1262 : i32
      %add3A_1264 = vector.broadcast %add3A_1263 : i32 to vector<16xi32>
      %add3A_1265 = arith.addi %add3A_1264, %iota3A : vector<16xi32>
      %gt3A_1266 = arith.cmpf ogt, %select_n3A_1261, %select_n3A_1199 : vector<16xf32>
      %select_n3A_1267 = arith.select %gt3A_1266, %select_n3A_1261, %select_n3A_1199 : vector<16xi1>, vector<16xf32>
      %select_n3A_1268 = arith.select %gt3A_1266, %add3A_1265, %select_n3A_1200 : vector<16xi1>, vector<16xi32>
      %get3A_1269 = arith.constant 48 : index
      %get3A_1270 = tpu.vector_load %arg12[%get3A_1269] {strides = array<i32>} : memref<320xf32, #tpu.memory_space<vmem>>, vector<16xf32>,
      %get3A_1271 = arith.constant 48 : index
      %get3A_1272 = tpu.vector_load %arg13[%get3A_1271] {strides = array<i32>} : memref<320xf32, #tpu.memory_space<vmem>>, vector<16xf32>,
      %get3A_1273 = arith.constant 48 : index
      %get3A_1274 = tpu.vector_load %arg14[%get3A_1273] {strides = array<i32>} : memref<320xf32, #tpu.memory_space<vmem>>, vector<16xf32>,
      %get3A_1275 = arith.constant 48 : index
      %get3A_1276 = tpu.vector_load %arg8[%get3A_1275] {strides = array<i32>} : memref<320xf32, #tpu.memory_space<vmem>>, vector<16xf32>,
      %get3A_1277 = arith.constant 48 : index
      %get3A_1278 = tpu.vector_load %arg9[%get3A_1277] {strides = array<i32>} : memref<320xf32, #tpu.memory_space<vmem>>, vector<16xf32>,
      %get3A_1279 = arith.constant 48 : index
      %get3A_1280 = tpu.vector_load %arg10[%get3A_1279] {strides = array<i32>} : memref<320xf32, #tpu.memory_space<vmem>>, vector<16xf32>,
      %get3A_1281 = arith.constant 48 : index
      %get3A_1282 = tpu.vector_load %arg11[%get3A_1281] {strides = array<i32>} : memref<320xf32, #tpu.memory_space<vmem>>, vector<16xf32>,
      %max3A_1283 = arith.maximumf %gather3A_1012, %get3A_1276 : vector<16xf32>
      %max3A_1284 = arith.maximumf %gather3A_1016, %get3A_1278 : vector<16xf32>
      %min3A_1285 = arith.minimumf %gather3A_1020, %get3A_1280 : vector<16xf32>
      %min3A_1286 = arith.minimumf %gather3A_1024, %get3A_1282 : vector<16xf32>
      %sub3A_1287 = arith.subf %min3A_1285, %max3A_1283 : vector<16xf32>
      %max3A_1288 = arith.constant 0.000000e+00 : f32
      %max3A_1289 = vector.broadcast %max3A_1288 : f32 to vector<16xf32>
      %max3A_1290 = arith.maximumf %sub3A_1287, %max3A_1289 : vector<16xf32>
      %sub3A_1291 = arith.subf %min3A_1286, %max3A_1284 : vector<16xf32>
      %max3A_1292 = arith.constant 0.000000e+00 : f32
      %max3A_1293 = vector.broadcast %max3A_1292 : f32 to vector<16xf32>
      %max3A_1294 = arith.maximumf %sub3A_1291, %max3A_1293 : vector<16xf32>
      %mul3A_1295 = arith.mulf %max3A_1290, %max3A_1294 : vector<16xf32>
      %sub3A_1296 = arith.subf %get3A_1280, %get3A_1276 : vector<16xf32>
      %sub3A_1297 = arith.subf %get3A_1282, %get3A_1278 : vector<16xf32>
      %mul3A_1298 = arith.mulf %sub3A_1296, %sub3A_1297 : vector<16xf32>
      %add3A_1299 = arith.addf %mul3A_1298, %mul3A_1034 : vector<16xf32>
      %sub3A_1300 = arith.subf %add3A_1299, %mul3A_1295 : vector<16xf32>
      %add3A_1301 = arith.constant 9.99999971E-10 : f32
      %add3A_1302 = vector.broadcast %add3A_1301 : f32 to vector<16xf32>
      %add3A_1303 = arith.addf %sub3A_1300, %add3A_1302 : vector<16xf32>
      %div3A_1304 = arith.divf %mul3A_1295, %add3A_1303 : vector<16xf32>
      %gt3A_1305 = arith.constant 5.000000e-01 : f32
      %gt3A_1306 = vector.broadcast %gt3A_1305 : f32 to vector<16xf32>
      %gt3A_1307 = arith.cmpf ogt, %div3A_1304, %gt3A_1306 : vector<16xf32>
      %jit3A_1308 = arith.constant 0.000000e+00 : f32
      %broadcast_in_dim3A_1309 = vector.broadcast %jit3A_1308 : f32 to vector<16xf32>
      %select_n3A_1310 = arith.select %gt3A_1307, %broadcast_in_dim3A_1309, %get3A_1272 : vector<16xi1>, vector<16xf32>
      %swap3A_1311 = arith.constant 48 : index
      %swap3A_1312 = tpu.vector_load %arg13[%swap3A_1311] {strides = array<i32>} : memref<320xf32, #tpu.memory_space<vmem>>, vector<16xf32>,
      tpu.vector_store %arg13[%swap3A_1311], %select_n3A_1310 {strides = array<i32>} : memref<320xf32, #tpu.memory_space<vmem>>, vector<16xf32>,
      %gt3A_1313 = arith.constant 5.000000e-01 : f32
      %gt3A_1314 = vector.broadcast %gt3A_1313 : f32 to vector<16xf32>
      %gt3A_1315 = arith.cmpf ogt, %select_n3A_1310, %gt3A_1314 : vector<16xf32>
      %gt3A_1316 = arith.constant 5.000000e-02 : f32
      %gt3A_1317 = vector.broadcast %gt3A_1316 : f32 to vector<16xf32>
      %gt3A_1318 = arith.cmpf ogt, %get3A_1270, %gt3A_1317 : vector<16xf32>
      %and3A_1319 = arith.andi %gt3A_1315, %gt3A_1318 : vector<16xi1>
      %add3A_1320 = arith.constant 2.000000e+00 : f32
      %add3A_1321 = vector.broadcast %add3A_1320 : f32 to vector<16xf32>
      %add3A_1322 = arith.addf %get3A_1270, %add3A_1321 : vector<16xf32>
      %gt3A_1323 = arith.constant 5.000000e-01 : f32
      %gt3A_1324 = vector.broadcast %gt3A_1323 : f32 to vector<16xf32>
      %gt3A_1325 = arith.cmpf ogt, %get3A_1274, %gt3A_1324 : vector<16xf32>
      %jit3A_1326 = arith.constant -1.000000e+09 : f32
      %broadcast_in_dim3A_1327 = vector.broadcast %jit3A_1326 : f32 to vector<16xf32>
      %select_n3A_1328 = arith.select %gt3A_1325, %broadcast_in_dim3A_1327, %get3A_1270 : vector<16xi1>, vector<16xf32>
      %select_n3A_1329 = arith.select %and3A_1319, %add3A_1322, %select_n3A_1328 : vector<16xi1>, vector<16xf32>
      %add3A_1330 = arith.constant 48 : i32
      %add3A_1331 = arith.addi %mul3A_0, %add3A_1330 : i32
      %add3A_1332 = vector.broadcast %add3A_1331 : i32 to vector<16xi32>
      %add3A_1333 = arith.addi %add3A_1332, %iota3A : vector<16xi32>
      %gt3A_1334 = arith.cmpf ogt, %select_n3A_1329, %select_n3A_1267 : vector<16xf32>
      %select_n3A_1335 = arith.select %gt3A_1334, %select_n3A_1329, %select_n3A_1267 : vector<16xi1>, vector<16xf32>
      %select_n3A_1336 = arith.select %gt3A_1334, %add3A_1333, %select_n3A_1268 : vector<16xi1>, vector<16xi32>
      %get3A_1337 = arith.constant 64 : index
      %get3A_1338 = tpu.vector_load %arg12[%get3A_1337] {strides = array<i32>} : memref<320xf32, #tpu.memory_space<vmem>>, vector<16xf32>,
      %get3A_1339 = arith.constant 64 : index
      %get3A_1340 = tpu.vector_load %arg13[%get3A_1339] {strides = array<i32>} : memref<320xf32, #tpu.memory_space<vmem>>, vector<16xf32>,
      %get3A_1341 = arith.constant 64 : index
      %get3A_1342 = tpu.vector_load %arg14[%get3A_1341] {strides = array<i32>} : memref<320xf32, #tpu.memory_space<vmem>>, vector<16xf32>,
      %get3A_1343 = arith.constant 64 : index
      %get3A_1344 = tpu.vector_load %arg8[%get3A_1343] {strides = array<i32>} : memref<320xf32, #tpu.memory_space<vmem>>, vector<16xf32>,
      %get3A_1345 = arith.constant 64 : index
      %get3A_1346 = tpu.vector_load %arg9[%get3A_1345] {strides = array<i32>} : memref<320xf32, #tpu.memory_space<vmem>>, vector<16xf32>,
      %get3A_1347 = arith.constant 64 : index
      %get3A_1348 = tpu.vector_load %arg10[%get3A_1347] {strides = array<i32>} : memref<320xf32, #tpu.memory_space<vmem>>, vector<16xf32>,
      %get3A_1349 = arith.constant 64 : index
      %get3A_1350 = tpu.vector_load %arg11[%get3A_1349] {strides = array<i32>} : memref<320xf32, #tpu.memory_space<vmem>>, vector<16xf32>,
      %max3A_1351 = arith.maximumf %gather3A_1012, %get3A_1344 : vector<16xf32>
      %max3A_1352 = arith.maximumf %gather3A_1016, %get3A_1346 : vector<16xf32>
      %min3A_1353 = arith.minimumf %gather3A_1020, %get3A_1348 : vector<16xf32>
      %min3A_1354 = arith.minimumf %gather3A_1024, %get3A_1350 : vector<16xf32>
      %sub3A_1355 = arith.subf %min3A_1353, %max3A_1351 : vector<16xf32>
      %max3A_1356 = arith.constant 0.000000e+00 : f32
      %max3A_1357 = vector.broadcast %max3A_1356 : f32 to vector<16xf32>
      %max3A_1358 = arith.maximumf %sub3A_1355, %max3A_1357 : vector<16xf32>
      %sub3A_1359 = arith.subf %min3A_1354, %max3A_1352 : vector<16xf32>
      %max3A_1360 = arith.constant 0.000000e+00 : f32
      %max3A_1361 = vector.broadcast %max3A_1360 : f32 to vector<16xf32>
      %max3A_1362 = arith.maximumf %sub3A_1359, %max3A_1361 : vector<16xf32>
      %mul3A_1363 = arith.mulf %max3A_1358, %max3A_1362 : vector<16xf32>
      %sub3A_1364 = arith.subf %get3A_1348, %get3A_1344 : vector<16xf32>
      %sub3A_1365 = arith.subf %get3A_1350, %get3A_1346 : vector<16xf32>
      %mul3A_1366 = arith.mulf %sub3A_1364, %sub3A_1365 : vector<16xf32>
      %add3A_1367 = arith.addf %mul3A_1366, %mul3A_1034 : vector<16xf32>
      %sub3A_1368 = arith.subf %add3A_1367, %mul3A_1363 : vector<16xf32>
      %add3A_1369 = arith.constant 9.99999971E-10 : f32
      %add3A_1370 = vector.broadcast %add3A_1369 : f32 to vector<16xf32>
      %add3A_1371 = arith.addf %sub3A_1368, %add3A_1370 : vector<16xf32>
      %div3A_1372 = arith.divf %mul3A_1363, %add3A_1371 : vector<16xf32>
      %gt3A_1373 = arith.constant 5.000000e-01 : f32
      %gt3A_1374 = vector.broadcast %gt3A_1373 : f32 to vector<16xf32>
      %gt3A_1375 = arith.cmpf ogt, %div3A_1372, %gt3A_1374 : vector<16xf32>
      %jit3A_1376 = arith.constant 0.000000e+00 : f32
      %broadcast_in_dim3A_1377 = vector.broadcast %jit3A_1376 : f32 to vector<16xf32>
      %select_n3A_1378 = arith.select %gt3A_1375, %broadcast_in_dim3A_1377, %get3A_1340 : vector<16xi1>, vector<16xf32>
      %swap3A_1379 = arith.constant 64 : index
      %swap3A_1380 = tpu.vector_load %arg13[%swap3A_1379] {strides = array<i32>} : memref<320xf32, #tpu.memory_space<vmem>>, vector<16xf32>,
      tpu.vector_store %arg13[%swap3A_1379], %select_n3A_1378 {strides = array<i32>} : memref<320xf32, #tpu.memory_space<vmem>>, vector<16xf32>,
      %gt3A_1381 = arith.constant 5.000000e-01 : f32
      %gt3A_1382 = vector.broadcast %gt3A_1381 : f32 to vector<16xf32>
      %gt3A_1383 = arith.cmpf ogt, %select_n3A_1378, %gt3A_1382 : vector<16xf32>
      %gt3A_1384 = arith.constant 5.000000e-02 : f32
      %gt3A_1385 = vector.broadcast %gt3A_1384 : f32 to vector<16xf32>
      %gt3A_1386 = arith.cmpf ogt, %get3A_1338, %gt3A_1385 : vector<16xf32>
      %and3A_1387 = arith.andi %gt3A_1383, %gt3A_1386 : vector<16xi1>
      %add3A_1388 = arith.constant 2.000000e+00 : f32
      %add3A_1389 = vector.broadcast %add3A_1388 : f32 to vector<16xf32>
      %add3A_1390 = arith.addf %get3A_1338, %add3A_1389 : vector<16xf32>
      %gt3A_1391 = arith.constant 5.000000e-01 : f32
      %gt3A_1392 = vector.broadcast %gt3A_1391 : f32 to vector<16xf32>
      %gt3A_1393 = arith.cmpf ogt, %get3A_1342, %gt3A_1392 : vector<16xf32>
      %jit3A_1394 = arith.constant -1.000000e+09 : f32
      %broadcast_in_dim3A_1395 = vector.broadcast %jit3A_1394 : f32 to vector<16xf32>
      %select_n3A_1396 = arith.select %gt3A_1393, %broadcast_in_dim3A_1395, %get3A_1338 : vector<16xi1>, vector<16xf32>
      %select_n3A_1397 = arith.select %and3A_1387, %add3A_1390, %select_n3A_1396 : vector<16xi1>, vector<16xf32>
      %add3A_1398 = arith.constant 64 : i32
      %add3A_1399 = arith.addi %mul3A_0, %add3A_1398 : i32
      %add3A_1400 = vector.broadcast %add3A_1399 : i32 to vector<16xi32>
      %add3A_1401 = arith.addi %add3A_1400, %iota3A : vector<16xi32>
      %gt3A_1402 = arith.cmpf ogt, %select_n3A_1397, %select_n3A_1335 : vector<16xf32>
      %select_n3A_1403 = arith.select %gt3A_1402, %select_n3A_1397, %select_n3A_1335 : vector<16xi1>, vector<16xf32>
      %select_n3A_1404 = arith.select %gt3A_1402, %add3A_1401, %select_n3A_1336 : vector<16xi1>, vector<16xi32>
      %get3A_1405 = arith.constant 80 : index
      %get3A_1406 = tpu.vector_load %arg12[%get3A_1405] {strides = array<i32>} : memref<320xf32, #tpu.memory_space<vmem>>, vector<16xf32>,
      %get3A_1407 = arith.constant 80 : index
      %get3A_1408 = tpu.vector_load %arg13[%get3A_1407] {strides = array<i32>} : memref<320xf32, #tpu.memory_space<vmem>>, vector<16xf32>,
      %get3A_1409 = arith.constant 80 : index
      %get3A_1410 = tpu.vector_load %arg14[%get3A_1409] {strides = array<i32>} : memref<320xf32, #tpu.memory_space<vmem>>, vector<16xf32>,
      %get3A_1411 = arith.constant 80 : index
      %get3A_1412 = tpu.vector_load %arg8[%get3A_1411] {strides = array<i32>} : memref<320xf32, #tpu.memory_space<vmem>>, vector<16xf32>,
      %get3A_1413 = arith.constant 80 : index
      %get3A_1414 = tpu.vector_load %arg9[%get3A_1413] {strides = array<i32>} : memref<320xf32, #tpu.memory_space<vmem>>, vector<16xf32>,
      %get3A_1415 = arith.constant 80 : index
      %get3A_1416 = tpu.vector_load %arg10[%get3A_1415] {strides = array<i32>} : memref<320xf32, #tpu.memory_space<vmem>>, vector<16xf32>,
      %get3A_1417 = arith.constant 80 : index
      %get3A_1418 = tpu.vector_load %arg11[%get3A_1417] {strides = array<i32>} : memref<320xf32, #tpu.memory_space<vmem>>, vector<16xf32>,
      %max3A_1419 = arith.maximumf %gather3A_1012, %get3A_1412 : vector<16xf32>
      %max3A_1420 = arith.maximumf %gather3A_1016, %get3A_1414 : vector<16xf32>
      %min3A_1421 = arith.minimumf %gather3A_1020, %get3A_1416 : vector<16xf32>
      %min3A_1422 = arith.minimumf %gather3A_1024, %get3A_1418 : vector<16xf32>
      %sub3A_1423 = arith.subf %min3A_1421, %max3A_1419 : vector<16xf32>
      %max3A_1424 = arith.constant 0.000000e+00 : f32
      %max3A_1425 = vector.broadcast %max3A_1424 : f32 to vector<16xf32>
      %max3A_1426 = arith.maximumf %sub3A_1423, %max3A_1425 : vector<16xf32>
      %sub3A_1427 = arith.subf %min3A_1422, %max3A_1420 : vector<16xf32>
      %max3A_1428 = arith.constant 0.000000e+00 : f32
      %max3A_1429 = vector.broadcast %max3A_1428 : f32 to vector<16xf32>
      %max3A_1430 = arith.maximumf %sub3A_1427, %max3A_1429 : vector<16xf32>
      %mul3A_1431 = arith.mulf %max3A_1426, %max3A_1430 : vector<16xf32>
      %sub3A_1432 = arith.subf %get3A_1416, %get3A_1412 : vector<16xf32>
      %sub3A_1433 = arith.subf %get3A_1418, %get3A_1414 : vector<16xf32>
      %mul3A_1434 = arith.mulf %sub3A_1432, %sub3A_1433 : vector<16xf32>
      %add3A_1435 = arith.addf %mul3A_1434, %mul3A_1034 : vector<16xf32>
      %sub3A_1436 = arith.subf %add3A_1435, %mul3A_1431 : vector<16xf32>
      %add3A_1437 = arith.constant 9.99999971E-10 : f32
      %add3A_1438 = vector.broadcast %add3A_1437 : f32 to vector<16xf32>
      %add3A_1439 = arith.addf %sub3A_1436, %add3A_1438 : vector<16xf32>
      %div3A_1440 = arith.divf %mul3A_1431, %add3A_1439 : vector<16xf32>
      %gt3A_1441 = arith.constant 5.000000e-01 : f32
      %gt3A_1442 = vector.broadcast %gt3A_1441 : f32 to vector<16xf32>
      %gt3A_1443 = arith.cmpf ogt, %div3A_1440, %gt3A_1442 : vector<16xf32>
      %jit3A_1444 = arith.constant 0.000000e+00 : f32
      %broadcast_in_dim3A_1445 = vector.broadcast %jit3A_1444 : f32 to vector<16xf32>
      %select_n3A_1446 = arith.select %gt3A_1443, %broadcast_in_dim3A_1445, %get3A_1408 : vector<16xi1>, vector<16xf32>
      %swap3A_1447 = arith.constant 80 : index
      %swap3A_1448 = tpu.vector_load %arg13[%swap3A_1447] {strides = array<i32>} : memref<320xf32, #tpu.memory_space<vmem>>, vector<16xf32>,
      tpu.vector_store %arg13[%swap3A_1447], %select_n3A_1446 {strides = array<i32>} : memref<320xf32, #tpu.memory_space<vmem>>, vector<16xf32>,
      %gt3A_1449 = arith.constant 5.000000e-01 : f32
      %gt3A_1450 = vector.broadcast %gt3A_1449 : f32 to vector<16xf32>
      %gt3A_1451 = arith.cmpf ogt, %select_n3A_1446, %gt3A_1450 : vector<16xf32>
      %gt3A_1452 = arith.constant 5.000000e-02 : f32
      %gt3A_1453 = vector.broadcast %gt3A_1452 : f32 to vector<16xf32>
      %gt3A_1454 = arith.cmpf ogt, %get3A_1406, %gt3A_1453 : vector<16xf32>
      %and3A_1455 = arith.andi %gt3A_1451, %gt3A_1454 : vector<16xi1>
      %add3A_1456 = arith.constant 2.000000e+00 : f32
      %add3A_1457 = vector.broadcast %add3A_1456 : f32 to vector<16xf32>
      %add3A_1458 = arith.addf %get3A_1406, %add3A_1457 : vector<16xf32>
      %gt3A_1459 = arith.constant 5.000000e-01 : f32
      %gt3A_1460 = vector.broadcast %gt3A_1459 : f32 to vector<16xf32>
      %gt3A_1461 = arith.cmpf ogt, %get3A_1410, %gt3A_1460 : vector<16xf32>
      %jit3A_1462 = arith.constant -1.000000e+09 : f32
      %broadcast_in_dim3A_1463 = vector.broadcast %jit3A_1462 : f32 to vector<16xf32>
      %select_n3A_1464 = arith.select %gt3A_1461, %broadcast_in_dim3A_1463, %get3A_1406 : vector<16xi1>, vector<16xf32>
      %select_n3A_1465 = arith.select %and3A_1455, %add3A_1458, %select_n3A_1464 : vector<16xi1>, vector<16xf32>
      %add3A_1466 = arith.constant 80 : i32
      %add3A_1467 = arith.addi %mul3A_0, %add3A_1466 : i32
      %add3A_1468 = vector.broadcast %add3A_1467 : i32 to vector<16xi32>
      %add3A_1469 = arith.addi %add3A_1468, %iota3A : vector<16xi32>
      %gt3A_1470 = arith.cmpf ogt, %select_n3A_1465, %select_n3A_1403 : vector<16xf32>
      %select_n3A_1471 = arith.select %gt3A_1470, %select_n3A_1465, %select_n3A_1403 : vector<16xi1>, vector<16xf32>
      %select_n3A_1472 = arith.select %gt3A_1470, %add3A_1469, %select_n3A_1404 : vector<16xi1>, vector<16xi32>
      %get3A_1473 = arith.constant 96 : index
      %get3A_1474 = tpu.vector_load %arg12[%get3A_1473] {strides = array<i32>} : memref<320xf32, #tpu.memory_space<vmem>>, vector<16xf32>,
      %get3A_1475 = arith.constant 96 : index
      %get3A_1476 = tpu.vector_load %arg13[%get3A_1475] {strides = array<i32>} : memref<320xf32, #tpu.memory_space<vmem>>, vector<16xf32>,
      %get3A_1477 = arith.constant 96 : index
      %get3A_1478 = tpu.vector_load %arg14[%get3A_1477] {strides = array<i32>} : memref<320xf32, #tpu.memory_space<vmem>>, vector<16xf32>,
      %get3A_1479 = arith.constant 96 : index
      %get3A_1480 = tpu.vector_load %arg8[%get3A_1479] {strides = array<i32>} : memref<320xf32, #tpu.memory_space<vmem>>, vector<16xf32>,
      %get3A_1481 = arith.constant 96 : index
      %get3A_1482 = tpu.vector_load %arg9[%get3A_1481] {strides = array<i32>} : memref<320xf32, #tpu.memory_space<vmem>>, vector<16xf32>,
      %get3A_1483 = arith.constant 96 : index
      %get3A_1484 = tpu.vector_load %arg10[%get3A_1483] {strides = array<i32>} : memref<320xf32, #tpu.memory_space<vmem>>, vector<16xf32>,
      %get3A_1485 = arith.constant 96 : index
      %get3A_1486 = tpu.vector_load %arg11[%get3A_1485] {strides = array<i32>} : memref<320xf32, #tpu.memory_space<vmem>>, vector<16xf32>,
      %max3A_1487 = arith.maximumf %gather3A_1012, %get3A_1480 : vector<16xf32>
      %max3A_1488 = arith.maximumf %gather3A_1016, %get3A_1482 : vector<16xf32>
      %min3A_1489 = arith.minimumf %gather3A_1020, %get3A_1484 : vector<16xf32>
      %min3A_1490 = arith.minimumf %gather3A_1024, %get3A_1486 : vector<16xf32>
      %sub3A_1491 = arith.subf %min3A_1489, %max3A_1487 : vector<16xf32>
      %max3A_1492 = arith.constant 0.000000e+00 : f32
      %max3A_1493 = vector.broadcast %max3A_1492 : f32 to vector<16xf32>
      %max3A_1494 = arith.maximumf %sub3A_1491, %max3A_1493 : vector<16xf32>
      %sub3A_1495 = arith.subf %min3A_1490, %max3A_1488 : vector<16xf32>
      %max3A_1496 = arith.constant 0.000000e+00 : f32
      %max3A_1497 = vector.broadcast %max3A_1496 : f32 to vector<16xf32>
      %max3A_1498 = arith.maximumf %sub3A_1495, %max3A_1497 : vector<16xf32>
      %mul3A_1499 = arith.mulf %max3A_1494, %max3A_1498 : vector<16xf32>
      %sub3A_1500 = arith.subf %get3A_1484, %get3A_1480 : vector<16xf32>
      %sub3A_1501 = arith.subf %get3A_1486, %get3A_1482 : vector<16xf32>
      %mul3A_1502 = arith.mulf %sub3A_1500, %sub3A_1501 : vector<16xf32>
      %add3A_1503 = arith.addf %mul3A_1502, %mul3A_1034 : vector<16xf32>
      %sub3A_1504 = arith.subf %add3A_1503, %mul3A_1499 : vector<16xf32>
      %add3A_1505 = arith.constant 9.99999971E-10 : f32
      %add3A_1506 = vector.broadcast %add3A_1505 : f32 to vector<16xf32>
      %add3A_1507 = arith.addf %sub3A_1504, %add3A_1506 : vector<16xf32>
      %div3A_1508 = arith.divf %mul3A_1499, %add3A_1507 : vector<16xf32>
      %gt3A_1509 = arith.constant 5.000000e-01 : f32
      %gt3A_1510 = vector.broadcast %gt3A_1509 : f32 to vector<16xf32>
      %gt3A_1511 = arith.cmpf ogt, %div3A_1508, %gt3A_1510 : vector<16xf32>
      %jit3A_1512 = arith.constant 0.000000e+00 : f32
      %broadcast_in_dim3A_1513 = vector.broadcast %jit3A_1512 : f32 to vector<16xf32>
      %select_n3A_1514 = arith.select %gt3A_1511, %broadcast_in_dim3A_1513, %get3A_1476 : vector<16xi1>, vector<16xf32>
      %swap3A_1515 = arith.constant 96 : index
      %swap3A_1516 = tpu.vector_load %arg13[%swap3A_1515] {strides = array<i32>} : memref<320xf32, #tpu.memory_space<vmem>>, vector<16xf32>,
      tpu.vector_store %arg13[%swap3A_1515], %select_n3A_1514 {strides = array<i32>} : memref<320xf32, #tpu.memory_space<vmem>>, vector<16xf32>,
      %gt3A_1517 = arith.constant 5.000000e-01 : f32
      %gt3A_1518 = vector.broadcast %gt3A_1517 : f32 to vector<16xf32>
      %gt3A_1519 = arith.cmpf ogt, %select_n3A_1514, %gt3A_1518 : vector<16xf32>
      %gt3A_1520 = arith.constant 5.000000e-02 : f32
      %gt3A_1521 = vector.broadcast %gt3A_1520 : f32 to vector<16xf32>
      %gt3A_1522 = arith.cmpf ogt, %get3A_1474, %gt3A_1521 : vector<16xf32>
      %and3A_1523 = arith.andi %gt3A_1519, %gt3A_1522 : vector<16xi1>
      %add3A_1524 = arith.constant 2.000000e+00 : f32
      %add3A_1525 = vector.broadcast %add3A_1524 : f32 to vector<16xf32>
      %add3A_1526 = arith.addf %get3A_1474, %add3A_1525 : vector<16xf32>
      %gt3A_1527 = arith.constant 5.000000e-01 : f32
      %gt3A_1528 = vector.broadcast %gt3A_1527 : f32 to vector<16xf32>
      %gt3A_1529 = arith.cmpf ogt, %get3A_1478, %gt3A_1528 : vector<16xf32>
      %jit3A_1530 = arith.constant -1.000000e+09 : f32
      %broadcast_in_dim3A_1531 = vector.broadcast %jit3A_1530 : f32 to vector<16xf32>
      %select_n3A_1532 = arith.select %gt3A_1529, %broadcast_in_dim3A_1531, %get3A_1474 : vector<16xi1>, vector<16xf32>
      %select_n3A_1533 = arith.select %and3A_1523, %add3A_1526, %select_n3A_1532 : vector<16xi1>, vector<16xf32>
      %add3A_1534 = arith.constant 96 : i32
      %add3A_1535 = arith.addi %mul3A_0, %add3A_1534 : i32
      %add3A_1536 = vector.broadcast %add3A_1535 : i32 to vector<16xi32>
      %add3A_1537 = arith.addi %add3A_1536, %iota3A : vector<16xi32>
      %gt3A_1538 = arith.cmpf ogt, %select_n3A_1533, %select_n3A_1471 : vector<16xf32>
      %select_n3A_1539 = arith.select %gt3A_1538, %select_n3A_1533, %select_n3A_1471 : vector<16xi1>, vector<16xf32>
      %select_n3A_1540 = arith.select %gt3A_1538, %add3A_1537, %select_n3A_1472 : vector<16xi1>, vector<16xi32>
      %get3A_1541 = arith.constant 112 : index
      %get3A_1542 = tpu.vector_load %arg12[%get3A_1541] {strides = array<i32>} : memref<320xf32, #tpu.memory_space<vmem>>, vector<16xf32>,
      %get3A_1543 = arith.constant 112 : index
      %get3A_1544 = tpu.vector_load %arg13[%get3A_1543] {strides = array<i32>} : memref<320xf32, #tpu.memory_space<vmem>>, vector<16xf32>,
      %get3A_1545 = arith.constant 112 : index
      %get3A_1546 = tpu.vector_load %arg14[%get3A_1545] {strides = array<i32>} : memref<320xf32, #tpu.memory_space<vmem>>, vector<16xf32>,
      %get3A_1547 = arith.constant 112 : index
      %get3A_1548 = tpu.vector_load %arg8[%get3A_1547] {strides = array<i32>} : memref<320xf32, #tpu.memory_space<vmem>>, vector<16xf32>,
      %get3A_1549 = arith.constant 112 : index
      %get3A_1550 = tpu.vector_load %arg9[%get3A_1549] {strides = array<i32>} : memref<320xf32, #tpu.memory_space<vmem>>, vector<16xf32>,
      %get3A_1551 = arith.constant 112 : index
      %get3A_1552 = tpu.vector_load %arg10[%get3A_1551] {strides = array<i32>} : memref<320xf32, #tpu.memory_space<vmem>>, vector<16xf32>,
      %get3A_1553 = arith.constant 112 : index
      %get3A_1554 = tpu.vector_load %arg11[%get3A_1553] {strides = array<i32>} : memref<320xf32, #tpu.memory_space<vmem>>, vector<16xf32>,
      %max3A_1555 = arith.maximumf %gather3A_1012, %get3A_1548 : vector<16xf32>
      %max3A_1556 = arith.maximumf %gather3A_1016, %get3A_1550 : vector<16xf32>
      %min3A_1557 = arith.minimumf %gather3A_1020, %get3A_1552 : vector<16xf32>
      %min3A_1558 = arith.minimumf %gather3A_1024, %get3A_1554 : vector<16xf32>
      %sub3A_1559 = arith.subf %min3A_1557, %max3A_1555 : vector<16xf32>
      %max3A_1560 = arith.constant 0.000000e+00 : f32
      %max3A_1561 = vector.broadcast %max3A_1560 : f32 to vector<16xf32>
      %max3A_1562 = arith.maximumf %sub3A_1559, %max3A_1561 : vector<16xf32>
      %sub3A_1563 = arith.subf %min3A_1558, %max3A_1556 : vector<16xf32>
      %max3A_1564 = arith.constant 0.000000e+00 : f32
      %max3A_1565 = vector.broadcast %max3A_1564 : f32 to vector<16xf32>
      %max3A_1566 = arith.maximumf %sub3A_1563, %max3A_1565 : vector<16xf32>
      %mul3A_1567 = arith.mulf %max3A_1562, %max3A_1566 : vector<16xf32>
      %sub3A_1568 = arith.subf %get3A_1552, %get3A_1548 : vector<16xf32>
      %sub3A_1569 = arith.subf %get3A_1554, %get3A_1550 : vector<16xf32>
      %mul3A_1570 = arith.mulf %sub3A_1568, %sub3A_1569 : vector<16xf32>
      %add3A_1571 = arith.addf %mul3A_1570, %mul3A_1034 : vector<16xf32>
      %sub3A_1572 = arith.subf %add3A_1571, %mul3A_1567 : vector<16xf32>
      %add3A_1573 = arith.constant 9.99999971E-10 : f32
      %add3A_1574 = vector.broadcast %add3A_1573 : f32 to vector<16xf32>
      %add3A_1575 = arith.addf %sub3A_1572, %add3A_1574 : vector<16xf32>
      %div3A_1576 = arith.divf %mul3A_1567, %add3A_1575 : vector<16xf32>
      %gt3A_1577 = arith.constant 5.000000e-01 : f32
      %gt3A_1578 = vector.broadcast %gt3A_1577 : f32 to vector<16xf32>
      %gt3A_1579 = arith.cmpf ogt, %div3A_1576, %gt3A_1578 : vector<16xf32>
      %jit3A_1580 = arith.constant 0.000000e+00 : f32
      %broadcast_in_dim3A_1581 = vector.broadcast %jit3A_1580 : f32 to vector<16xf32>
      %select_n3A_1582 = arith.select %gt3A_1579, %broadcast_in_dim3A_1581, %get3A_1544 : vector<16xi1>, vector<16xf32>
      %swap3A_1583 = arith.constant 112 : index
      %swap3A_1584 = tpu.vector_load %arg13[%swap3A_1583] {strides = array<i32>} : memref<320xf32, #tpu.memory_space<vmem>>, vector<16xf32>,
      tpu.vector_store %arg13[%swap3A_1583], %select_n3A_1582 {strides = array<i32>} : memref<320xf32, #tpu.memory_space<vmem>>, vector<16xf32>,
      %gt3A_1585 = arith.constant 5.000000e-01 : f32
      %gt3A_1586 = vector.broadcast %gt3A_1585 : f32 to vector<16xf32>
      %gt3A_1587 = arith.cmpf ogt, %select_n3A_1582, %gt3A_1586 : vector<16xf32>
      %gt3A_1588 = arith.constant 5.000000e-02 : f32
      %gt3A_1589 = vector.broadcast %gt3A_1588 : f32 to vector<16xf32>
      %gt3A_1590 = arith.cmpf ogt, %get3A_1542, %gt3A_1589 : vector<16xf32>
      %and3A_1591 = arith.andi %gt3A_1587, %gt3A_1590 : vector<16xi1>
      %add3A_1592 = arith.constant 2.000000e+00 : f32
      %add3A_1593 = vector.broadcast %add3A_1592 : f32 to vector<16xf32>
      %add3A_1594 = arith.addf %get3A_1542, %add3A_1593 : vector<16xf32>
      %gt3A_1595 = arith.constant 5.000000e-01 : f32
      %gt3A_1596 = vector.broadcast %gt3A_1595 : f32 to vector<16xf32>
      %gt3A_1597 = arith.cmpf ogt, %get3A_1546, %gt3A_1596 : vector<16xf32>
      %jit3A_1598 = arith.constant -1.000000e+09 : f32
      %broadcast_in_dim3A_1599 = vector.broadcast %jit3A_1598 : f32 to vector<16xf32>
      %select_n3A_1600 = arith.select %gt3A_1597, %broadcast_in_dim3A_1599, %get3A_1542 : vector<16xi1>, vector<16xf32>
      %select_n3A_1601 = arith.select %and3A_1591, %add3A_1594, %select_n3A_1600 : vector<16xi1>, vector<16xf32>
      %add3A_1602 = arith.constant 112 : i32
      %add3A_1603 = arith.addi %mul3A_0, %add3A_1602 : i32
      %add3A_1604 = vector.broadcast %add3A_1603 : i32 to vector<16xi32>
      %add3A_1605 = arith.addi %add3A_1604, %iota3A : vector<16xi32>
      %gt3A_1606 = arith.cmpf ogt, %select_n3A_1601, %select_n3A_1539 : vector<16xf32>
      %select_n3A_1607 = arith.select %gt3A_1606, %select_n3A_1601, %select_n3A_1539 : vector<16xi1>, vector<16xf32>
      %select_n3A_1608 = arith.select %gt3A_1606, %add3A_1605, %select_n3A_1540 : vector<16xi1>, vector<16xi32>
      %get3A_1609 = arith.constant 128 : index
      %get3A_1610 = tpu.vector_load %arg12[%get3A_1609] {strides = array<i32>} : memref<320xf32, #tpu.memory_space<vmem>>, vector<16xf32>,
      %get3A_1611 = arith.constant 128 : index
      %get3A_1612 = tpu.vector_load %arg13[%get3A_1611] {strides = array<i32>} : memref<320xf32, #tpu.memory_space<vmem>>, vector<16xf32>,
      %get3A_1613 = arith.constant 128 : index
      %get3A_1614 = tpu.vector_load %arg14[%get3A_1613] {strides = array<i32>} : memref<320xf32, #tpu.memory_space<vmem>>, vector<16xf32>,
      %get3A_1615 = arith.constant 128 : index
      %get3A_1616 = tpu.vector_load %arg8[%get3A_1615] {strides = array<i32>} : memref<320xf32, #tpu.memory_space<vmem>>, vector<16xf32>,
      %get3A_1617 = arith.constant 128 : index
      %get3A_1618 = tpu.vector_load %arg9[%get3A_1617] {strides = array<i32>} : memref<320xf32, #tpu.memory_space<vmem>>, vector<16xf32>,
      %get3A_1619 = arith.constant 128 : index
      %get3A_1620 = tpu.vector_load %arg10[%get3A_1619] {strides = array<i32>} : memref<320xf32, #tpu.memory_space<vmem>>, vector<16xf32>,
      %get3A_1621 = arith.constant 128 : index
      %get3A_1622 = tpu.vector_load %arg11[%get3A_1621] {strides = array<i32>} : memref<320xf32, #tpu.memory_space<vmem>>, vector<16xf32>,
      %max3A_1623 = arith.maximumf %gather3A_1012, %get3A_1616 : vector<16xf32>
      %max3A_1624 = arith.maximumf %gather3A_1016, %get3A_1618 : vector<16xf32>
      %min3A_1625 = arith.minimumf %gather3A_1020, %get3A_1620 : vector<16xf32>
      %min3A_1626 = arith.minimumf %gather3A_1024, %get3A_1622 : vector<16xf32>
      %sub3A_1627 = arith.subf %min3A_1625, %max3A_1623 : vector<16xf32>
      %max3A_1628 = arith.constant 0.000000e+00 : f32
      %max3A_1629 = vector.broadcast %max3A_1628 : f32 to vector<16xf32>
      %max3A_1630 = arith.maximumf %sub3A_1627, %max3A_1629 : vector<16xf32>
      %sub3A_1631 = arith.subf %min3A_1626, %max3A_1624 : vector<16xf32>
      %max3A_1632 = arith.constant 0.000000e+00 : f32
      %max3A_1633 = vector.broadcast %max3A_1632 : f32 to vector<16xf32>
      %max3A_1634 = arith.maximumf %sub3A_1631, %max3A_1633 : vector<16xf32>
      %mul3A_1635 = arith.mulf %max3A_1630, %max3A_1634 : vector<16xf32>
      %sub3A_1636 = arith.subf %get3A_1620, %get3A_1616 : vector<16xf32>
      %sub3A_1637 = arith.subf %get3A_1622, %get3A_1618 : vector<16xf32>
      %mul3A_1638 = arith.mulf %sub3A_1636, %sub3A_1637 : vector<16xf32>
      %add3A_1639 = arith.addf %mul3A_1638, %mul3A_1034 : vector<16xf32>
      %sub3A_1640 = arith.subf %add3A_1639, %mul3A_1635 : vector<16xf32>
      %add3A_1641 = arith.constant 9.99999971E-10 : f32
      %add3A_1642 = vector.broadcast %add3A_1641 : f32 to vector<16xf32>
      %add3A_1643 = arith.addf %sub3A_1640, %add3A_1642 : vector<16xf32>
      %div3A_1644 = arith.divf %mul3A_1635, %add3A_1643 : vector<16xf32>
      %gt3A_1645 = arith.constant 5.000000e-01 : f32
      %gt3A_1646 = vector.broadcast %gt3A_1645 : f32 to vector<16xf32>
      %gt3A_1647 = arith.cmpf ogt, %div3A_1644, %gt3A_1646 : vector<16xf32>
      %jit3A_1648 = arith.constant 0.000000e+00 : f32
      %broadcast_in_dim3A_1649 = vector.broadcast %jit3A_1648 : f32 to vector<16xf32>
      %select_n3A_1650 = arith.select %gt3A_1647, %broadcast_in_dim3A_1649, %get3A_1612 : vector<16xi1>, vector<16xf32>
      %swap3A_1651 = arith.constant 128 : index
      %swap3A_1652 = tpu.vector_load %arg13[%swap3A_1651] {strides = array<i32>} : memref<320xf32, #tpu.memory_space<vmem>>, vector<16xf32>,
      tpu.vector_store %arg13[%swap3A_1651], %select_n3A_1650 {strides = array<i32>} : memref<320xf32, #tpu.memory_space<vmem>>, vector<16xf32>,
      %gt3A_1653 = arith.constant 5.000000e-01 : f32
      %gt3A_1654 = vector.broadcast %gt3A_1653 : f32 to vector<16xf32>
      %gt3A_1655 = arith.cmpf ogt, %select_n3A_1650, %gt3A_1654 : vector<16xf32>
      %gt3A_1656 = arith.constant 5.000000e-02 : f32
      %gt3A_1657 = vector.broadcast %gt3A_1656 : f32 to vector<16xf32>
      %gt3A_1658 = arith.cmpf ogt, %get3A_1610, %gt3A_1657 : vector<16xf32>
      %and3A_1659 = arith.andi %gt3A_1655, %gt3A_1658 : vector<16xi1>
      %add3A_1660 = arith.constant 2.000000e+00 : f32
      %add3A_1661 = vector.broadcast %add3A_1660 : f32 to vector<16xf32>
      %add3A_1662 = arith.addf %get3A_1610, %add3A_1661 : vector<16xf32>
      %gt3A_1663 = arith.constant 5.000000e-01 : f32
      %gt3A_1664 = vector.broadcast %gt3A_1663 : f32 to vector<16xf32>
      %gt3A_1665 = arith.cmpf ogt, %get3A_1614, %gt3A_1664 : vector<16xf32>
      %jit3A_1666 = arith.constant -1.000000e+09 : f32
      %broadcast_in_dim3A_1667 = vector.broadcast %jit3A_1666 : f32 to vector<16xf32>
      %select_n3A_1668 = arith.select %gt3A_1665, %broadcast_in_dim3A_1667, %get3A_1610 : vector<16xi1>, vector<16xf32>
      %select_n3A_1669 = arith.select %and3A_1659, %add3A_1662, %select_n3A_1668 : vector<16xi1>, vector<16xf32>
      %add3A_1670 = arith.constant 128 : i32
      %add3A_1671 = arith.addi %mul3A_0, %add3A_1670 : i32
      %add3A_1672 = vector.broadcast %add3A_1671 : i32 to vector<16xi32>
      %add3A_1673 = arith.addi %add3A_1672, %iota3A : vector<16xi32>
      %gt3A_1674 = arith.cmpf ogt, %select_n3A_1669, %select_n3A_1607 : vector<16xf32>
      %select_n3A_1675 = arith.select %gt3A_1674, %select_n3A_1669, %select_n3A_1607 : vector<16xi1>, vector<16xf32>
      %select_n3A_1676 = arith.select %gt3A_1674, %add3A_1673, %select_n3A_1608 : vector<16xi1>, vector<16xi32>
      %get3A_1677 = arith.constant 144 : index
      %get3A_1678 = tpu.vector_load %arg12[%get3A_1677] {strides = array<i32>} : memref<320xf32, #tpu.memory_space<vmem>>, vector<16xf32>,
      %get3A_1679 = arith.constant 144 : index
      %get3A_1680 = tpu.vector_load %arg13[%get3A_1679] {strides = array<i32>} : memref<320xf32, #tpu.memory_space<vmem>>, vector<16xf32>,
      %get3A_1681 = arith.constant 144 : index
      %get3A_1682 = tpu.vector_load %arg14[%get3A_1681] {strides = array<i32>} : memref<320xf32, #tpu.memory_space<vmem>>, vector<16xf32>,
      %get3A_1683 = arith.constant 144 : index
      %get3A_1684 = tpu.vector_load %arg8[%get3A_1683] {strides = array<i32>} : memref<320xf32, #tpu.memory_space<vmem>>, vector<16xf32>,
      %get3A_1685 = arith.constant 144 : index
      %get3A_1686 = tpu.vector_load %arg9[%get3A_1685] {strides = array<i32>} : memref<320xf32, #tpu.memory_space<vmem>>, vector<16xf32>,
      %get3A_1687 = arith.constant 144 : index
      %get3A_1688 = tpu.vector_load %arg10[%get3A_1687] {strides = array<i32>} : memref<320xf32, #tpu.memory_space<vmem>>, vector<16xf32>,
      %get3A_1689 = arith.constant 144 : index
      %get3A_1690 = tpu.vector_load %arg11[%get3A_1689] {strides = array<i32>} : memref<320xf32, #tpu.memory_space<vmem>>, vector<16xf32>,
      %max3A_1691 = arith.maximumf %gather3A_1012, %get3A_1684 : vector<16xf32>
      %max3A_1692 = arith.maximumf %gather3A_1016, %get3A_1686 : vector<16xf32>
      %min3A_1693 = arith.minimumf %gather3A_1020, %get3A_1688 : vector<16xf32>
      %min3A_1694 = arith.minimumf %gather3A_1024, %get3A_1690 : vector<16xf32>
      %sub3A_1695 = arith.subf %min3A_1693, %max3A_1691 : vector<16xf32>
      %max3A_1696 = arith.constant 0.000000e+00 : f32
      %max3A_1697 = vector.broadcast %max3A_1696 : f32 to vector<16xf32>
      %max3A_1698 = arith.maximumf %sub3A_1695, %max3A_1697 : vector<16xf32>
      %sub3A_1699 = arith.subf %min3A_1694, %max3A_1692 : vector<16xf32>
      %max3A_1700 = arith.constant 0.000000e+00 : f32
      %max3A_1701 = vector.broadcast %max3A_1700 : f32 to vector<16xf32>
      %max3A_1702 = arith.maximumf %sub3A_1699, %max3A_1701 : vector<16xf32>
      %mul3A_1703 = arith.mulf %max3A_1698, %max3A_1702 : vector<16xf32>
      %sub3A_1704 = arith.subf %get3A_1688, %get3A_1684 : vector<16xf32>
      %sub3A_1705 = arith.subf %get3A_1690, %get3A_1686 : vector<16xf32>
      %mul3A_1706 = arith.mulf %sub3A_1704, %sub3A_1705 : vector<16xf32>
      %add3A_1707 = arith.addf %mul3A_1706, %mul3A_1034 : vector<16xf32>
      %sub3A_1708 = arith.subf %add3A_1707, %mul3A_1703 : vector<16xf32>
      %add3A_1709 = arith.constant 9.99999971E-10 : f32
      %add3A_1710 = vector.broadcast %add3A_1709 : f32 to vector<16xf32>
      %add3A_1711 = arith.addf %sub3A_1708, %add3A_1710 : vector<16xf32>
      %div3A_1712 = arith.divf %mul3A_1703, %add3A_1711 : vector<16xf32>
      %gt3A_1713 = arith.constant 5.000000e-01 : f32
      %gt3A_1714 = vector.broadcast %gt3A_1713 : f32 to vector<16xf32>
      %gt3A_1715 = arith.cmpf ogt, %div3A_1712, %gt3A_1714 : vector<16xf32>
      %jit3A_1716 = arith.constant 0.000000e+00 : f32
      %broadcast_in_dim3A_1717 = vector.broadcast %jit3A_1716 : f32 to vector<16xf32>
      %select_n3A_1718 = arith.select %gt3A_1715, %broadcast_in_dim3A_1717, %get3A_1680 : vector<16xi1>, vector<16xf32>
      %swap3A_1719 = arith.constant 144 : index
      %swap3A_1720 = tpu.vector_load %arg13[%swap3A_1719] {strides = array<i32>} : memref<320xf32, #tpu.memory_space<vmem>>, vector<16xf32>,
      tpu.vector_store %arg13[%swap3A_1719], %select_n3A_1718 {strides = array<i32>} : memref<320xf32, #tpu.memory_space<vmem>>, vector<16xf32>,
      %gt3A_1721 = arith.constant 5.000000e-01 : f32
      %gt3A_1722 = vector.broadcast %gt3A_1721 : f32 to vector<16xf32>
      %gt3A_1723 = arith.cmpf ogt, %select_n3A_1718, %gt3A_1722 : vector<16xf32>
      %gt3A_1724 = arith.constant 5.000000e-02 : f32
      %gt3A_1725 = vector.broadcast %gt3A_1724 : f32 to vector<16xf32>
      %gt3A_1726 = arith.cmpf ogt, %get3A_1678, %gt3A_1725 : vector<16xf32>
      %and3A_1727 = arith.andi %gt3A_1723, %gt3A_1726 : vector<16xi1>
      %add3A_1728 = arith.constant 2.000000e+00 : f32
      %add3A_1729 = vector.broadcast %add3A_1728 : f32 to vector<16xf32>
      %add3A_1730 = arith.addf %get3A_1678, %add3A_1729 : vector<16xf32>
      %gt3A_1731 = arith.constant 5.000000e-01 : f32
      %gt3A_1732 = vector.broadcast %gt3A_1731 : f32 to vector<16xf32>
      %gt3A_1733 = arith.cmpf ogt, %get3A_1682, %gt3A_1732 : vector<16xf32>
      %jit3A_1734 = arith.constant -1.000000e+09 : f32
      %broadcast_in_dim3A_1735 = vector.broadcast %jit3A_1734 : f32 to vector<16xf32>
      %select_n3A_1736 = arith.select %gt3A_1733, %broadcast_in_dim3A_1735, %get3A_1678 : vector<16xi1>, vector<16xf32>
      %select_n3A_1737 = arith.select %and3A_1727, %add3A_1730, %select_n3A_1736 : vector<16xi1>, vector<16xf32>
      %add3A_1738 = arith.constant 144 : i32
      %add3A_1739 = arith.addi %mul3A_0, %add3A_1738 : i32
      %add3A_1740 = vector.broadcast %add3A_1739 : i32 to vector<16xi32>
      %add3A_1741 = arith.addi %add3A_1740, %iota3A : vector<16xi32>
      %gt3A_1742 = arith.cmpf ogt, %select_n3A_1737, %select_n3A_1675 : vector<16xf32>
      %select_n3A_1743 = arith.select %gt3A_1742, %select_n3A_1737, %select_n3A_1675 : vector<16xi1>, vector<16xf32>
      %select_n3A_1744 = arith.select %gt3A_1742, %add3A_1741, %select_n3A_1676 : vector<16xi1>, vector<16xi32>
      %get3A_1745 = arith.constant 160 : index
      %get3A_1746 = tpu.vector_load %arg12[%get3A_1745] {strides = array<i32>} : memref<320xf32, #tpu.memory_space<vmem>>, vector<16xf32>,
      %get3A_1747 = arith.constant 160 : index
      %get3A_1748 = tpu.vector_load %arg13[%get3A_1747] {strides = array<i32>} : memref<320xf32, #tpu.memory_space<vmem>>, vector<16xf32>,
      %get3A_1749 = arith.constant 160 : index
      %get3A_1750 = tpu.vector_load %arg14[%get3A_1749] {strides = array<i32>} : memref<320xf32, #tpu.memory_space<vmem>>, vector<16xf32>,
      %get3A_1751 = arith.constant 160 : index
      %get3A_1752 = tpu.vector_load %arg8[%get3A_1751] {strides = array<i32>} : memref<320xf32, #tpu.memory_space<vmem>>, vector<16xf32>,
      %get3A_1753 = arith.constant 160 : index
      %get3A_1754 = tpu.vector_load %arg9[%get3A_1753] {strides = array<i32>} : memref<320xf32, #tpu.memory_space<vmem>>, vector<16xf32>,
      %get3A_1755 = arith.constant 160 : index
      %get3A_1756 = tpu.vector_load %arg10[%get3A_1755] {strides = array<i32>} : memref<320xf32, #tpu.memory_space<vmem>>, vector<16xf32>,
      %get3A_1757 = arith.constant 160 : index
      %get3A_1758 = tpu.vector_load %arg11[%get3A_1757] {strides = array<i32>} : memref<320xf32, #tpu.memory_space<vmem>>, vector<16xf32>,
      %max3A_1759 = arith.maximumf %gather3A_1012, %get3A_1752 : vector<16xf32>
      %max3A_1760 = arith.maximumf %gather3A_1016, %get3A_1754 : vector<16xf32>
      %min3A_1761 = arith.minimumf %gather3A_1020, %get3A_1756 : vector<16xf32>
      %min3A_1762 = arith.minimumf %gather3A_1024, %get3A_1758 : vector<16xf32>
      %sub3A_1763 = arith.subf %min3A_1761, %max3A_1759 : vector<16xf32>
      %max3A_1764 = arith.constant 0.000000e+00 : f32
      %max3A_1765 = vector.broadcast %max3A_1764 : f32 to vector<16xf32>
      %max3A_1766 = arith.maximumf %sub3A_1763, %max3A_1765 : vector<16xf32>
      %sub3A_1767 = arith.subf %min3A_1762, %max3A_1760 : vector<16xf32>
      %max3A_1768 = arith.constant 0.000000e+00 : f32
      %max3A_1769 = vector.broadcast %max3A_1768 : f32 to vector<16xf32>
      %max3A_1770 = arith.maximumf %sub3A_1767, %max3A_1769 : vector<16xf32>
      %mul3A_1771 = arith.mulf %max3A_1766, %max3A_1770 : vector<16xf32>
      %sub3A_1772 = arith.subf %get3A_1756, %get3A_1752 : vector<16xf32>
      %sub3A_1773 = arith.subf %get3A_1758, %get3A_1754 : vector<16xf32>
      %mul3A_1774 = arith.mulf %sub3A_1772, %sub3A_1773 : vector<16xf32>
      %add3A_1775 = arith.addf %mul3A_1774, %mul3A_1034 : vector<16xf32>
      %sub3A_1776 = arith.subf %add3A_1775, %mul3A_1771 : vector<16xf32>
      %add3A_1777 = arith.constant 9.99999971E-10 : f32
      %add3A_1778 = vector.broadcast %add3A_1777 : f32 to vector<16xf32>
      %add3A_1779 = arith.addf %sub3A_1776, %add3A_1778 : vector<16xf32>
      %div3A_1780 = arith.divf %mul3A_1771, %add3A_1779 : vector<16xf32>
      %gt3A_1781 = arith.constant 5.000000e-01 : f32
      %gt3A_1782 = vector.broadcast %gt3A_1781 : f32 to vector<16xf32>
      %gt3A_1783 = arith.cmpf ogt, %div3A_1780, %gt3A_1782 : vector<16xf32>
      %jit3A_1784 = arith.constant 0.000000e+00 : f32
      %broadcast_in_dim3A_1785 = vector.broadcast %jit3A_1784 : f32 to vector<16xf32>
      %select_n3A_1786 = arith.select %gt3A_1783, %broadcast_in_dim3A_1785, %get3A_1748 : vector<16xi1>, vector<16xf32>
      %swap3A_1787 = arith.constant 160 : index
      %swap3A_1788 = tpu.vector_load %arg13[%swap3A_1787] {strides = array<i32>} : memref<320xf32, #tpu.memory_space<vmem>>, vector<16xf32>,
      tpu.vector_store %arg13[%swap3A_1787], %select_n3A_1786 {strides = array<i32>} : memref<320xf32, #tpu.memory_space<vmem>>, vector<16xf32>,
      %gt3A_1789 = arith.constant 5.000000e-01 : f32
      %gt3A_1790 = vector.broadcast %gt3A_1789 : f32 to vector<16xf32>
      %gt3A_1791 = arith.cmpf ogt, %select_n3A_1786, %gt3A_1790 : vector<16xf32>
      %gt3A_1792 = arith.constant 5.000000e-02 : f32
      %gt3A_1793 = vector.broadcast %gt3A_1792 : f32 to vector<16xf32>
      %gt3A_1794 = arith.cmpf ogt, %get3A_1746, %gt3A_1793 : vector<16xf32>
      %and3A_1795 = arith.andi %gt3A_1791, %gt3A_1794 : vector<16xi1>
      %add3A_1796 = arith.constant 2.000000e+00 : f32
      %add3A_1797 = vector.broadcast %add3A_1796 : f32 to vector<16xf32>
      %add3A_1798 = arith.addf %get3A_1746, %add3A_1797 : vector<16xf32>
      %gt3A_1799 = arith.constant 5.000000e-01 : f32
      %gt3A_1800 = vector.broadcast %gt3A_1799 : f32 to vector<16xf32>
      %gt3A_1801 = arith.cmpf ogt, %get3A_1750, %gt3A_1800 : vector<16xf32>
      %jit3A_1802 = arith.constant -1.000000e+09 : f32
      %broadcast_in_dim3A_1803 = vector.broadcast %jit3A_1802 : f32 to vector<16xf32>
      %select_n3A_1804 = arith.select %gt3A_1801, %broadcast_in_dim3A_1803, %get3A_1746 : vector<16xi1>, vector<16xf32>
      %select_n3A_1805 = arith.select %and3A_1795, %add3A_1798, %select_n3A_1804 : vector<16xi1>, vector<16xf32>
      %add3A_1806 = arith.constant 160 : i32
      %add3A_1807 = arith.addi %mul3A_0, %add3A_1806 : i32
      %add3A_1808 = vector.broadcast %add3A_1807 : i32 to vector<16xi32>
      %add3A_1809 = arith.addi %add3A_1808, %iota3A : vector<16xi32>
      %gt3A_1810 = arith.cmpf ogt, %select_n3A_1805, %select_n3A_1743 : vector<16xf32>
      %select_n3A_1811 = arith.select %gt3A_1810, %select_n3A_1805, %select_n3A_1743 : vector<16xi1>, vector<16xf32>
      %select_n3A_1812 = arith.select %gt3A_1810, %add3A_1809, %select_n3A_1744 : vector<16xi1>, vector<16xi32>
      %get3A_1813 = arith.constant 176 : index
      %get3A_1814 = tpu.vector_load %arg12[%get3A_1813] {strides = array<i32>} : memref<320xf32, #tpu.memory_space<vmem>>, vector<16xf32>,
      %get3A_1815 = arith.constant 176 : index
      %get3A_1816 = tpu.vector_load %arg13[%get3A_1815] {strides = array<i32>} : memref<320xf32, #tpu.memory_space<vmem>>, vector<16xf32>,
      %get3A_1817 = arith.constant 176 : index
      %get3A_1818 = tpu.vector_load %arg14[%get3A_1817] {strides = array<i32>} : memref<320xf32, #tpu.memory_space<vmem>>, vector<16xf32>,
      %get3A_1819 = arith.constant 176 : index
      %get3A_1820 = tpu.vector_load %arg8[%get3A_1819] {strides = array<i32>} : memref<320xf32, #tpu.memory_space<vmem>>, vector<16xf32>,
      %get3A_1821 = arith.constant 176 : index
      %get3A_1822 = tpu.vector_load %arg9[%get3A_1821] {strides = array<i32>} : memref<320xf32, #tpu.memory_space<vmem>>, vector<16xf32>,
      %get3A_1823 = arith.constant 176 : index
      %get3A_1824 = tpu.vector_load %arg10[%get3A_1823] {strides = array<i32>} : memref<320xf32, #tpu.memory_space<vmem>>, vector<16xf32>,
      %get3A_1825 = arith.constant 176 : index
      %get3A_1826 = tpu.vector_load %arg11[%get3A_1825] {strides = array<i32>} : memref<320xf32, #tpu.memory_space<vmem>>, vector<16xf32>,
      %max3A_1827 = arith.maximumf %gather3A_1012, %get3A_1820 : vector<16xf32>
      %max3A_1828 = arith.maximumf %gather3A_1016, %get3A_1822 : vector<16xf32>
      %min3A_1829 = arith.minimumf %gather3A_1020, %get3A_1824 : vector<16xf32>
      %min3A_1830 = arith.minimumf %gather3A_1024, %get3A_1826 : vector<16xf32>
      %sub3A_1831 = arith.subf %min3A_1829, %max3A_1827 : vector<16xf32>
      %max3A_1832 = arith.constant 0.000000e+00 : f32
      %max3A_1833 = vector.broadcast %max3A_1832 : f32 to vector<16xf32>
      %max3A_1834 = arith.maximumf %sub3A_1831, %max3A_1833 : vector<16xf32>
      %sub3A_1835 = arith.subf %min3A_1830, %max3A_1828 : vector<16xf32>
      %max3A_1836 = arith.constant 0.000000e+00 : f32
      %max3A_1837 = vector.broadcast %max3A_1836 : f32 to vector<16xf32>
      %max3A_1838 = arith.maximumf %sub3A_1835, %max3A_1837 : vector<16xf32>
      %mul3A_1839 = arith.mulf %max3A_1834, %max3A_1838 : vector<16xf32>
      %sub3A_1840 = arith.subf %get3A_1824, %get3A_1820 : vector<16xf32>
      %sub3A_1841 = arith.subf %get3A_1826, %get3A_1822 : vector<16xf32>
      %mul3A_1842 = arith.mulf %sub3A_1840, %sub3A_1841 : vector<16xf32>
      %add3A_1843 = arith.addf %mul3A_1842, %mul3A_1034 : vector<16xf32>
      %sub3A_1844 = arith.subf %add3A_1843, %mul3A_1839 : vector<16xf32>
      %add3A_1845 = arith.constant 9.99999971E-10 : f32
      %add3A_1846 = vector.broadcast %add3A_1845 : f32 to vector<16xf32>
      %add3A_1847 = arith.addf %sub3A_1844, %add3A_1846 : vector<16xf32>
      %div3A_1848 = arith.divf %mul3A_1839, %add3A_1847 : vector<16xf32>
      %gt3A_1849 = arith.constant 5.000000e-01 : f32
      %gt3A_1850 = vector.broadcast %gt3A_1849 : f32 to vector<16xf32>
      %gt3A_1851 = arith.cmpf ogt, %div3A_1848, %gt3A_1850 : vector<16xf32>
      %jit3A_1852 = arith.constant 0.000000e+00 : f32
      %broadcast_in_dim3A_1853 = vector.broadcast %jit3A_1852 : f32 to vector<16xf32>
      %select_n3A_1854 = arith.select %gt3A_1851, %broadcast_in_dim3A_1853, %get3A_1816 : vector<16xi1>, vector<16xf32>
      %swap3A_1855 = arith.constant 176 : index
      %swap3A_1856 = tpu.vector_load %arg13[%swap3A_1855] {strides = array<i32>} : memref<320xf32, #tpu.memory_space<vmem>>, vector<16xf32>,
      tpu.vector_store %arg13[%swap3A_1855], %select_n3A_1854 {strides = array<i32>} : memref<320xf32, #tpu.memory_space<vmem>>, vector<16xf32>,
      %gt3A_1857 = arith.constant 5.000000e-01 : f32
      %gt3A_1858 = vector.broadcast %gt3A_1857 : f32 to vector<16xf32>
      %gt3A_1859 = arith.cmpf ogt, %select_n3A_1854, %gt3A_1858 : vector<16xf32>
      %gt3A_1860 = arith.constant 5.000000e-02 : f32
      %gt3A_1861 = vector.broadcast %gt3A_1860 : f32 to vector<16xf32>
      %gt3A_1862 = arith.cmpf ogt, %get3A_1814, %gt3A_1861 : vector<16xf32>
      %and3A_1863 = arith.andi %gt3A_1859, %gt3A_1862 : vector<16xi1>
      %add3A_1864 = arith.constant 2.000000e+00 : f32
      %add3A_1865 = vector.broadcast %add3A_1864 : f32 to vector<16xf32>
      %add3A_1866 = arith.addf %get3A_1814, %add3A_1865 : vector<16xf32>
      %gt3A_1867 = arith.constant 5.000000e-01 : f32
      %gt3A_1868 = vector.broadcast %gt3A_1867 : f32 to vector<16xf32>
      %gt3A_1869 = arith.cmpf ogt, %get3A_1818, %gt3A_1868 : vector<16xf32>
      %jit3A_1870 = arith.constant -1.000000e+09 : f32
      %broadcast_in_dim3A_1871 = vector.broadcast %jit3A_1870 : f32 to vector<16xf32>
      %select_n3A_1872 = arith.select %gt3A_1869, %broadcast_in_dim3A_1871, %get3A_1814 : vector<16xi1>, vector<16xf32>
      %select_n3A_1873 = arith.select %and3A_1863, %add3A_1866, %select_n3A_1872 : vector<16xi1>, vector<16xf32>
      %add3A_1874 = arith.constant 176 : i32
      %add3A_1875 = arith.addi %mul3A_0, %add3A_1874 : i32
      %add3A_1876 = vector.broadcast %add3A_1875 : i32 to vector<16xi32>
      %add3A_1877 = arith.addi %add3A_1876, %iota3A : vector<16xi32>
      %gt3A_1878 = arith.cmpf ogt, %select_n3A_1873, %select_n3A_1811 : vector<16xf32>
      %select_n3A_1879 = arith.select %gt3A_1878, %select_n3A_1873, %select_n3A_1811 : vector<16xi1>, vector<16xf32>
      %select_n3A_1880 = arith.select %gt3A_1878, %add3A_1877, %select_n3A_1812 : vector<16xi1>, vector<16xi32>
      %get3A_1881 = arith.constant 192 : index
      %get3A_1882 = tpu.vector_load %arg12[%get3A_1881] {strides = array<i32>} : memref<320xf32, #tpu.memory_space<vmem>>, vector<16xf32>,
      %get3A_1883 = arith.constant 192 : index
      %get3A_1884 = tpu.vector_load %arg13[%get3A_1883] {strides = array<i32>} : memref<320xf32, #tpu.memory_space<vmem>>, vector<16xf32>,
      %get3A_1885 = arith.constant 192 : index
      %get3A_1886 = tpu.vector_load %arg14[%get3A_1885] {strides = array<i32>} : memref<320xf32, #tpu.memory_space<vmem>>, vector<16xf32>,
      %get3A_1887 = arith.constant 192 : index
      %get3A_1888 = tpu.vector_load %arg8[%get3A_1887] {strides = array<i32>} : memref<320xf32, #tpu.memory_space<vmem>>, vector<16xf32>,
      %get3A_1889 = arith.constant 192 : index
      %get3A_1890 = tpu.vector_load %arg9[%get3A_1889] {strides = array<i32>} : memref<320xf32, #tpu.memory_space<vmem>>, vector<16xf32>,
      %get3A_1891 = arith.constant 192 : index
      %get3A_1892 = tpu.vector_load %arg10[%get3A_1891] {strides = array<i32>} : memref<320xf32, #tpu.memory_space<vmem>>, vector<16xf32>,
      %get3A_1893 = arith.constant 192 : index
      %get3A_1894 = tpu.vector_load %arg11[%get3A_1893] {strides = array<i32>} : memref<320xf32, #tpu.memory_space<vmem>>, vector<16xf32>,
      %max3A_1895 = arith.maximumf %gather3A_1012, %get3A_1888 : vector<16xf32>
      %max3A_1896 = arith.maximumf %gather3A_1016, %get3A_1890 : vector<16xf32>
      %min3A_1897 = arith.minimumf %gather3A_1020, %get3A_1892 : vector<16xf32>
      %min3A_1898 = arith.minimumf %gather3A_1024, %get3A_1894 : vector<16xf32>
      %sub3A_1899 = arith.subf %min3A_1897, %max3A_1895 : vector<16xf32>
      %max3A_1900 = arith.constant 0.000000e+00 : f32
      %max3A_1901 = vector.broadcast %max3A_1900 : f32 to vector<16xf32>
      %max3A_1902 = arith.maximumf %sub3A_1899, %max3A_1901 : vector<16xf32>
      %sub3A_1903 = arith.subf %min3A_1898, %max3A_1896 : vector<16xf32>
      %max3A_1904 = arith.constant 0.000000e+00 : f32
      %max3A_1905 = vector.broadcast %max3A_1904 : f32 to vector<16xf32>
      %max3A_1906 = arith.maximumf %sub3A_1903, %max3A_1905 : vector<16xf32>
      %mul3A_1907 = arith.mulf %max3A_1902, %max3A_1906 : vector<16xf32>
      %sub3A_1908 = arith.subf %get3A_1892, %get3A_1888 : vector<16xf32>
      %sub3A_1909 = arith.subf %get3A_1894, %get3A_1890 : vector<16xf32>
      %mul3A_1910 = arith.mulf %sub3A_1908, %sub3A_1909 : vector<16xf32>
      %add3A_1911 = arith.addf %mul3A_1910, %mul3A_1034 : vector<16xf32>
      %sub3A_1912 = arith.subf %add3A_1911, %mul3A_1907 : vector<16xf32>
      %add3A_1913 = arith.constant 9.99999971E-10 : f32
      %add3A_1914 = vector.broadcast %add3A_1913 : f32 to vector<16xf32>
      %add3A_1915 = arith.addf %sub3A_1912, %add3A_1914 : vector<16xf32>
      %div3A_1916 = arith.divf %mul3A_1907, %add3A_1915 : vector<16xf32>
      %gt3A_1917 = arith.constant 5.000000e-01 : f32
      %gt3A_1918 = vector.broadcast %gt3A_1917 : f32 to vector<16xf32>
      %gt3A_1919 = arith.cmpf ogt, %div3A_1916, %gt3A_1918 : vector<16xf32>
      %jit3A_1920 = arith.constant 0.000000e+00 : f32
      %broadcast_in_dim3A_1921 = vector.broadcast %jit3A_1920 : f32 to vector<16xf32>
      %select_n3A_1922 = arith.select %gt3A_1919, %broadcast_in_dim3A_1921, %get3A_1884 : vector<16xi1>, vector<16xf32>
      %swap3A_1923 = arith.constant 192 : index
      %swap3A_1924 = tpu.vector_load %arg13[%swap3A_1923] {strides = array<i32>} : memref<320xf32, #tpu.memory_space<vmem>>, vector<16xf32>,
      tpu.vector_store %arg13[%swap3A_1923], %select_n3A_1922 {strides = array<i32>} : memref<320xf32, #tpu.memory_space<vmem>>, vector<16xf32>,
      %gt3A_1925 = arith.constant 5.000000e-01 : f32
      %gt3A_1926 = vector.broadcast %gt3A_1925 : f32 to vector<16xf32>
      %gt3A_1927 = arith.cmpf ogt, %select_n3A_1922, %gt3A_1926 : vector<16xf32>
      %gt3A_1928 = arith.constant 5.000000e-02 : f32
      %gt3A_1929 = vector.broadcast %gt3A_1928 : f32 to vector<16xf32>
      %gt3A_1930 = arith.cmpf ogt, %get3A_1882, %gt3A_1929 : vector<16xf32>
      %and3A_1931 = arith.andi %gt3A_1927, %gt3A_1930 : vector<16xi1>
      %add3A_1932 = arith.constant 2.000000e+00 : f32
      %add3A_1933 = vector.broadcast %add3A_1932 : f32 to vector<16xf32>
      %add3A_1934 = arith.addf %get3A_1882, %add3A_1933 : vector<16xf32>
      %gt3A_1935 = arith.constant 5.000000e-01 : f32
      %gt3A_1936 = vector.broadcast %gt3A_1935 : f32 to vector<16xf32>
      %gt3A_1937 = arith.cmpf ogt, %get3A_1886, %gt3A_1936 : vector<16xf32>
      %jit3A_1938 = arith.constant -1.000000e+09 : f32
      %broadcast_in_dim3A_1939 = vector.broadcast %jit3A_1938 : f32 to vector<16xf32>
      %select_n3A_1940 = arith.select %gt3A_1937, %broadcast_in_dim3A_1939, %get3A_1882 : vector<16xi1>, vector<16xf32>
      %select_n3A_1941 = arith.select %and3A_1931, %add3A_1934, %select_n3A_1940 : vector<16xi1>, vector<16xf32>
      %add3A_1942 = arith.constant 192 : i32
      %add3A_1943 = arith.addi %mul3A_0, %add3A_1942 : i32
      %add3A_1944 = vector.broadcast %add3A_1943 : i32 to vector<16xi32>
      %add3A_1945 = arith.addi %add3A_1944, %iota3A : vector<16xi32>
      %gt3A_1946 = arith.cmpf ogt, %select_n3A_1941, %select_n3A_1879 : vector<16xf32>
      %select_n3A_1947 = arith.select %gt3A_1946, %select_n3A_1941, %select_n3A_1879 : vector<16xi1>, vector<16xf32>
      %select_n3A_1948 = arith.select %gt3A_1946, %add3A_1945, %select_n3A_1880 : vector<16xi1>, vector<16xi32>
      %get3A_1949 = arith.constant 208 : index
      %get3A_1950 = tpu.vector_load %arg12[%get3A_1949] {strides = array<i32>} : memref<320xf32, #tpu.memory_space<vmem>>, vector<16xf32>,
      %get3A_1951 = arith.constant 208 : index
      %get3A_1952 = tpu.vector_load %arg13[%get3A_1951] {strides = array<i32>} : memref<320xf32, #tpu.memory_space<vmem>>, vector<16xf32>,
      %get3A_1953 = arith.constant 208 : index
      %get3A_1954 = tpu.vector_load %arg14[%get3A_1953] {strides = array<i32>} : memref<320xf32, #tpu.memory_space<vmem>>, vector<16xf32>,
      %get3A_1955 = arith.constant 208 : index
      %get3A_1956 = tpu.vector_load %arg8[%get3A_1955] {strides = array<i32>} : memref<320xf32, #tpu.memory_space<vmem>>, vector<16xf32>,
      %get3A_1957 = arith.constant 208 : index
      %get3A_1958 = tpu.vector_load %arg9[%get3A_1957] {strides = array<i32>} : memref<320xf32, #tpu.memory_space<vmem>>, vector<16xf32>,
      %get3A_1959 = arith.constant 208 : index
      %get3A_1960 = tpu.vector_load %arg10[%get3A_1959] {strides = array<i32>} : memref<320xf32, #tpu.memory_space<vmem>>, vector<16xf32>,
      %get3A_1961 = arith.constant 208 : index
      %get3A_1962 = tpu.vector_load %arg11[%get3A_1961] {strides = array<i32>} : memref<320xf32, #tpu.memory_space<vmem>>, vector<16xf32>,
      %max3A_1963 = arith.maximumf %gather3A_1012, %get3A_1956 : vector<16xf32>
      %max3A_1964 = arith.maximumf %gather3A_1016, %get3A_1958 : vector<16xf32>
      %min3A_1965 = arith.minimumf %gather3A_1020, %get3A_1960 : vector<16xf32>
      %min3A_1966 = arith.minimumf %gather3A_1024, %get3A_1962 : vector<16xf32>
      %sub3A_1967 = arith.subf %min3A_1965, %max3A_1963 : vector<16xf32>
      %max3A_1968 = arith.constant 0.000000e+00 : f32
      %max3A_1969 = vector.broadcast %max3A_1968 : f32 to vector<16xf32>
      %max3A_1970 = arith.maximumf %sub3A_1967, %max3A_1969 : vector<16xf32>
      %sub3A_1971 = arith.subf %min3A_1966, %max3A_1964 : vector<16xf32>
      %max3A_1972 = arith.constant 0.000000e+00 : f32
      %max3A_1973 = vector.broadcast %max3A_1972 : f32 to vector<16xf32>
      %max3A_1974 = arith.maximumf %sub3A_1971, %max3A_1973 : vector<16xf32>
      %mul3A_1975 = arith.mulf %max3A_1970, %max3A_1974 : vector<16xf32>
      %sub3A_1976 = arith.subf %get3A_1960, %get3A_1956 : vector<16xf32>
      %sub3A_1977 = arith.subf %get3A_1962, %get3A_1958 : vector<16xf32>
      %mul3A_1978 = arith.mulf %sub3A_1976, %sub3A_1977 : vector<16xf32>
      %add3A_1979 = arith.addf %mul3A_1978, %mul3A_1034 : vector<16xf32>
      %sub3A_1980 = arith.subf %add3A_1979, %mul3A_1975 : vector<16xf32>
      %add3A_1981 = arith.constant 9.99999971E-10 : f32
      %add3A_1982 = vector.broadcast %add3A_1981 : f32 to vector<16xf32>
      %add3A_1983 = arith.addf %sub3A_1980, %add3A_1982 : vector<16xf32>
      %div3A_1984 = arith.divf %mul3A_1975, %add3A_1983 : vector<16xf32>
      %gt3A_1985 = arith.constant 5.000000e-01 : f32
      %gt3A_1986 = vector.broadcast %gt3A_1985 : f32 to vector<16xf32>
      %gt3A_1987 = arith.cmpf ogt, %div3A_1984, %gt3A_1986 : vector<16xf32>
      %jit3A_1988 = arith.constant 0.000000e+00 : f32
      %broadcast_in_dim3A_1989 = vector.broadcast %jit3A_1988 : f32 to vector<16xf32>
      %select_n3A_1990 = arith.select %gt3A_1987, %broadcast_in_dim3A_1989, %get3A_1952 : vector<16xi1>, vector<16xf32>
      %swap3A_1991 = arith.constant 208 : index
      %swap3A_1992 = tpu.vector_load %arg13[%swap3A_1991] {strides = array<i32>} : memref<320xf32, #tpu.memory_space<vmem>>, vector<16xf32>,
      tpu.vector_store %arg13[%swap3A_1991], %select_n3A_1990 {strides = array<i32>} : memref<320xf32, #tpu.memory_space<vmem>>, vector<16xf32>,
      %gt3A_1993 = arith.constant 5.000000e-01 : f32
      %gt3A_1994 = vector.broadcast %gt3A_1993 : f32 to vector<16xf32>
      %gt3A_1995 = arith.cmpf ogt, %select_n3A_1990, %gt3A_1994 : vector<16xf32>
      %gt3A_1996 = arith.constant 5.000000e-02 : f32
      %gt3A_1997 = vector.broadcast %gt3A_1996 : f32 to vector<16xf32>
      %gt3A_1998 = arith.cmpf ogt, %get3A_1950, %gt3A_1997 : vector<16xf32>
      %and3A_1999 = arith.andi %gt3A_1995, %gt3A_1998 : vector<16xi1>
      %add3A_2000 = arith.constant 2.000000e+00 : f32
      %add3A_2001 = vector.broadcast %add3A_2000 : f32 to vector<16xf32>
      %add3A_2002 = arith.addf %get3A_1950, %add3A_2001 : vector<16xf32>
      %gt3A_2003 = arith.constant 5.000000e-01 : f32
      %gt3A_2004 = vector.broadcast %gt3A_2003 : f32 to vector<16xf32>
      %gt3A_2005 = arith.cmpf ogt, %get3A_1954, %gt3A_2004 : vector<16xf32>
      %jit3A_2006 = arith.constant -1.000000e+09 : f32
      %broadcast_in_dim3A_2007 = vector.broadcast %jit3A_2006 : f32 to vector<16xf32>
      %select_n3A_2008 = arith.select %gt3A_2005, %broadcast_in_dim3A_2007, %get3A_1950 : vector<16xi1>, vector<16xf32>
      %select_n3A_2009 = arith.select %and3A_1999, %add3A_2002, %select_n3A_2008 : vector<16xi1>, vector<16xf32>
      %add3A_2010 = arith.constant 208 : i32
      %add3A_2011 = arith.addi %mul3A_0, %add3A_2010 : i32
      %add3A_2012 = vector.broadcast %add3A_2011 : i32 to vector<16xi32>
      %add3A_2013 = arith.addi %add3A_2012, %iota3A : vector<16xi32>
      %gt3A_2014 = arith.cmpf ogt, %select_n3A_2009, %select_n3A_1947 : vector<16xf32>
      %select_n3A_2015 = arith.select %gt3A_2014, %select_n3A_2009, %select_n3A_1947 : vector<16xi1>, vector<16xf32>
      %select_n3A_2016 = arith.select %gt3A_2014, %add3A_2013, %select_n3A_1948 : vector<16xi1>, vector<16xi32>
      %get3A_2017 = arith.constant 224 : index
      %get3A_2018 = tpu.vector_load %arg12[%get3A_2017] {strides = array<i32>} : memref<320xf32, #tpu.memory_space<vmem>>, vector<16xf32>,
      %get3A_2019 = arith.constant 224 : index
      %get3A_2020 = tpu.vector_load %arg13[%get3A_2019] {strides = array<i32>} : memref<320xf32, #tpu.memory_space<vmem>>, vector<16xf32>,
      %get3A_2021 = arith.constant 224 : index
      %get3A_2022 = tpu.vector_load %arg14[%get3A_2021] {strides = array<i32>} : memref<320xf32, #tpu.memory_space<vmem>>, vector<16xf32>,
      %get3A_2023 = arith.constant 224 : index
      %get3A_2024 = tpu.vector_load %arg8[%get3A_2023] {strides = array<i32>} : memref<320xf32, #tpu.memory_space<vmem>>, vector<16xf32>,
      %get3A_2025 = arith.constant 224 : index
      %get3A_2026 = tpu.vector_load %arg9[%get3A_2025] {strides = array<i32>} : memref<320xf32, #tpu.memory_space<vmem>>, vector<16xf32>,
      %get3A_2027 = arith.constant 224 : index
      %get3A_2028 = tpu.vector_load %arg10[%get3A_2027] {strides = array<i32>} : memref<320xf32, #tpu.memory_space<vmem>>, vector<16xf32>,
      %get3A_2029 = arith.constant 224 : index
      %get3A_2030 = tpu.vector_load %arg11[%get3A_2029] {strides = array<i32>} : memref<320xf32, #tpu.memory_space<vmem>>, vector<16xf32>,
      %max3A_2031 = arith.maximumf %gather3A_1012, %get3A_2024 : vector<16xf32>
      %max3A_2032 = arith.maximumf %gather3A_1016, %get3A_2026 : vector<16xf32>
      %min3A_2033 = arith.minimumf %gather3A_1020, %get3A_2028 : vector<16xf32>
      %min3A_2034 = arith.minimumf %gather3A_1024, %get3A_2030 : vector<16xf32>
      %sub3A_2035 = arith.subf %min3A_2033, %max3A_2031 : vector<16xf32>
      %max3A_2036 = arith.constant 0.000000e+00 : f32
      %max3A_2037 = vector.broadcast %max3A_2036 : f32 to vector<16xf32>
      %max3A_2038 = arith.maximumf %sub3A_2035, %max3A_2037 : vector<16xf32>
      %sub3A_2039 = arith.subf %min3A_2034, %max3A_2032 : vector<16xf32>
      %max3A_2040 = arith.constant 0.000000e+00 : f32
      %max3A_2041 = vector.broadcast %max3A_2040 : f32 to vector<16xf32>
      %max3A_2042 = arith.maximumf %sub3A_2039, %max3A_2041 : vector<16xf32>
      %mul3A_2043 = arith.mulf %max3A_2038, %max3A_2042 : vector<16xf32>
      %sub3A_2044 = arith.subf %get3A_2028, %get3A_2024 : vector<16xf32>
      %sub3A_2045 = arith.subf %get3A_2030, %get3A_2026 : vector<16xf32>
      %mul3A_2046 = arith.mulf %sub3A_2044, %sub3A_2045 : vector<16xf32>
      %add3A_2047 = arith.addf %mul3A_2046, %mul3A_1034 : vector<16xf32>
      %sub3A_2048 = arith.subf %add3A_2047, %mul3A_2043 : vector<16xf32>
      %add3A_2049 = arith.constant 9.99999971E-10 : f32
      %add3A_2050 = vector.broadcast %add3A_2049 : f32 to vector<16xf32>
      %add3A_2051 = arith.addf %sub3A_2048, %add3A_2050 : vector<16xf32>
      %div3A_2052 = arith.divf %mul3A_2043, %add3A_2051 : vector<16xf32>
      %gt3A_2053 = arith.constant 5.000000e-01 : f32
      %gt3A_2054 = vector.broadcast %gt3A_2053 : f32 to vector<16xf32>
      %gt3A_2055 = arith.cmpf ogt, %div3A_2052, %gt3A_2054 : vector<16xf32>
      %jit3A_2056 = arith.constant 0.000000e+00 : f32
      %broadcast_in_dim3A_2057 = vector.broadcast %jit3A_2056 : f32 to vector<16xf32>
      %select_n3A_2058 = arith.select %gt3A_2055, %broadcast_in_dim3A_2057, %get3A_2020 : vector<16xi1>, vector<16xf32>
      %swap3A_2059 = arith.constant 224 : index
      %swap3A_2060 = tpu.vector_load %arg13[%swap3A_2059] {strides = array<i32>} : memref<320xf32, #tpu.memory_space<vmem>>, vector<16xf32>,
      tpu.vector_store %arg13[%swap3A_2059], %select_n3A_2058 {strides = array<i32>} : memref<320xf32, #tpu.memory_space<vmem>>, vector<16xf32>,
      %gt3A_2061 = arith.constant 5.000000e-01 : f32
      %gt3A_2062 = vector.broadcast %gt3A_2061 : f32 to vector<16xf32>
      %gt3A_2063 = arith.cmpf ogt, %select_n3A_2058, %gt3A_2062 : vector<16xf32>
      %gt3A_2064 = arith.constant 5.000000e-02 : f32
      %gt3A_2065 = vector.broadcast %gt3A_2064 : f32 to vector<16xf32>
      %gt3A_2066 = arith.cmpf ogt, %get3A_2018, %gt3A_2065 : vector<16xf32>
      %and3A_2067 = arith.andi %gt3A_2063, %gt3A_2066 : vector<16xi1>
      %add3A_2068 = arith.constant 2.000000e+00 : f32
      %add3A_2069 = vector.broadcast %add3A_2068 : f32 to vector<16xf32>
      %add3A_2070 = arith.addf %get3A_2018, %add3A_2069 : vector<16xf32>
      %gt3A_2071 = arith.constant 5.000000e-01 : f32
      %gt3A_2072 = vector.broadcast %gt3A_2071 : f32 to vector<16xf32>
      %gt3A_2073 = arith.cmpf ogt, %get3A_2022, %gt3A_2072 : vector<16xf32>
      %jit3A_2074 = arith.constant -1.000000e+09 : f32
      %broadcast_in_dim3A_2075 = vector.broadcast %jit3A_2074 : f32 to vector<16xf32>
      %select_n3A_2076 = arith.select %gt3A_2073, %broadcast_in_dim3A_2075, %get3A_2018 : vector<16xi1>, vector<16xf32>
      %select_n3A_2077 = arith.select %and3A_2067, %add3A_2070, %select_n3A_2076 : vector<16xi1>, vector<16xf32>
      %add3A_2078 = arith.constant 224 : i32
      %add3A_2079 = arith.addi %mul3A_0, %add3A_2078 : i32
      %add3A_2080 = vector.broadcast %add3A_2079 : i32 to vector<16xi32>
      %add3A_2081 = arith.addi %add3A_2080, %iota3A : vector<16xi32>
      %gt3A_2082 = arith.cmpf ogt, %select_n3A_2077, %select_n3A_2015 : vector<16xf32>
      %select_n3A_2083 = arith.select %gt3A_2082, %select_n3A_2077, %select_n3A_2015 : vector<16xi1>, vector<16xf32>
      %select_n3A_2084 = arith.select %gt3A_2082, %add3A_2081, %select_n3A_2016 : vector<16xi1>, vector<16xi32>
      %get3A_2085 = arith.constant 240 : index
      %get3A_2086 = tpu.vector_load %arg12[%get3A_2085] {strides = array<i32>} : memref<320xf32, #tpu.memory_space<vmem>>, vector<16xf32>,
      %get3A_2087 = arith.constant 240 : index
      %get3A_2088 = tpu.vector_load %arg13[%get3A_2087] {strides = array<i32>} : memref<320xf32, #tpu.memory_space<vmem>>, vector<16xf32>,
      %get3A_2089 = arith.constant 240 : index
      %get3A_2090 = tpu.vector_load %arg14[%get3A_2089] {strides = array<i32>} : memref<320xf32, #tpu.memory_space<vmem>>, vector<16xf32>,
      %get3A_2091 = arith.constant 240 : index
      %get3A_2092 = tpu.vector_load %arg8[%get3A_2091] {strides = array<i32>} : memref<320xf32, #tpu.memory_space<vmem>>, vector<16xf32>,
      %get3A_2093 = arith.constant 240 : index
      %get3A_2094 = tpu.vector_load %arg9[%get3A_2093] {strides = array<i32>} : memref<320xf32, #tpu.memory_space<vmem>>, vector<16xf32>,
      %get3A_2095 = arith.constant 240 : index
      %get3A_2096 = tpu.vector_load %arg10[%get3A_2095] {strides = array<i32>} : memref<320xf32, #tpu.memory_space<vmem>>, vector<16xf32>,
      %get3A_2097 = arith.constant 240 : index
      %get3A_2098 = tpu.vector_load %arg11[%get3A_2097] {strides = array<i32>} : memref<320xf32, #tpu.memory_space<vmem>>, vector<16xf32>,
      %max3A_2099 = arith.maximumf %gather3A_1012, %get3A_2092 : vector<16xf32>
      %max3A_2100 = arith.maximumf %gather3A_1016, %get3A_2094 : vector<16xf32>
      %min3A_2101 = arith.minimumf %gather3A_1020, %get3A_2096 : vector<16xf32>
      %min3A_2102 = arith.minimumf %gather3A_1024, %get3A_2098 : vector<16xf32>
      %sub3A_2103 = arith.subf %min3A_2101, %max3A_2099 : vector<16xf32>
      %max3A_2104 = arith.constant 0.000000e+00 : f32
      %max3A_2105 = vector.broadcast %max3A_2104 : f32 to vector<16xf32>
      %max3A_2106 = arith.maximumf %sub3A_2103, %max3A_2105 : vector<16xf32>
      %sub3A_2107 = arith.subf %min3A_2102, %max3A_2100 : vector<16xf32>
      %max3A_2108 = arith.constant 0.000000e+00 : f32
      %max3A_2109 = vector.broadcast %max3A_2108 : f32 to vector<16xf32>
      %max3A_2110 = arith.maximumf %sub3A_2107, %max3A_2109 : vector<16xf32>
      %mul3A_2111 = arith.mulf %max3A_2106, %max3A_2110 : vector<16xf32>
      %sub3A_2112 = arith.subf %get3A_2096, %get3A_2092 : vector<16xf32>
      %sub3A_2113 = arith.subf %get3A_2098, %get3A_2094 : vector<16xf32>
      %mul3A_2114 = arith.mulf %sub3A_2112, %sub3A_2113 : vector<16xf32>
      %add3A_2115 = arith.addf %mul3A_2114, %mul3A_1034 : vector<16xf32>
      %sub3A_2116 = arith.subf %add3A_2115, %mul3A_2111 : vector<16xf32>
      %add3A_2117 = arith.constant 9.99999971E-10 : f32
      %add3A_2118 = vector.broadcast %add3A_2117 : f32 to vector<16xf32>
      %add3A_2119 = arith.addf %sub3A_2116, %add3A_2118 : vector<16xf32>
      %div3A_2120 = arith.divf %mul3A_2111, %add3A_2119 : vector<16xf32>
      %gt3A_2121 = arith.constant 5.000000e-01 : f32
      %gt3A_2122 = vector.broadcast %gt3A_2121 : f32 to vector<16xf32>
      %gt3A_2123 = arith.cmpf ogt, %div3A_2120, %gt3A_2122 : vector<16xf32>
      %jit3A_2124 = arith.constant 0.000000e+00 : f32
      %broadcast_in_dim3A_2125 = vector.broadcast %jit3A_2124 : f32 to vector<16xf32>
      %select_n3A_2126 = arith.select %gt3A_2123, %broadcast_in_dim3A_2125, %get3A_2088 : vector<16xi1>, vector<16xf32>
      %swap3A_2127 = arith.constant 240 : index
      %swap3A_2128 = tpu.vector_load %arg13[%swap3A_2127] {strides = array<i32>} : memref<320xf32, #tpu.memory_space<vmem>>, vector<16xf32>,
      tpu.vector_store %arg13[%swap3A_2127], %select_n3A_2126 {strides = array<i32>} : memref<320xf32, #tpu.memory_space<vmem>>, vector<16xf32>,
      %gt3A_2129 = arith.constant 5.000000e-01 : f32
      %gt3A_2130 = vector.broadcast %gt3A_2129 : f32 to vector<16xf32>
      %gt3A_2131 = arith.cmpf ogt, %select_n3A_2126, %gt3A_2130 : vector<16xf32>
      %gt3A_2132 = arith.constant 5.000000e-02 : f32
      %gt3A_2133 = vector.broadcast %gt3A_2132 : f32 to vector<16xf32>
      %gt3A_2134 = arith.cmpf ogt, %get3A_2086, %gt3A_2133 : vector<16xf32>
      %and3A_2135 = arith.andi %gt3A_2131, %gt3A_2134 : vector<16xi1>
      %add3A_2136 = arith.constant 2.000000e+00 : f32
      %add3A_2137 = vector.broadcast %add3A_2136 : f32 to vector<16xf32>
      %add3A_2138 = arith.addf %get3A_2086, %add3A_2137 : vector<16xf32>
      %gt3A_2139 = arith.constant 5.000000e-01 : f32
      %gt3A_2140 = vector.broadcast %gt3A_2139 : f32 to vector<16xf32>
      %gt3A_2141 = arith.cmpf ogt, %get3A_2090, %gt3A_2140 : vector<16xf32>
      %jit3A_2142 = arith.constant -1.000000e+09 : f32
      %broadcast_in_dim3A_2143 = vector.broadcast %jit3A_2142 : f32 to vector<16xf32>
      %select_n3A_2144 = arith.select %gt3A_2141, %broadcast_in_dim3A_2143, %get3A_2086 : vector<16xi1>, vector<16xf32>
      %select_n3A_2145 = arith.select %and3A_2135, %add3A_2138, %select_n3A_2144 : vector<16xi1>, vector<16xf32>
      %add3A_2146 = arith.constant 240 : i32
      %add3A_2147 = arith.addi %mul3A_0, %add3A_2146 : i32
      %add3A_2148 = vector.broadcast %add3A_2147 : i32 to vector<16xi32>
      %add3A_2149 = arith.addi %add3A_2148, %iota3A : vector<16xi32>
      %gt3A_2150 = arith.cmpf ogt, %select_n3A_2145, %select_n3A_2083 : vector<16xf32>
      %select_n3A_2151 = arith.select %gt3A_2150, %select_n3A_2145, %select_n3A_2083 : vector<16xi1>, vector<16xf32>
      %select_n3A_2152 = arith.select %gt3A_2150, %add3A_2149, %select_n3A_2084 : vector<16xi1>, vector<16xi32>
      %get3A_2153 = arith.constant 256 : index
      %get3A_2154 = tpu.vector_load %arg12[%get3A_2153] {strides = array<i32>} : memref<320xf32, #tpu.memory_space<vmem>>, vector<16xf32>,
      %get3A_2155 = arith.constant 256 : index
      %get3A_2156 = tpu.vector_load %arg13[%get3A_2155] {strides = array<i32>} : memref<320xf32, #tpu.memory_space<vmem>>, vector<16xf32>,
      %get3A_2157 = arith.constant 256 : index
      %get3A_2158 = tpu.vector_load %arg14[%get3A_2157] {strides = array<i32>} : memref<320xf32, #tpu.memory_space<vmem>>, vector<16xf32>,
      %get3A_2159 = arith.constant 256 : index
      %get3A_2160 = tpu.vector_load %arg8[%get3A_2159] {strides = array<i32>} : memref<320xf32, #tpu.memory_space<vmem>>, vector<16xf32>,
      %get3A_2161 = arith.constant 256 : index
      %get3A_2162 = tpu.vector_load %arg9[%get3A_2161] {strides = array<i32>} : memref<320xf32, #tpu.memory_space<vmem>>, vector<16xf32>,
      %get3A_2163 = arith.constant 256 : index
      %get3A_2164 = tpu.vector_load %arg10[%get3A_2163] {strides = array<i32>} : memref<320xf32, #tpu.memory_space<vmem>>, vector<16xf32>,
      %get3A_2165 = arith.constant 256 : index
      %get3A_2166 = tpu.vector_load %arg11[%get3A_2165] {strides = array<i32>} : memref<320xf32, #tpu.memory_space<vmem>>, vector<16xf32>,
      %max3A_2167 = arith.maximumf %gather3A_1012, %get3A_2160 : vector<16xf32>
      %max3A_2168 = arith.maximumf %gather3A_1016, %get3A_2162 : vector<16xf32>
      %min3A_2169 = arith.minimumf %gather3A_1020, %get3A_2164 : vector<16xf32>
      %min3A_2170 = arith.minimumf %gather3A_1024, %get3A_2166 : vector<16xf32>
      %sub3A_2171 = arith.subf %min3A_2169, %max3A_2167 : vector<16xf32>
      %max3A_2172 = arith.constant 0.000000e+00 : f32
      %max3A_2173 = vector.broadcast %max3A_2172 : f32 to vector<16xf32>
      %max3A_2174 = arith.maximumf %sub3A_2171, %max3A_2173 : vector<16xf32>
      %sub3A_2175 = arith.subf %min3A_2170, %max3A_2168 : vector<16xf32>
      %max3A_2176 = arith.constant 0.000000e+00 : f32
      %max3A_2177 = vector.broadcast %max3A_2176 : f32 to vector<16xf32>
      %max3A_2178 = arith.maximumf %sub3A_2175, %max3A_2177 : vector<16xf32>
      %mul3A_2179 = arith.mulf %max3A_2174, %max3A_2178 : vector<16xf32>
      %sub3A_2180 = arith.subf %get3A_2164, %get3A_2160 : vector<16xf32>
      %sub3A_2181 = arith.subf %get3A_2166, %get3A_2162 : vector<16xf32>
      %mul3A_2182 = arith.mulf %sub3A_2180, %sub3A_2181 : vector<16xf32>
      %add3A_2183 = arith.addf %mul3A_2182, %mul3A_1034 : vector<16xf32>
      %sub3A_2184 = arith.subf %add3A_2183, %mul3A_2179 : vector<16xf32>
      %add3A_2185 = arith.constant 9.99999971E-10 : f32
      %add3A_2186 = vector.broadcast %add3A_2185 : f32 to vector<16xf32>
      %add3A_2187 = arith.addf %sub3A_2184, %add3A_2186 : vector<16xf32>
      %div3A_2188 = arith.divf %mul3A_2179, %add3A_2187 : vector<16xf32>
      %gt3A_2189 = arith.constant 5.000000e-01 : f32
      %gt3A_2190 = vector.broadcast %gt3A_2189 : f32 to vector<16xf32>
      %gt3A_2191 = arith.cmpf ogt, %div3A_2188, %gt3A_2190 : vector<16xf32>
      %jit3A_2192 = arith.constant 0.000000e+00 : f32
      %broadcast_in_dim3A_2193 = vector.broadcast %jit3A_2192 : f32 to vector<16xf32>
      %select_n3A_2194 = arith.select %gt3A_2191, %broadcast_in_dim3A_2193, %get3A_2156 : vector<16xi1>, vector<16xf32>
      %swap3A_2195 = arith.constant 256 : index
      %swap3A_2196 = tpu.vector_load %arg13[%swap3A_2195] {strides = array<i32>} : memref<320xf32, #tpu.memory_space<vmem>>, vector<16xf32>,
      tpu.vector_store %arg13[%swap3A_2195], %select_n3A_2194 {strides = array<i32>} : memref<320xf32, #tpu.memory_space<vmem>>, vector<16xf32>,
      %gt3A_2197 = arith.constant 5.000000e-01 : f32
      %gt3A_2198 = vector.broadcast %gt3A_2197 : f32 to vector<16xf32>
      %gt3A_2199 = arith.cmpf ogt, %select_n3A_2194, %gt3A_2198 : vector<16xf32>
      %gt3A_2200 = arith.constant 5.000000e-02 : f32
      %gt3A_2201 = vector.broadcast %gt3A_2200 : f32 to vector<16xf32>
      %gt3A_2202 = arith.cmpf ogt, %get3A_2154, %gt3A_2201 : vector<16xf32>
      %and3A_2203 = arith.andi %gt3A_2199, %gt3A_2202 : vector<16xi1>
      %add3A_2204 = arith.constant 2.000000e+00 : f32
      %add3A_2205 = vector.broadcast %add3A_2204 : f32 to vector<16xf32>
      %add3A_2206 = arith.addf %get3A_2154, %add3A_2205 : vector<16xf32>
      %gt3A_2207 = arith.constant 5.000000e-01 : f32
      %gt3A_2208 = vector.broadcast %gt3A_2207 : f32 to vector<16xf32>
      %gt3A_2209 = arith.cmpf ogt, %get3A_2158, %gt3A_2208 : vector<16xf32>
      %jit3A_2210 = arith.constant -1.000000e+09 : f32
      %broadcast_in_dim3A_2211 = vector.broadcast %jit3A_2210 : f32 to vector<16xf32>
      %select_n3A_2212 = arith.select %gt3A_2209, %broadcast_in_dim3A_2211, %get3A_2154 : vector<16xi1>, vector<16xf32>
      %select_n3A_2213 = arith.select %and3A_2203, %add3A_2206, %select_n3A_2212 : vector<16xi1>, vector<16xf32>
      %add3A_2214 = arith.constant 256 : i32
      %add3A_2215 = arith.addi %mul3A_0, %add3A_2214 : i32
      %add3A_2216 = vector.broadcast %add3A_2215 : i32 to vector<16xi32>
      %add3A_2217 = arith.addi %add3A_2216, %iota3A : vector<16xi32>
      %gt3A_2218 = arith.cmpf ogt, %select_n3A_2213, %select_n3A_2151 : vector<16xf32>
      %select_n3A_2219 = arith.select %gt3A_2218, %select_n3A_2213, %select_n3A_2151 : vector<16xi1>, vector<16xf32>
      %select_n3A_2220 = arith.select %gt3A_2218, %add3A_2217, %select_n3A_2152 : vector<16xi1>, vector<16xi32>
      %get3A_2221 = arith.constant 272 : index
      %get3A_2222 = tpu.vector_load %arg12[%get3A_2221] {strides = array<i32>} : memref<320xf32, #tpu.memory_space<vmem>>, vector<16xf32>,
      %get3A_2223 = arith.constant 272 : index
      %get3A_2224 = tpu.vector_load %arg13[%get3A_2223] {strides = array<i32>} : memref<320xf32, #tpu.memory_space<vmem>>, vector<16xf32>,
      %get3A_2225 = arith.constant 272 : index
      %get3A_2226 = tpu.vector_load %arg14[%get3A_2225] {strides = array<i32>} : memref<320xf32, #tpu.memory_space<vmem>>, vector<16xf32>,
      %get3A_2227 = arith.constant 272 : index
      %get3A_2228 = tpu.vector_load %arg8[%get3A_2227] {strides = array<i32>} : memref<320xf32, #tpu.memory_space<vmem>>, vector<16xf32>,
      %get3A_2229 = arith.constant 272 : index
      %get3A_2230 = tpu.vector_load %arg9[%get3A_2229] {strides = array<i32>} : memref<320xf32, #tpu.memory_space<vmem>>, vector<16xf32>,
      %get3A_2231 = arith.constant 272 : index
      %get3A_2232 = tpu.vector_load %arg10[%get3A_2231] {strides = array<i32>} : memref<320xf32, #tpu.memory_space<vmem>>, vector<16xf32>,
      %get3A_2233 = arith.constant 272 : index
      %get3A_2234 = tpu.vector_load %arg11[%get3A_2233] {strides = array<i32>} : memref<320xf32, #tpu.memory_space<vmem>>, vector<16xf32>,
      %max3A_2235 = arith.maximumf %gather3A_1012, %get3A_2228 : vector<16xf32>
      %max3A_2236 = arith.maximumf %gather3A_1016, %get3A_2230 : vector<16xf32>
      %min3A_2237 = arith.minimumf %gather3A_1020, %get3A_2232 : vector<16xf32>
      %min3A_2238 = arith.minimumf %gather3A_1024, %get3A_2234 : vector<16xf32>
      %sub3A_2239 = arith.subf %min3A_2237, %max3A_2235 : vector<16xf32>
      %max3A_2240 = arith.constant 0.000000e+00 : f32
      %max3A_2241 = vector.broadcast %max3A_2240 : f32 to vector<16xf32>
      %max3A_2242 = arith.maximumf %sub3A_2239, %max3A_2241 : vector<16xf32>
      %sub3A_2243 = arith.subf %min3A_2238, %max3A_2236 : vector<16xf32>
      %max3A_2244 = arith.constant 0.000000e+00 : f32
      %max3A_2245 = vector.broadcast %max3A_2244 : f32 to vector<16xf32>
      %max3A_2246 = arith.maximumf %sub3A_2243, %max3A_2245 : vector<16xf32>
      %mul3A_2247 = arith.mulf %max3A_2242, %max3A_2246 : vector<16xf32>
      %sub3A_2248 = arith.subf %get3A_2232, %get3A_2228 : vector<16xf32>
      %sub3A_2249 = arith.subf %get3A_2234, %get3A_2230 : vector<16xf32>
      %mul3A_2250 = arith.mulf %sub3A_2248, %sub3A_2249 : vector<16xf32>
      %add3A_2251 = arith.addf %mul3A_2250, %mul3A_1034 : vector<16xf32>
      %sub3A_2252 = arith.subf %add3A_2251, %mul3A_2247 : vector<16xf32>
      %add3A_2253 = arith.constant 9.99999971E-10 : f32
      %add3A_2254 = vector.broadcast %add3A_2253 : f32 to vector<16xf32>
      %add3A_2255 = arith.addf %sub3A_2252, %add3A_2254 : vector<16xf32>
      %div3A_2256 = arith.divf %mul3A_2247, %add3A_2255 : vector<16xf32>
      %gt3A_2257 = arith.constant 5.000000e-01 : f32
      %gt3A_2258 = vector.broadcast %gt3A_2257 : f32 to vector<16xf32>
      %gt3A_2259 = arith.cmpf ogt, %div3A_2256, %gt3A_2258 : vector<16xf32>
      %jit3A_2260 = arith.constant 0.000000e+00 : f32
      %broadcast_in_dim3A_2261 = vector.broadcast %jit3A_2260 : f32 to vector<16xf32>
      %select_n3A_2262 = arith.select %gt3A_2259, %broadcast_in_dim3A_2261, %get3A_2224 : vector<16xi1>, vector<16xf32>
      %swap3A_2263 = arith.constant 272 : index
      %swap3A_2264 = tpu.vector_load %arg13[%swap3A_2263] {strides = array<i32>} : memref<320xf32, #tpu.memory_space<vmem>>, vector<16xf32>,
      tpu.vector_store %arg13[%swap3A_2263], %select_n3A_2262 {strides = array<i32>} : memref<320xf32, #tpu.memory_space<vmem>>, vector<16xf32>,
      %gt3A_2265 = arith.constant 5.000000e-01 : f32
      %gt3A_2266 = vector.broadcast %gt3A_2265 : f32 to vector<16xf32>
      %gt3A_2267 = arith.cmpf ogt, %select_n3A_2262, %gt3A_2266 : vector<16xf32>
      %gt3A_2268 = arith.constant 5.000000e-02 : f32
      %gt3A_2269 = vector.broadcast %gt3A_2268 : f32 to vector<16xf32>
      %gt3A_2270 = arith.cmpf ogt, %get3A_2222, %gt3A_2269 : vector<16xf32>
      %and3A_2271 = arith.andi %gt3A_2267, %gt3A_2270 : vector<16xi1>
      %add3A_2272 = arith.constant 2.000000e+00 : f32
      %add3A_2273 = vector.broadcast %add3A_2272 : f32 to vector<16xf32>
      %add3A_2274 = arith.addf %get3A_2222, %add3A_2273 : vector<16xf32>
      %gt3A_2275 = arith.constant 5.000000e-01 : f32
      %gt3A_2276 = vector.broadcast %gt3A_2275 : f32 to vector<16xf32>
      %gt3A_2277 = arith.cmpf ogt, %get3A_2226, %gt3A_2276 : vector<16xf32>
      %jit3A_2278 = arith.constant -1.000000e+09 : f32
      %broadcast_in_dim3A_2279 = vector.broadcast %jit3A_2278 : f32 to vector<16xf32>
      %select_n3A_2280 = arith.select %gt3A_2277, %broadcast_in_dim3A_2279, %get3A_2222 : vector<16xi1>, vector<16xf32>
      %select_n3A_2281 = arith.select %and3A_2271, %add3A_2274, %select_n3A_2280 : vector<16xi1>, vector<16xf32>
      %add3A_2282 = arith.constant 272 : i32
      %add3A_2283 = arith.addi %mul3A_0, %add3A_2282 : i32
      %add3A_2284 = vector.broadcast %add3A_2283 : i32 to vector<16xi32>
      %add3A_2285 = arith.addi %add3A_2284, %iota3A : vector<16xi32>
      %gt3A_2286 = arith.cmpf ogt, %select_n3A_2281, %select_n3A_2219 : vector<16xf32>
      %select_n3A_2287 = arith.select %gt3A_2286, %select_n3A_2281, %select_n3A_2219 : vector<16xi1>, vector<16xf32>
      %select_n3A_2288 = arith.select %gt3A_2286, %add3A_2285, %select_n3A_2220 : vector<16xi1>, vector<16xi32>
      %get3A_2289 = arith.constant 288 : index
      %get3A_2290 = tpu.vector_load %arg12[%get3A_2289] {strides = array<i32>} : memref<320xf32, #tpu.memory_space<vmem>>, vector<16xf32>,
      %get3A_2291 = arith.constant 288 : index
      %get3A_2292 = tpu.vector_load %arg13[%get3A_2291] {strides = array<i32>} : memref<320xf32, #tpu.memory_space<vmem>>, vector<16xf32>,
      %get3A_2293 = arith.constant 288 : index
      %get3A_2294 = tpu.vector_load %arg14[%get3A_2293] {strides = array<i32>} : memref<320xf32, #tpu.memory_space<vmem>>, vector<16xf32>,
      %get3A_2295 = arith.constant 288 : index
      %get3A_2296 = tpu.vector_load %arg8[%get3A_2295] {strides = array<i32>} : memref<320xf32, #tpu.memory_space<vmem>>, vector<16xf32>,
      %get3A_2297 = arith.constant 288 : index
      %get3A_2298 = tpu.vector_load %arg9[%get3A_2297] {strides = array<i32>} : memref<320xf32, #tpu.memory_space<vmem>>, vector<16xf32>,
      %get3A_2299 = arith.constant 288 : index
      %get3A_2300 = tpu.vector_load %arg10[%get3A_2299] {strides = array<i32>} : memref<320xf32, #tpu.memory_space<vmem>>, vector<16xf32>,
      %get3A_2301 = arith.constant 288 : index
      %get3A_2302 = tpu.vector_load %arg11[%get3A_2301] {strides = array<i32>} : memref<320xf32, #tpu.memory_space<vmem>>, vector<16xf32>,
      %max3A_2303 = arith.maximumf %gather3A_1012, %get3A_2296 : vector<16xf32>
      %max3A_2304 = arith.maximumf %gather3A_1016, %get3A_2298 : vector<16xf32>
      %min3A_2305 = arith.minimumf %gather3A_1020, %get3A_2300 : vector<16xf32>
      %min3A_2306 = arith.minimumf %gather3A_1024, %get3A_2302 : vector<16xf32>
      %sub3A_2307 = arith.subf %min3A_2305, %max3A_2303 : vector<16xf32>
      %max3A_2308 = arith.constant 0.000000e+00 : f32
      %max3A_2309 = vector.broadcast %max3A_2308 : f32 to vector<16xf32>
      %max3A_2310 = arith.maximumf %sub3A_2307, %max3A_2309 : vector<16xf32>
      %sub3A_2311 = arith.subf %min3A_2306, %max3A_2304 : vector<16xf32>
      %max3A_2312 = arith.constant 0.000000e+00 : f32
      %max3A_2313 = vector.broadcast %max3A_2312 : f32 to vector<16xf32>
      %max3A_2314 = arith.maximumf %sub3A_2311, %max3A_2313 : vector<16xf32>
      %mul3A_2315 = arith.mulf %max3A_2310, %max3A_2314 : vector<16xf32>
      %sub3A_2316 = arith.subf %get3A_2300, %get3A_2296 : vector<16xf32>
      %sub3A_2317 = arith.subf %get3A_2302, %get3A_2298 : vector<16xf32>
      %mul3A_2318 = arith.mulf %sub3A_2316, %sub3A_2317 : vector<16xf32>
      %add3A_2319 = arith.addf %mul3A_2318, %mul3A_1034 : vector<16xf32>
      %sub3A_2320 = arith.subf %add3A_2319, %mul3A_2315 : vector<16xf32>
      %add3A_2321 = arith.constant 9.99999971E-10 : f32
      %add3A_2322 = vector.broadcast %add3A_2321 : f32 to vector<16xf32>
      %add3A_2323 = arith.addf %sub3A_2320, %add3A_2322 : vector<16xf32>
      %div3A_2324 = arith.divf %mul3A_2315, %add3A_2323 : vector<16xf32>
      %gt3A_2325 = arith.constant 5.000000e-01 : f32
      %gt3A_2326 = vector.broadcast %gt3A_2325 : f32 to vector<16xf32>
      %gt3A_2327 = arith.cmpf ogt, %div3A_2324, %gt3A_2326 : vector<16xf32>
      %jit3A_2328 = arith.constant 0.000000e+00 : f32
      %broadcast_in_dim3A_2329 = vector.broadcast %jit3A_2328 : f32 to vector<16xf32>
      %select_n3A_2330 = arith.select %gt3A_2327, %broadcast_in_dim3A_2329, %get3A_2292 : vector<16xi1>, vector<16xf32>
      %swap3A_2331 = arith.constant 288 : index
      %swap3A_2332 = tpu.vector_load %arg13[%swap3A_2331] {strides = array<i32>} : memref<320xf32, #tpu.memory_space<vmem>>, vector<16xf32>,
      tpu.vector_store %arg13[%swap3A_2331], %select_n3A_2330 {strides = array<i32>} : memref<320xf32, #tpu.memory_space<vmem>>, vector<16xf32>,
      %gt3A_2333 = arith.constant 5.000000e-01 : f32
      %gt3A_2334 = vector.broadcast %gt3A_2333 : f32 to vector<16xf32>
      %gt3A_2335 = arith.cmpf ogt, %select_n3A_2330, %gt3A_2334 : vector<16xf32>
      %gt3A_2336 = arith.constant 5.000000e-02 : f32
      %gt3A_2337 = vector.broadcast %gt3A_2336 : f32 to vector<16xf32>
      %gt3A_2338 = arith.cmpf ogt, %get3A_2290, %gt3A_2337 : vector<16xf32>
      %and3A_2339 = arith.andi %gt3A_2335, %gt3A_2338 : vector<16xi1>
      %add3A_2340 = arith.constant 2.000000e+00 : f32
      %add3A_2341 = vector.broadcast %add3A_2340 : f32 to vector<16xf32>
      %add3A_2342 = arith.addf %get3A_2290, %add3A_2341 : vector<16xf32>
      %gt3A_2343 = arith.constant 5.000000e-01 : f32
      %gt3A_2344 = vector.broadcast %gt3A_2343 : f32 to vector<16xf32>
      %gt3A_2345 = arith.cmpf ogt, %get3A_2294, %gt3A_2344 : vector<16xf32>
      %jit3A_2346 = arith.constant -1.000000e+09 : f32
      %broadcast_in_dim3A_2347 = vector.broadcast %jit3A_2346 : f32 to vector<16xf32>
      %select_n3A_2348 = arith.select %gt3A_2345, %broadcast_in_dim3A_2347, %get3A_2290 : vector<16xi1>, vector<16xf32>
      %select_n3A_2349 = arith.select %and3A_2339, %add3A_2342, %select_n3A_2348 : vector<16xi1>, vector<16xf32>
      %add3A_2350 = arith.constant 288 : i32
      %add3A_2351 = arith.addi %mul3A_0, %add3A_2350 : i32
      %add3A_2352 = vector.broadcast %add3A_2351 : i32 to vector<16xi32>
      %add3A_2353 = arith.addi %add3A_2352, %iota3A : vector<16xi32>
      %gt3A_2354 = arith.cmpf ogt, %select_n3A_2349, %select_n3A_2287 : vector<16xf32>
      %select_n3A_2355 = arith.select %gt3A_2354, %select_n3A_2349, %select_n3A_2287 : vector<16xi1>, vector<16xf32>
      %select_n3A_2356 = arith.select %gt3A_2354, %add3A_2353, %select_n3A_2288 : vector<16xi1>, vector<16xi32>
      %get3A_2357 = arith.constant 304 : index
      %get3A_2358 = tpu.vector_load %arg12[%get3A_2357] {strides = array<i32>} : memref<320xf32, #tpu.memory_space<vmem>>, vector<16xf32>,
      %get3A_2359 = arith.constant 304 : index
      %get3A_2360 = tpu.vector_load %arg13[%get3A_2359] {strides = array<i32>} : memref<320xf32, #tpu.memory_space<vmem>>, vector<16xf32>,
      %get3A_2361 = arith.constant 304 : index
      %get3A_2362 = tpu.vector_load %arg14[%get3A_2361] {strides = array<i32>} : memref<320xf32, #tpu.memory_space<vmem>>, vector<16xf32>,
      %get3A_2363 = arith.constant 304 : index
      %get3A_2364 = tpu.vector_load %arg8[%get3A_2363] {strides = array<i32>} : memref<320xf32, #tpu.memory_space<vmem>>, vector<16xf32>,
      %get3A_2365 = arith.constant 304 : index
      %get3A_2366 = tpu.vector_load %arg9[%get3A_2365] {strides = array<i32>} : memref<320xf32, #tpu.memory_space<vmem>>, vector<16xf32>,
      %get3A_2367 = arith.constant 304 : index
      %get3A_2368 = tpu.vector_load %arg10[%get3A_2367] {strides = array<i32>} : memref<320xf32, #tpu.memory_space<vmem>>, vector<16xf32>,
      %get3A_2369 = arith.constant 304 : index
      %get3A_2370 = tpu.vector_load %arg11[%get3A_2369] {strides = array<i32>} : memref<320xf32, #tpu.memory_space<vmem>>, vector<16xf32>,
      %max3A_2371 = arith.maximumf %gather3A_1012, %get3A_2364 : vector<16xf32>
      %max3A_2372 = arith.maximumf %gather3A_1016, %get3A_2366 : vector<16xf32>
      %min3A_2373 = arith.minimumf %gather3A_1020, %get3A_2368 : vector<16xf32>
      %min3A_2374 = arith.minimumf %gather3A_1024, %get3A_2370 : vector<16xf32>
      %sub3A_2375 = arith.subf %min3A_2373, %max3A_2371 : vector<16xf32>
      %max3A_2376 = arith.constant 0.000000e+00 : f32
      %max3A_2377 = vector.broadcast %max3A_2376 : f32 to vector<16xf32>
      %max3A_2378 = arith.maximumf %sub3A_2375, %max3A_2377 : vector<16xf32>
      %sub3A_2379 = arith.subf %min3A_2374, %max3A_2372 : vector<16xf32>
      %max3A_2380 = arith.constant 0.000000e+00 : f32
      %max3A_2381 = vector.broadcast %max3A_2380 : f32 to vector<16xf32>
      %max3A_2382 = arith.maximumf %sub3A_2379, %max3A_2381 : vector<16xf32>
      %mul3A_2383 = arith.mulf %max3A_2378, %max3A_2382 : vector<16xf32>
      %sub3A_2384 = arith.subf %get3A_2368, %get3A_2364 : vector<16xf32>
      %sub3A_2385 = arith.subf %get3A_2370, %get3A_2366 : vector<16xf32>
      %mul3A_2386 = arith.mulf %sub3A_2384, %sub3A_2385 : vector<16xf32>
      %add3A_2387 = arith.addf %mul3A_2386, %mul3A_1034 : vector<16xf32>
      %sub3A_2388 = arith.subf %add3A_2387, %mul3A_2383 : vector<16xf32>
      %add3A_2389 = arith.constant 9.99999971E-10 : f32
      %add3A_2390 = vector.broadcast %add3A_2389 : f32 to vector<16xf32>
      %add3A_2391 = arith.addf %sub3A_2388, %add3A_2390 : vector<16xf32>
      %div3A_2392 = arith.divf %mul3A_2383, %add3A_2391 : vector<16xf32>
      %gt3A_2393 = arith.constant 5.000000e-01 : f32
      %gt3A_2394 = vector.broadcast %gt3A_2393 : f32 to vector<16xf32>
      %gt3A_2395 = arith.cmpf ogt, %div3A_2392, %gt3A_2394 : vector<16xf32>
      %jit3A_2396 = arith.constant 0.000000e+00 : f32
      %broadcast_in_dim3A_2397 = vector.broadcast %jit3A_2396 : f32 to vector<16xf32>
      %select_n3A_2398 = arith.select %gt3A_2395, %broadcast_in_dim3A_2397, %get3A_2360 : vector<16xi1>, vector<16xf32>
      %swap3A_2399 = arith.constant 304 : index
      %swap3A_2400 = tpu.vector_load %arg13[%swap3A_2399] {strides = array<i32>} : memref<320xf32, #tpu.memory_space<vmem>>, vector<16xf32>,
      tpu.vector_store %arg13[%swap3A_2399], %select_n3A_2398 {strides = array<i32>} : memref<320xf32, #tpu.memory_space<vmem>>, vector<16xf32>,
      %gt3A_2401 = arith.constant 5.000000e-01 : f32
      %gt3A_2402 = vector.broadcast %gt3A_2401 : f32 to vector<16xf32>
      %gt3A_2403 = arith.cmpf ogt, %select_n3A_2398, %gt3A_2402 : vector<16xf32>
      %gt3A_2404 = arith.constant 5.000000e-02 : f32
      %gt3A_2405 = vector.broadcast %gt3A_2404 : f32 to vector<16xf32>
      %gt3A_2406 = arith.cmpf ogt, %get3A_2358, %gt3A_2405 : vector<16xf32>
      %and3A_2407 = arith.andi %gt3A_2403, %gt3A_2406 : vector<16xi1>
      %add3A_2408 = arith.constant 2.000000e+00 : f32
      %add3A_2409 = vector.broadcast %add3A_2408 : f32 to vector<16xf32>
      %add3A_2410 = arith.addf %get3A_2358, %add3A_2409 : vector<16xf32>
      %gt3A_2411 = arith.constant 5.000000e-01 : f32
      %gt3A_2412 = vector.broadcast %gt3A_2411 : f32 to vector<16xf32>
      %gt3A_2413 = arith.cmpf ogt, %get3A_2362, %gt3A_2412 : vector<16xf32>
      %jit3A_2414 = arith.constant -1.000000e+09 : f32
      %broadcast_in_dim3A_2415 = vector.broadcast %jit3A_2414 : f32 to vector<16xf32>
      %select_n3A_2416 = arith.select %gt3A_2413, %broadcast_in_dim3A_2415, %get3A_2358 : vector<16xi1>, vector<16xf32>
      %select_n3A_2417 = arith.select %and3A_2407, %add3A_2410, %select_n3A_2416 : vector<16xi1>, vector<16xf32>
      %add3A_2418 = arith.constant 304 : i32
      %add3A_2419 = arith.addi %mul3A_0, %add3A_2418 : i32
      %add3A_2420 = vector.broadcast %add3A_2419 : i32 to vector<16xi32>
      %add3A_2421 = arith.addi %add3A_2420, %iota3A : vector<16xi32>
      %gt3A_2422 = arith.cmpf ogt, %select_n3A_2417, %select_n3A_2355 : vector<16xf32>
      %select_n3A_2423 = arith.select %gt3A_2422, %select_n3A_2417, %select_n3A_2355 : vector<16xi1>, vector<16xf32>
      %select_n3A_2424 = arith.select %gt3A_2422, %add3A_2421, %select_n3A_2356 : vector<16xi1>, vector<16xi32>
      scf.yield %select_n3A_2423, %select_n3A_2424 : vector<16xf32>, vector<16xi32>
    }
    %scan3A_612 = arith.constant 100 : i32
    %eq3A = arith.constant 0 : i32
    %eq3A_613 = arith.cmpi eq, %arg0, %eq3A : i32
    %eq3A_614 = arith.constant 0 : i32
    %eq3A_615 = arith.cmpi eq, %arg1, %eq3A_614 : i32
    %and3A_616 = arith.andi %eq3A_613, %eq3A_615 : i1
    %convert_element_type3A = arith.extui %and3A_616 : i1 to i32
    %cond3A = arith.constant 0 : i32
    %cond3A_617 = arith.cmpi ne, %convert_element_type3A, %cond3A : i32
    scf.if %cond3A_617 {
      "tpu.region"() ({
        %run_scoped3A = tpu.sem_alloc : memref<!tpu.dma_semaphore, #tpu.memory_space<semaphore_mem>>
        tpu.enqueue_dma source(%arg17 : memref<1600xf32, #tpu.memory_space<vmem>>) target(%arg7 : memref<1600xf32, #tpu.memory_space<hbm>>) target_semaphore(%run_scoped3A : memref<!tpu.dma_semaphore, #tpu.memory_space<semaphore_mem>>)
        tpu.wait_dma2 semaphore(%run_scoped3A : memref<!tpu.dma_semaphore, #tpu.memory_space<semaphore_mem>>) src(%arg17 : memref<1600xf32, #tpu.memory_space<vmem>>) dst(%arg7 : memref<1600xf32, #tpu.memory_space<hbm>>)
        tpu.yield
      }) : () -> ()
    } else {
    }
    return
  }
}

</mosaic_0001>

<sc_bundles>
// kernel: kernel.3.cloned.1.call-start
scs
__scs_entry_jumppad:
0x0: {  	(pc) =	sbr.rel $0x88, $3  }
0x1: {  	(tag) =	ssettag $0x0;
	lr =	simm.s32 $0x1  }
0x2: {  	[smem:$0x3F9F] =	sst lr;
	_ =	strace $0xD0000000  }
0x3: {  	_ = 	snop  }
0x4: {  	_ = 	snop  }
0x5: {  	_ = 	snop  }
0x6: {  	_ = 	snop  }
0x7: {  	_ = 	snop  }
__scs_overlays_trampoline_lowered:
0x8: {  	[smem:$0x3FAE] =	sst s0  }
0x9: {  	[smem:$0x3FAF] =	sst s1  }
0xa: {  	[smem:$0x3FB0] =	sst s2  }
0xb: {  	[smem:$0x3FB1] =	sst s3  }
0xc: {  	[smem:$0x3FB2] =	sst s4  }
0xd: {  	[smem:$0x3FB3] =	sst s5  }
0xe: {  	[smem:$0x3FB4] =	sst s6  }
0xf: {  	[smem:$0x3FB5] =	sst s7  }
0x10: {  	[smem:$0x3FB6] =	sst s8  }
0x11: {  	[smem:$0x3FB7] =	sst s9;
	s0 =	simm.s32 @!p0 $0x0  }
0x12: {  	s1 =	sld [smem:$0x3F9D];
	s0 =	simm.s32 @p0 $0x1  }
0x13: {  	[smem:$0x3FB8] =	sst s0;
	s0 =	simm.s32 @!p1 $0x0  }
0x14: {  	s2 =	sld [smem:$0x3F9C];
	s0 =	simm.s32 @p1 $0x1  }
0x15: {  	[smem:$0x3FB9] =	sst s0;
	s0 =	simm.s32 @!p2 $0x0  }
0x16: {  	s3 =	sld [smem:$0x3FDB];
	s0 =	simm.s32 @p2 $0x1  }
0x17: {  	s4 =	simm.s32 $0x1BF5;
	[smem:$0x3FBB] =	sst s0  }
0x18: {  	s0 =	sld [smem:$0x3F9E];
	_ =	swait.ge [sflag:s4], $0x0  }
0x19: {  	s7 =	sld [smem:$0x3F9F]  }
0x1a: {  	s8 =	sadd.s32 $0xFFFFE003, lr  }
0x1b: {  	s9 =	sadd.s32 $0xFFFFFEF7, lr;
	s5 =	simm.s32 $0xFFFFFFFF;
	p2 =	slt.u32 s8, $0xFFFFF086  }
0x1c: {  	p1 =	slt.u32 s9, $0xF7A;
	s5 =	simm.s32 @!p2 $0x0  }
0x1d: {  	s5 =	simm.s32 @p1 $0x1;
	p0 =	seq.s32 s7, s2  }
0x1e: {  	s7 =	smul.u32 @!p0 $0xF7A, s2;
	p2 =	seq.s32 @!p0 s5, $0x0  }
0x1f: {  	s9 =	smul.u32 $0xF7A, s1;
	s8 =	simm.s32 @!p0 $0x1BF5;
	p2 =	por !p2, p0  }
0x20: {  	[sflag:s8] =	ssyncset.s32 @!p0 $0xFFFFF086;
	s6 =	sadd.s32 @!p0 s3, s7;
	s7 =	simm.s32 @!p0 $0x108  }
0x21: {  	s3 =	sadd.s32 s3, s9;
	s6 =	sadd.s32 @!p0 $0x88, s6;
	s7 =	simm.s32 @p2 $0x1082  }
0x22: {  	[simem:s7], [sflag:s8] =	dma.local @!p0 [hbm:s6], $0xF7A  }
0x23: {  	s9 =	sor.u32 $0xD0000000, s2;
	s6 =	simm.s32 $0x108;
	_ =	swait.ge @!p0 [sflag:s8], $0x0  }
0x24: {  	s3 =	sadd.s32 $0x88, s3;
	s6 =	simm.s32 @!p1 $0x1082;
	[sflag:s4] =	ssyncset.s32 $0xFFFFF086  }
0x25: {  	[simem:s6], [sflag:s4] =	dma.local [hbm:s3], $0xF7A  }
0x26: {  	[smem:$0x3F9F] =	sst s1;
	(tag) =	ssettag s2;
	_ =	strace s9  }
0x27: {  	s1 =	sld [smem:$0x3FAF]  }
0x28: {  	s2 =	sld [smem:$0x3FB0]  }
0x29: {  	s4 =	sld [smem:$0x3FB2]  }
0x2a: {  	p0 =	seq.s32 s5, $0x0;
	s5 =	sld [smem:$0x3FB3]  }
0x2b: {  	s6 =	sld [smem:$0x3FB4]  }
0x2c: {  	s7 =	sld [smem:$0x3FB5]  }
0x2d: {  	s3 =	simm.s32 $0x108;
	s8 =	sld [smem:$0x3FB6]  }
0x2e: {  	s3 =	simm.s32 @!p0 $0x1082;
	s9 =	sld [smem:$0x3FB7]  }
0x2f: {  	lr =	sadd.s32 s0, s3;
	s0 =	sld [smem:$0x3FAE]  }
0x30: {  	s3 =	sld [smem:$0x3FB1]  }
0x31: {  	[smem:$0x3FBA] =	sst s10  }
0x32: {  	s10 =	sld [smem:$0x3FB8];
	_ =	sdelay $0x3  }
0x33: {  	p0 =	seq.s32 s10, $0x1;
	s10 =	sld [smem:$0x3FBA];
	_ =	sdelay $0x3  }
0x34: {  	[smem:$0x3FBA] =	sst s10  }
0x35: {  	s10 =	sld [smem:$0x3FB9];
	_ =	sdelay $0x3  }
0x36: {  	p1 =	seq.s32 s10, $0x1;
	s10 =	sld [smem:$0x3FBA];
	_ =	sdelay $0x3  }
0x37: {  	[smem:$0x3FBA] =	sst s10  }
0x38: {  	s10 =	sld [smem:$0x3FBB]  }
0x39: {  	_ = 	snop;
	(pc) =	sbr.ind lr, $3  }
0x3a: {  	_ = 	snop  }
0x3b: {  	_ = 	snop  }
0x3c: {  	p2 =	seq.s32 s10, $0x1;
	s10 =	sld [smem:$0x3FBA]  }
0x3d: {  	_ =	shalt  }
0x3e: {  	_ =	shalt  }
0x3f: {  	_ =	shalt  }
0x40: {  	_ =	shalt  }
0x41: {  	_ =	shalt  }
0x42: {  	_ =	shalt  }
0x43: {  	_ =	shalt  }
0x44: {  	_ =	shalt  }
0x45: {  	_ =	shalt  }
0x46: {  	_ =	shalt  }
0x47: {  	_ =	shalt  }
0x48: {  	_ =	shalt  }
0x49: {  	_ =	shalt  }
0x4a: {  	_ =	shalt  }
0x4b: {  	_ =	shalt  }
0x4c: {  	_ =	shalt  }
0x4d: {  	_ =	shalt  }
0x4e: {  	_ =	shalt  }
0x4f: {  	_ =	shalt  }
0x50: {  	_ =	shalt  }
0x51: {  	_ =	shalt  }
0x52: {  	_ =	shalt  }
0x53: {  	_ =	shalt  }
0x54: {  	_ =	shalt  }
0x55: {  	_ =	shalt  }
0x56: {  	_ =	shalt  }
0x57: {  	_ =	shalt  }
0x58: {  	_ =	shalt  }
0x59: {  	_ =	shalt  }
0x5a: {  	_ =	shalt  }
0x5b: {  	_ =	shalt  }
0x5c: {  	_ =	shalt  }
0x5d: {  	_ =	shalt  }
0x5e: {  	_ =	shalt  }
0x5f: {  	_ =	shalt  }
0x60: {  	_ =	shalt  }
0x61: {  	_ =	shalt  }
0x62: {  	_ =	shalt  }
0x63: {  	_ =	shalt  }
0x64: {  	_ =	shalt  }
0x65: {  	_ =	shalt  }
0x66: {  	_ =	shalt  }
0x67: {  	_ =	shalt  }
0x68: {  	_ =	shalt  }
0x69: {  	_ =	shalt  }
0x6a: {  	_ =	shalt  }
0x6b: {  	_ =	shalt  }
0x6c: {  	_ =	shalt  }
0x6d: {  	_ =	shalt  }
0x6e: {  	_ =	shalt  }
0x6f: {  	_ =	shalt  }
0x70: {  	_ =	shalt  }
0x71: {  	_ =	shalt  }
0x72: {  	_ =	shalt  }
0x73: {  	_ =	shalt  }
0x74: {  	_ =	shalt  }
0x75: {  	_ =	shalt  }
0x76: {  	_ =	shalt  }
0x77: {  	_ =	shalt  }
0x78: {  	_ =	shalt  }
0x79: {  	_ =	shalt  }
0x7a: {  	_ =	shalt  }
0x7b: {  	_ =	shalt  }
0x7c: {  	_ =	shalt  }
0x7d: {  	_ =	shalt  }
0x7e: {  	_ =	shalt  }
0x7f: {  	_ =	shalt  }
0x80: {  	_ =	shalt  }
0x81: {  	_ =	shalt  }
0x82: {  	_ =	shalt  }
0x83: {  	_ =	shalt  }
0x84: {  	_ =	shalt  }
0x85: {  	_ =	shalt  }
0x86: {  	_ =	shalt  }
0x87: {  	_ =	shalt  }
.Lfunc_end0:
.L_simem_size_0:
called_computation_lowered:
.L_overlay_start_0:
0x88: {  	s2 =	sld [smem:$0x3FD9]  }
0x89: {  	s3 =	sld [smem:$0x3FFE];
	_ =	sdelay $0x1  }
0x8a: {  	s1 =	srdreg.scid  }
0x8b: {  	s0 =	sand.u32 $0x1, s1  }
0x8c: {  	s16 =	sshll.u32 s0, $0xA;
	s2 =	sadd.s32 s3, s2  }
0x8d: {  	s2 =	sadd.s32 s2, s16  }
0x8e: {  	[smem:$0x3FC6] =	sst s2  }
0x8f: {  	_ = 	snop  }
0x90: {  	(tm) =	ssettm $0x1  }
0x91: {  	s17 =	sld [smem:$0x3FFB];
	_ =	sdelay $0x3  }
0x92: {  	_ =	strace s17  }
0x93: {  	s2 =	sld [smem:$0x3FFC];
	_ =	sdelay $0x3  }
0x94: {  	_ =	strace s2  }
0x95: {  	s2 =	sld [smem:$0x3FFD];
	_ =	sdelay $0x3  }
0x96: {  	_ =	strace s2  }
0x97: {  	_ =	strace $0x8FFFFFFF  }
0x98: {  	s18 =	sld [smem:$0x3FDB];
	_ =	sdelay $0x1  }
0x99: {  	s19 =	simm.s32 $_scs_section_size  }
0x9a: {  	s4 =	simm.s32 $_size__tile_overlayer_lowered;
	s5 =	simm.s32 $_tile_overlayer_lowered  }
0x9b: {  	s22 =	simm.s32 $0x1BFF;
	s21 =	sshll.u32 s5, $0x1;
	s2 =	sadd.s32 s19, s18  }
0x9c: {  	s6 =	simm.s32 $0x0;
	s20 =	sshll.u32 s4, $0x1;
	s4 =	sadd.s32 s21, s2  }
0x9d: {  	[timem:s6], [sflag:s22] =	dma.local [hbm:s4], s20  }
0x9e: {  	_ =	swait.ge [sflag:s22], s20  }
0x9f: {  	s3 =	ssub.s32 $0x0, s20;
	[sflag:s22] =	ssyncset.done $0x0  }
0xa0: {  	[sflag:s22] =	ssyncadd.s32 s3;
	_ =	sdelay $0x1  }
0xa1: {  	s23 =	simm.s32 $0x1B8B  }
0xa2: {  	_ =	swait.ge [sflag:s23], $0x1  }
0xa3: {  	[sflag:s23] =	ssyncset.done $0x0  }
0xa4: {  	s25 =	simm.s32 $0x1B8E;
	s24 =	sld [smem:$0x3FFE];
	[sflag:s23] =	ssyncadd.s32 $0xFFFFFFFF  }
0xa5: {  	s26 =	simm.s32 $execute0_lowered;
	[smem:$0x3FD2] =	sst s25  }
0xa6: {  	s4 =	sshll.u32 s26, $0x1;
	_ =	strace $0x80000046;
	[dreg:$0x1] =	wrdreg $0xFFFFFFFF  }
0xa7: {  	s28 =	simm.s32 $_size_execute0_lowered;
	s2 =	sadd.s32 s2, s4;
	[dreg:$0x0] =	wrdreg $0x0  }
0xa8: {  	s4 =	sshll.u32 s28, $0x1;
	[dreg:$0x2] =	wrdreg s2  }
0xa9: {  	[dreg:$0x3] =	wrdreg s4  }
0xaa: {  	[dreg:$0x4] =	wrdreg $0xC0  }
0xab: {  	_ =	task [dreg:s6], $0x5FFFF  }
0xac: {  	[dreg:$0x1] =	wrdreg $0xFFFFFFFF  }
0xad: {  	[dreg:$0x0] =	wrdreg $0x60  }
0xae: {  	[dreg:$0x2] =	wrdreg s24  }
0xaf: {  	[dreg:$0x3] =	wrdreg $0x12800  }
0xb0: {  	[dreg:$0x4] =	wrdreg $0x9  }
0xb1: {  	_ =	task.clear_ibuf [dreg:s6], $0x5FFFF;
	_ =	strace $0x90000046  }
0xb2: {  	s29 =	simm.s32 $0x9;
	_ =	strace $0x80000048  }
0xb3: {  	_ =	swait.ge [sflag:s29], $0x1  }
0xb4: {  	[sflag:s29] =	ssyncadd.s32 $0xFFFFFFFF  }
0xb5: {  	_ =	strace $0x90000048  }
0xb6: {  	_ =	sfence  }
0xb7: {  	s30 =	sld [smem:$0x0];
	_ =	sdelay $0x2  }
0xb8: {  	s31 =	sshll.u32 s1, $0xD;
	s1 =	sshrl.u32 s1, $0x2  }
0xb9: {  	s3 =	sand.u32 $0x4000, s31;
	s1 =	sadd.s32 s1, s30  }
0xba: {  	s0 =	sor.u32 s3, s0;
	s1 =	sshll.u32 s1, $0x11  }
0xbb: {  	s0 =	sor.u32 s1, s0  }
0xbc: {  	s0 =	sadd.s32 $0x8F2B, s0  }
0xbd: {  	[sflag:s0] =	ssyncadd.remote.s32 $0x1  }
0xbe: {  	_ =	sfence.sel $0xFFFF  }
0xbf: {  	[dreg:$0x0] =	wrdreg $0xFFFFFFFF;
	(pc) =	sbr.abs _section_cstart, $3  }
0xc0: {  	[dreg:$0x1] =	wrdreg $0xFFFFFFFF  }
0xc1: {  	_ =	task.clear_ibuf [dreg:s6], $0x2FFFF;
	_ =	strace $0x9FFFFFFF  }
0xc2: {  	(tm) =	ssettm $0x7FFFFFFF  }
0xc3: {  	_ =	shalt  }
tec
execute0_lowered:
.L_overlay_start_1:
0x0: {  	(tag) =	ssettag $0x1  }
0x1: {  	v1 =	vlaneseq.u32;
	v18 =	vimm.s32 $0xFEDCBA98  }
0x2: {  	v22 =	vimm.s32 $0x76543210;
	v24 =	vimm.s32 $0x32107654;
	v25 =	vimm.s32 $0xDCFE98BA  }
0x3: {  	s0 =	stileid.u32;
	s4 =	rddreg [dreg:$0x0];
	v26 =	vimm.s32 $0x54761032;
	v27 =	vimm.s32 $0xEFCDAB89;
	v28 =	vimm.s32 $0x67452301  }
0x4: {  	s31 =	srdreg.scid;
	vm0 =	vcmask $0x3F1C;
	vm1 =	vcmask $0x3F18;
	vm2 =	vcmask $0x3F14;
	s7 =	smul.u32 $0x140, s0  }
0x5: {  	s13 =	simm.s32 $0x300;
	s14 =	simm.s32 $0x480;
	vm3 =	vcmask $0x3F10;
	vm4 =	vcmask $0x3F0C;
	vm5 =	vcmask $0x3F08;
	s10 =	sand.u32 $0x1, s31  }
0x6: {  	v21 =	vunpack.c.l.s4.s8 v18;
	v22 =	vunpack.c.l.s4.s8 v22;
	v24 =	vunpack.c.l.s4.s8 v24;
	s5 =	ssub.s32 $0x2, s10;
	s1 =	sor.u32 $0x10, s7;
	s2 =	sor.u32 $0x20, s7  }
0x7: {  	v25 =	vunpack.c.l.s4.s8 v25;
	v26 =	vunpack.c.l.s4.s8 v26;
	v27 =	vunpack.c.l.s4.s8 v27;
	s15 =	sor.u32 $0x30, s7;
	s16 =	sadd.s32 $0x40, s7;
	s3 =	sadd.s32 $0x50, s7  }
0x8: {  	v28 =	vunpack.c.l.s4.s8 v28;
	v0 =	vmov s7;
	v2 =	vor.u32 s7, v1;
	s17 =	sadd.s32 $0x60, s7;
	s18 =	sadd.s32 $0x70, s7;
	s19 =	sadd.s32 $0x80, s7  }
0x9: {  	s20 =	sadd.s32 $0x90, s7;
	s21 =	sadd.s32 $0xA0, s7;
	s22 =	sadd.s32 $0xB0, s7;
	v23 =	vunpack.c.0.s8.s32 v21;
	v21 =	vimm.s32 $0xBA98FEDC;
	v24 =	vunpack.c.0.s8.s32 v24  }
0xa: {  	s23 =	sadd.s32 $0xC0, s7;
	s24 =	sadd.s32 $0xD0, s7;
	s25 =	sadd.s32 $0xE0, s7;
	v25 =	vunpack.c.0.s8.s32 v25;
	v26 =	vunpack.c.0.s8.s32 v26;
	v27 =	vunpack.c.0.s8.s32 v27  }
0xb: {  	s26 =	sadd.s32 $0xF0, s7;
	s28 =	sadd.s32 $0x100, s7;
	s29 =	sadd.s32 $0x110, s7;
	v28 =	vunpack.c.0.s8.s32 v28;
	v3 =	vor.u32 s1, v1;
	v4 =	vor.u32 s2, v1  }
0xc: {  	s30 =	sadd.s32 $0x120, s7;
	s6 =	sshrl.u32 s7, $0x3;
	s8 =	sshrl.u32 s5, $0x1;
	v5 =	vor.u32 s15, v1;
	v6 =	vor.u32 s16, v1;
	v7 =	vor.u32 s3, v1  }
0xd: {  	s12 =	sadd.s32 $0x130, s7;
	v8 =	vor.u32 s17, v1;
	v9 =	vor.u32 s18, v1;
	v10 =	vor.u32 s19, v1;
	s1 =	rddreg [dreg:$0x1];
	s2 =	simm.s32 $0x0  }
0xe: {  	v11 =	vor.u32 s20, v1;
	v61 =	vor.u32 s21, v1;
	v21 =	vunpack.c.l.s4.s8 v21;
	s3 =	rddreg [dreg:$0x2];
	s9 =	sadd.s32 s6, s4;
	s4 =	sadd.s32 $0x1C00, s4  }
0xf: {  	v13 =	vor.u32 s22, v1;
	v14 =	vor.u32 s23, v1;
	v15 =	vor.u32 s24, v1;
	s11 =	ssub.s32 s5, s8;
	s16 =	sshll.u32 s0, $0x6;
	s17 =	sor.u32 s0, s10  }
0x10: {  	v16 =	vor.u32 s25, v1;
	v12 =	vor.u32 s12, v1;
	s12 =	simm.s32 $0x180;
	s15 =	simm.s32 $0x600;
	s18 =	simm.s32 $0xB00;
	v21 =	vunpack.c.0.s8.s32 v21  }
0x11: {  	v17 =	vor.u32 s26, v1;
	v18 =	vor.u32 s28, v1;
	s19 =	simm.s32 $0x900;
	s20 =	simm.s32 $0x780;
	s21 =	simm.s32 $0x0;
	v26 =	vcombine.low v26, v25  }
0x12: {  	[smem:$0x7FF] =	sst s2;
	s5 =	sadd.s32 $0x800, s9;
	s6 =	sadd.s32 $0xC00, s9;
	v25 =	vcombine.low v28, v27;
	v29 =	vcombine.low v24, v21;
	v24 =	vunpack.c.0.s8.s32 v22  }
0x13: {  	v19 =	vor.u32 s29, v1;
	v20 =	vor.u32 s30, v1;
	s7 =	sadd.s32 $0x1000, s9;
	s8 =	sadd.s32 $0x1400, s9;
	s9 =	sadd.s32 $0x1800, s9;
	v30 =	vand.u32 $0xF, v23  }
0x14: {  	s10 =	smax.u32 s11, $0x1;
	s11 =	simm.s32 $0x1;
	p0 =	sne.s32 s17, $0x0;
	v27 =	vand.u32 $0xF, v26;
	v25 =	vand.u32 $0xF, v25;
	v23 =	vcombine.low v30, v24  }
0x15: {  	s16 =	sshrl.u32 s16, $0x2;
	s17 =	simm.s32 $0xA80;
	_ =	strace $0x80000047;
	v21 =	vimm.f32 $1.000000000e+00;
	v22 =	vimm.f32 $0.0e+00;
	v24 =	vand.u32 $0xF, v29  }
.LBB2_1:
0x16: {  	[tilespmem:s2], [sflag:$0x1] =	stream.linear.gather [hbm4b:s5+s2], $0x140, $0x38;
	[tilespmem:$0x12A0] =	vst v63  }
0x17: {  	_ =	swait.ge [sflag:s11], $0x140  }
0x18: {  	[sflag:s11] =	ssyncset.done $0x0  }
0x19: {  	[sflag:s11] =	ssyncadd.s32 $0xFFFFFEC0  }
0x1a: {  	[tilespmem:s12], [sflag:$0x1] =	stream.linear.gather [hbm4b:s6+s2], $0x140, $0x38;
	[tilespmem:$0x12A0] =	vst v63  }
0x1b: {  	_ =	swait.ge [sflag:s11], $0x140  }
0x1c: {  	[sflag:s11] =	ssyncset.done $0x0  }
0x1d: {  	[sflag:s11] =	ssyncadd.s32 $0xFFFFFEC0  }
0x1e: {  	[tilespmem:s13], [sflag:$0x1] =	stream.linear.gather [hbm4b:s7+s2], $0x140, $0x38;
	[tilespmem:$0x12A0] =	vst v63  }
0x1f: {  	_ =	swait.ge [sflag:s11], $0x140  }
0x20: {  	[sflag:s11] =	ssyncset.done $0x0  }
0x21: {  	[sflag:s11] =	ssyncadd.s32 $0xFFFFFEC0  }
0x22: {  	[tilespmem:s14], [sflag:$0x1] =	stream.linear.gather [hbm4b:s8+s2], $0x140, $0x38;
	[tilespmem:$0x12A0] =	vst v63  }
0x23: {  	_ =	swait.ge [sflag:s11], $0x140  }
0x24: {  	[sflag:s11] =	ssyncset.done $0x0  }
0x25: {  	[sflag:s11] =	ssyncadd.s32 $0xFFFFFEC0  }
0x26: {  	[tilespmem:s15], [sflag:$0x1] =	stream.linear.gather [hbm4b:s9+s2], $0x140, $0x38;
	[tilespmem:$0x12A0] =	vst v63  }
0x27: {  	_ =	swait.ge [sflag:s11], $0x140  }
0x28: {  	[sflag:s11] =	ssyncset.done $0x0  }
0x29: {  	[sflag:s11] =	ssyncadd.s32 $0xFFFFFEC0  }
0x2a: {  	v28 =	vld [tilespmem:$0x600]  }
0x2b: {  	v31 =	vld [tilespmem:$0x610]  }
0x2c: {  	v58 =	vld [tilespmem:$0x630]  }
0x2d: {  	v40 =	vld [tilespmem:$0x650]  }
0x2e: {  	v43 =	vld [tilespmem:$0x660]  }
0x2f: {  	[tilespmem:$0x780] =	vst v21;
	v47 =	vld [tilespmem:$0x670]  }
0x30: {  	[tilespmem:$0x900] =	vst v22;
	v29 =	vld [tilespmem:$0x780]  }
0x31: {  	[tilespmem:$0x790] =	vst v21;
	v30 =	vld [tilespmem:$0x900]  }
0x32: {  	[tilespmem:$0x910] =	vst v22;
	v32 =	vld [tilespmem:$0x790]  }
0x33: {  	[tilespmem:$0x920] =	vst v22;
	v33 =	vld [tilespmem:$0x910]  }
0x34: {  	[tilespmem:$0x930] =	vst v22;
	v35 =	vld [tilespmem:$0x920]  }
0x35: {  	v36 =	vld [tilespmem:$0x930];
	vm7 =	vgt.f32 v28, $5.000000070e-02;
	v34 =	vadd.f32 $2.000000000e+00, v28  }
0x36: {  	[tilespmem:$0x7D0] =	vst v21;
	vm14 =	vgt.f32 v31, $5.000000070e-02;
	v59 =	vadd.f32 $2.000000000e+00, v31;
	v48 =	vadd.f32 $2.000000000e+00, v40  }
0x37: {  	[tilespmem:$0x7A0] =	vst v21;
	v41 =	vld [tilespmem:$0x7D0];
	vm13 =	vgt.f32 v58, $5.000000070e-02;
	v50 =	vadd.f32 $2.000000000e+00, v43;
	v52 =	vadd.f32 $2.000000000e+00, v47  }
0x38: {  	vm6 =	vgt.f32 v29, $5.000000000e-01;
	vm8 =	vgt.f32 v30, $5.000000000e-01;
	v30 =	vld [tilespmem:$0x7A0];
	vm9 =	vgt.f32 v33, $5.000000000e-01  }
0x39: {  	v29 =	vld [tilespmem:$0x620];
	vm10 =	vgt.f32 v35, $5.000000000e-01;
	vm6 =	vmand vm7, vm6;
	v28 =	vsel vm8, $0xCE6E6B28, v28  }
0x3a: {  	[tilespmem:$0x7B0] =	vst v21;
	vm11 =	vgt.f32 v36, $5.000000000e-01;
	v28 =	vsel vm6, v34, v28;
	vm6 =	vgt.f32 v32, $5.000000000e-01  }
0x3b: {  	[tilespmem:$0x940] =	vst v22;
	v60 =	vld [tilespmem:$0x7B0];
	v31 =	vsel vm9, $0xCE6E6B28, v31;
	vm7 =	vgt.f32 v28, $-3.000000000e+09;
	vm6 =	vmand vm14, vm6  }
0x3c: {  	[tilespmem:$0x7C0] =	vst v21;
	v37 =	vld [tilespmem:$0x940];
	v32 =	vsel vm11, $0xCE6E6B28, v58;
	v28 =	vnsel vm7, $0xCF32D05E, v28;
	v31 =	vsel vm6, v59, v31  }
0x3d: {  	v63 =	vld [tilespmem:$0x7C0];
	v45 =	vnsel vm7, $0x0, v2;
	vm7 =	vgt.f32 v41, $5.000000000e-01;
	vm6 =	vgt.f32 v30, $5.000000000e-01  }
0x3e: {  	v30 =	vld [tilespmem:$0x640];
	vm15 =	vgt.f32 v29, $5.000000070e-02;
	v62 =	vadd.f32 $2.000000000e+00, v29;
	vm12 =	vgt.f32 v31, v28  }
0x3f: {  	v53 =	vld [tilespmem:$0x690];
	v29 =	vsel vm10, $0xCE6E6B28, v29;
	vm6 =	vmand vm15, vm6;
	v28 =	vsel vm12, v31, v28  }
0x40: {  	[tilespmem:$0x7E0] =	vst v21;
	v56 =	vld [tilespmem:$0x6A0];
	v31 =	vadd.f32 $2.000000000e+00, v58;
	v29 =	vsel vm6, v62, v29;
	vm6 =	vgt.f32 v60, $5.000000000e-01  }
0x41: {  	[tilespmem:$0x950] =	vst v22;
	v44 =	vld [tilespmem:$0x7E0];
	vm15 =	vgt.f32 v37, $5.000000000e-01;
	vm9 =	vgt.f32 v29, v28;
	vm6 =	vmand vm13, vm6  }
0x42: {  	[tilespmem:$0x970] =	vst v22;
	v46 =	vsel vm12, v3, v45;
	v28 =	vsel vm9, v29, v28;
	v29 =	vsel vm6, v31, v32;
	v31 =	vld [tilespmem:$0x950]  }
0x43: {  	[tilespmem:$0x800] =	vst v21;
	v49 =	vld [tilespmem:$0x970];
	vm6 =	vgt.f32 v63, $5.000000000e-01;
	vm14 =	vgt.f32 v30, $5.000000070e-02;
	v42 =	vadd.f32 $2.000000000e+00, v30  }
0x44: {  	[tilespmem:$0x960] =	vst v22;
	v51 =	vld [tilespmem:$0x800];
	v30 =	vsel vm15, $0xCE6E6B28, v30;
	vm10 =	vmand vm14, vm6;
	vm6 =	vgt.f32 v29, v28  }
0x45: {  	[tilespmem:$0x810] =	vst v21;
	vm12 =	vgt.f32 v40, $5.000000070e-02;
	v28 =	vsel vm6, v29, v28;
	v29 =	vsel vm10, v42, v30;
	v30 =	vld [tilespmem:$0x960]  }
0x46: {  	[tilespmem:$0x7F0] =	vst v21;
	v54 =	vld [tilespmem:$0x810];
	v58 =	vadd.f32 $2.000000000e+00, v53;
	vm7 =	vmand vm12, vm7;
	vm12 =	vgt.f32 v47, $5.000000070e-02  }
0x47: {  	v62 =	vadd.f32 $2.000000000e+00, v56;
	v32 =	vsel vm9, v4, v46;
	vm13 =	vgt.f32 v31, $5.000000000e-01;
	v31 =	vld [tilespmem:$0x7F0]  }
0x48: {  	v59 =	vld [tilespmem:$0x6B0];
	vm14 =	vgt.f32 v43, $5.000000070e-02;
	v32 =	vsel vm6, v5, v32;
	vm8 =	vgt.f32 v29, v28  }
0x49: {  	v45 =	vld [tilespmem:$0x6E0];
	v28 =	vsel vm8, v29, v28;
	v29 =	vsel vm13, $0xCE6E6B28, v40;
	vm13 =	vgt.f32 v49, $5.000000000e-01  }
0x4a: {  	v49 =	vld [tilespmem:$0x700];
	v29 =	vsel vm7, v48, v29;
	vm7 =	vgt.f32 v44, $5.000000000e-01;
	vm15 =	vgt.f32 v30, $5.000000000e-01  }
0x4b: {  	[tilespmem:$0x980] =	vst v22;
	v30 =	vld [tilespmem:$0x680];
	vm9 =	vgt.f32 v29, v28;
	vm7 =	vmand vm14, vm7;
	v35 =	vsel vm15, $0xCE6E6B28, v43  }
0x4c: {  	v28 =	vsel vm9, v29, v28;
	v29 =	vsel vm7, v50, v35;
	vm7 =	vgt.f32 v31, $5.000000000e-01;
	v31 =	vld [tilespmem:$0x980]  }
0x4d: {  	v42 =	vadd.f32 $2.000000000e+00, v59;
	v32 =	vsel vm8, v6, v32;
	v34 =	vsel vm13, $0xCE6E6B28, v47  }
0x4e: {  	[tilespmem:$0x990] =	vst v22;
	vm13 =	vgt.f32 v54, $5.000000000e-01;
	v47 =	vld [tilespmem:$0x6F0];
	vm14 =	vgt.f32 v51, $5.000000000e-01;
	v32 =	vsel vm9, v7, v32  }
0x4f: {  	[tilespmem:$0x830] =	vst v21;
	v55 =	vld [tilespmem:$0x990];
	v50 =	vadd.f32 $2.000000000e+00, v45;
	vm10 =	vmand vm12, vm7;
	vm7 =	vgt.f32 v29, v28  }
0x50: {  	[tilespmem:$0x820] =	vst v21;
	v60 =	vld [tilespmem:$0x830];
	v54 =	vadd.f32 $2.000000000e+00, v49;
	v28 =	vsel vm7, v29, v28;
	v29 =	vsel vm10, v52, v34  }
0x51: {  	[tilespmem:$0x9A0] =	vst v22;
	vm6 =	vgt.f32 v29, v28;
	vm15 =	vgt.f32 v30, $5.000000070e-02;
	vm12 =	vgt.f32 v31, $5.000000000e-01;
	v31 =	vld [tilespmem:$0x820]  }
0x52: {  	v57 =	vadd.f32 $2.000000000e+00, v30;
	v28 =	vsel vm6, v29, v28;
	v29 =	vsel vm12, $0xCE6E6B28, v30;
	v30 =	vld [tilespmem:$0x9A0]  }
0x53: {  	v32 =	vsel vm7, v8, v32;
	v52 =	vadd.f32 $2.000000000e+00, v47;
	vm8 =	vmand vm15, vm14  }
0x54: {  	[tilespmem:$0x9C0] =	vst v22;
	vm14 =	vgt.f32 v53, $5.000000070e-02;
	vm15 =	vgt.f32 v55, $5.000000000e-01;
	v32 =	vsel vm6, v9, v32  }
0x55: {  	[tilespmem:$0x9B0] =	vst v22;
	v40 =	vld [tilespmem:$0x9C0];
	vm6 =	vgt.f32 v60, $5.000000000e-01;
	v33 =	vsel vm15, $0xCE6E6B28, v53;
	vm15 =	vgt.f32 v59, $5.000000070e-02  }
0x56: {  	vm6 =	vmand vm15, vm6;
	v29 =	vsel vm8, v57, v29;
	vm12 =	vgt.f32 v31, $5.000000000e-01;
	v31 =	vld [tilespmem:$0x9B0]  }
0x57: {  	[tilespmem:$0x840] =	vst v21;
	vm8 =	vmand vm14, vm13;
	vm9 =	vgt.f32 v29, v28;
	vm14 =	vgt.f32 v30, $5.000000000e-01;
	v30 =	vld [tilespmem:$0x6C0]  }
0x58: {  	v63 =	vld [tilespmem:$0x840];
	vm13 =	vgt.f32 v56, $5.000000070e-02;
	v28 =	vsel vm9, v29, v28;
	v29 =	vsel vm8, v58, v33  }
0x59: {  	[tilespmem:$0x9D0] =	vst v22;
	v41 =	vld [tilespmem:$0x6D0];
	vm8 =	vgt.f32 v29, v28;
	vm10 =	vmand vm13, vm12;
	v35 =	vsel vm14, $0xCE6E6B28, v56  }
0x5a: {  	v43 =	vld [tilespmem:$0x9D0];
	v32 =	vsel vm9, v10, v32;
	v28 =	vsel vm8, v29, v28;
	v29 =	vsel vm10, v62, v35  }
0x5b: {  	[tilespmem:$0x850] =	vst v21;
	v55 =	vld [tilespmem:$0x720];
	vm14 =	vgt.f32 v40, $5.000000000e-01;
	vm7 =	vgt.f32 v29, v28;
	vm12 =	vgt.f32 v31, $5.000000000e-01  }
0x5c: {  	[tilespmem:$0x860] =	vst v21;
	v31 =	vld [tilespmem:$0x850];
	v28 =	vsel vm7, v29, v28;
	v29 =	vsel vm12, $0xCE6E6B28, v59;
	vm13 =	vgt.f32 v30, $5.000000070e-02  }
0x5d: {  	[tilespmem:$0x870] =	vst v21;
	v46 =	vld [tilespmem:$0x860];
	v44 =	vadd.f32 $2.000000000e+00, v30;
	v29 =	vsel vm6, v42, v29;
	vm6 =	vgt.f32 v63, $5.000000000e-01  }
0x5e: {  	[tilespmem:$0x9E0] =	vst v22;
	v48 =	vld [tilespmem:$0x870];
	v30 =	vsel vm14, $0xCE6E6B28, v30;
	vm9 =	vgt.f32 v29, v28;
	vm6 =	vmand vm13, vm6  }
0x5f: {  	v32 =	vsel vm8, v11, v32;
	v28 =	vsel vm9, v29, v28;
	v29 =	vsel vm6, v44, v30;
	v30 =	vld [tilespmem:$0x9E0]  }
0x60: {  	vm15 =	vgt.f32 v41, $5.000000070e-02;
	v62 =	vadd.f32 $2.000000000e+00, v55;
	v32 =	vsel vm7, v61, v32  }
0x61: {  	[tilespmem:$0xA00] =	vst v22;
	vm12 =	vgt.f32 v43, $5.000000000e-01;
	vm6 =	vgt.f32 v31, $5.000000000e-01;
	v31 =	vadd.f32 $2.000000000e+00, v41  }
0x62: {  	[tilespmem:$0x9F0] =	vst v22;
	v51 =	vld [tilespmem:$0xA00];
	v35 =	vsel vm12, $0xCE6E6B28, v41;
	vm10 =	vmand vm15, vm6;
	vm6 =	vgt.f32 v29, v28  }
0x63: {  	[tilespmem:$0x880] =	vst v21;
	vm14 =	vgt.f32 v45, $5.000000070e-02;
	v28 =	vsel vm6, v29, v28;
	v29 =	vsel vm10, v31, v35;
	v31 =	vld [tilespmem:$0x9F0]  }
0x64: {  	[tilespmem:$0xA20] =	vst v22;
	vm12 =	vgt.f32 v48, $5.000000000e-01;
	vm13 =	vgt.f32 v46, $5.000000000e-01;
	vm15 =	vgt.f32 v30, $5.000000000e-01;
	v30 =	vld [tilespmem:$0x880]  }
0x65: {  	v58 =	vld [tilespmem:$0xA20];
	vm8 =	vmand vm14, vm13;
	v32 =	vsel vm9, v13, v32;
	vm13 =	vgt.f32 v47, $5.000000070e-02  }
0x66: {  	[tilespmem:$0x890] =	vst v21;
	vm9 =	vmand vm13, vm12;
	vm12 =	vgt.f32 v49, $5.000000070e-02;
	vm7 =	vgt.f32 v29, v28  }
0x67: {  	v53 =	vld [tilespmem:$0x890];
	vm13 =	vgt.f32 v51, $5.000000000e-01;
	v28 =	vsel vm7, v29, v28;
	v29 =	vsel vm15, $0xCE6E6B28, v45  }
0x68: {  	[tilespmem:$0xA10] =	vst v22;
	v35 =	vsel vm13, $0xCE6E6B28, v49;
	v29 =	vsel vm8, v50, v29;
	vm14 =	vgt.f32 v31, $5.000000000e-01;
	v31 =	vld [tilespmem:$0x710]  }
0x69: {  	vm8 =	vgt.f32 v29, v28;
	v34 =	vsel vm14, $0xCE6E6B28, v47;
	vm15 =	vgt.f32 v30, $5.000000000e-01;
	v30 =	vld [tilespmem:$0xA10]  }
0x6a: {  	[tilespmem:$0x8A0] =	vst v21;
	vm13 =	vgt.f32 v58, $5.000000000e-01;
	v28 =	vsel vm8, v29, v28;
	v29 =	vsel vm9, v52, v34  }
0x6b: {  	v56 =	vld [tilespmem:$0x8A0];
	v33 =	vsel vm13, $0xCE6E6B28, v55;
	vm9 =	vmand vm12, vm15;
	vm10 =	vgt.f32 v29, v28  }
0x6c: {  	[tilespmem:$0x8B0] =	vst v21;
	vm12 =	vgt.f32 v55, $5.000000070e-02;
	v28 =	vsel vm10, v29, v28;
	v29 =	vsel vm6, v14, v32  }
0x6d: {  	v60 =	vld [tilespmem:$0x8B0];
	v57 =	vsel vm9, v54, v35;
	v29 =	vsel vm7, v15, v29;
	vm7 =	vgt.f32 v53, $5.000000000e-01  }
0x6e: {  	vm14 =	vgt.f32 v31, $5.000000070e-02;
	v59 =	vadd.f32 $2.000000000e+00, v31;
	vm15 =	vgt.f32 v30, $5.000000000e-01;
	v30 =	vld [tilespmem:$0x730]  }
0x6f: {  	vm6 =	vgt.f32 v57, v28;
	vm7 =	vmand vm14, vm7;
	v31 =	vsel vm15, $0xCE6E6B28, v31  }
0x70: {  	v28 =	vsel vm6, v57, v28;
	v31 =	vsel vm7, v59, v31;
	vm7 =	vgt.f32 v56, $5.000000000e-01  }
0x71: {  	v29 =	vsel vm8, v16, v29;
	vm7 =	vmand vm12, vm7;
	vm14 =	vgt.f32 v31, v28  }
0x72: {  	v29 =	vsel vm10, v17, v29;
	v28 =	vsel vm14, v31, v28;
	v31 =	vsel vm7, v62, v33  }
0x73: {  	vm7 =	vgt.f32 v60, $5.000000000e-01;
	vm15 =	vgt.f32 v30, $5.000000070e-02;
	v63 =	vadd.f32 $2.000000000e+00, v30  }
0x74: {  	v29 =	vsel vm6, v18, v29;
	vm6 =	vmand vm15, vm7;
	vm7 =	vgt.f32 v31, v28  }
0x75: {  	v29 =	vsel vm14, v19, v29;
	v28 =	vsel vm7, v31, v28;
	v30 =	vsel vm6, v63, v30  }
0x76: {  	v29 =	vsel vm7, v20, v29;
	vm6 =	vgt.f32 v30, v28  }
0x77: {  	s22 =	simm.s32 $0x0;
	s23 =	simm.s32 $0x0;
	[tilespmem:$0xA30] =	vst v22;
	v28 =	vsel vm6, v30, v28;
	v29 =	vsel vm6, v12, v29  }
.LBB2_2:
0x78: {  	v30 =	vperm.xlane v29, v23  }
0x79: {  	v31 =	vperm.xlane v28, v23  }
0x7a: {  	vm6 =	vlt.s32 v29, v30  }
0x7b: {  	vm7 =	veq.f32 v31, v28;
	v32 =	vsel vm6, v29, v30  }
0x7c: {  	vm6 =	vgt.f32 v31, v28;
	v29 =	vsel vm7, v32, v29  }
0x7d: {  	v29 =	vsel vm6, v30, v29  }
0x7e: {  	v28 =	vsel vm6, v31, v28;
	v30 =	vperm.xlane v29, v24  }
0x7f: {  	v31 =	vperm.xlane v28, v24  }
0x80: {  	vm6 =	vlt.s32 v29, v30  }
0x81: {  	vm7 =	veq.f32 v31, v28;
	v63 =	vsel vm6, v29, v30  }
0x82: {  	vm6 =	vgt.f32 v31, v28;
	v29 =	vsel vm7, v63, v29  }
0x83: {  	v29 =	vsel vm6, v30, v29  }
0x84: {  	v28 =	vsel vm6, v31, v28;
	v30 =	vperm.xlane v29, v27  }
0x85: {  	v31 =	vperm.xlane v28, v27  }
0x86: {  	vm6 =	vlt.s32 v29, v30  }
0x87: {  	vm7 =	veq.f32 v31, v28;
	v36 =	vsel vm6, v29, v30  }
0x88: {  	vm6 =	vgt.f32 v31, v28;
	v29 =	vsel vm7, v36, v29  }
0x89: {  	v29 =	vsel vm6, v30, v29  }
0x8a: {  	v28 =	vsel vm6, v31, v28;
	v30 =	vperm.xlane v29, v25  }
0x8b: {  	v31 =	vperm.xlane v28, v25  }
0x8c: {  	vm6 =	vlt.s32 v29, v30  }
0x8d: {  	vm7 =	veq.f32 v31, v28;
	v37 =	vsel vm6, v29, v30  }
0x8e: {  	vm6 =	vgt.f32 v31, v28;
	v29 =	vsel vm7, v37, v29  }
0x8f: {  	v29 =	vsel vm6, v30, v29  }
0x90: {  	v30 =	vsub.s32 v29, v0  }
0x91: {  	vm7 =	vgt.s32 v30, $0x0  }
0x92: {  	v30 =	vnsel vm7, $0x0, v30  }
0x93: {  	v30 =	vmin.u32 v30, $0x13F;
	_ =	sdelay $0x4  }
0x94: {  	v38 =	vld.idx.msk [tilespmem:v30+s15+$0x0], $0xffff  }
0x95: {  	v33 =	vld.idx.msk [tilespmem:v30+s14+$0x0], $0xffff  }
0x96: {  	v34 =	vld.idx.msk [tilespmem:v30+s13+$0x0], $0xffff  }
0x97: {  	v35 =	vld.idx.msk [tilespmem:v30+s12+$0x0], $0xffff  }
0x98: {  	v30 =	vld.idx.msk [tilespmem:v30+s2+$0x0], $0xffff  }
0x99: {  	v32 =	vsel vm0, $0x0, v38  }
0x9a: {  	v32 =	vsel vm1, v32, v33  }
0x9b: {  	v32 =	vsel vm2, v32, v34  }
0x9c: {  	v29 =	vcvt.s32.f32 v29;
	v32 =	vsel vm3, v32, v35  }
0x9d: {  	v30 =	vsel vm4, v32, v30  }
0x9e: {  	s24 =	sand.u32 $0x100, s23;
	v28 =	vsel vm6, v31, v28;
	vm6 =	vmmov $0x1;
	v29 =	vsel vm5, v30, v29  }
0x9f: {  	s24 =	sadd.s32 s24, s1;
	v28 =	vsel vm6, v28, v29  }
0xa0: {  	s25 =	sadd.s32 s16, s24;
	[tilespmem:$0xA80] =	vst v28  }
0xa1: {  	[spmem:s25] =	stream.linear.scatter [tilespmem:s17], [sflag:$0x1], $0x10, $0x38;
	[tilespmem:$0x12A0] =	vst v63  }
0xa2: {  	_ =	swait.ge [sflag:s11], $0x10  }
0xa3: {  	[sflag:s11] =	ssyncset.done $0x0  }
0xa4: {  	v28 =	vmul.u32 $0x10, v1;
	[sflag:s11] =	ssyncadd.s32 $0xFFFFFFF0  }
0xa5: {  	[bflag:$0x0] =	sbarrier.arrive $0xFFFF  }
0xa6: {  	v29 =	vor.u32 $0x1, v28;
	[tilespmem:s18], [sflag:$0x1] =	stream.linear.gather [spmem:s24], $0x100, $0x38;
	[tilespmem:$0x12A0] =	vst v63  }
0xa7: {  	_ =	swait.ge [sflag:s11], $0x100  }
0xa8: {  	[sflag:s11] =	ssyncset.done $0x0  }
0xa9: {  	[sflag:s11] =	ssyncadd.s32 $0xFFFFFF00  }
0xaa: {  	v28 =	vld.idx.msk [tilespmem:v28+s18+$0x0], $0xffff  }
0xab: {  	v29 =	vld.idx.msk [tilespmem:v29+s18+$0x0], $0xffff;
	_ =	sdelay $0x4  }
0xac: {  	v30 =	vperm.xlane v28, v23;
	v31 =	vperm.xlane v29, v23;
	_ =	sdelay $0x1  }
0xad: {  	vm7 =	veq.f32 v30, v28;
	v39 =	vmin.f32 v29, v31  }
0xae: {  	vm8 =	vgt.f32 v30, v28;
	v32 =	vsel vm7, v39, v29  }
0xaf: {  	v30 =	vsel vm8, v30, v28;
	v31 =	vsel vm8, v31, v32  }
0xb0: {  	v40 =	vperm.xlane v30, v24;
	v41 =	vperm.xlane v31, v24;
	_ =	sdelay $0x1  }
0xb1: {  	vm7 =	veq.f32 v40, v30;
	v42 =	vmin.f32 v31, v41  }
0xb2: {  	vm8 =	vgt.f32 v40, v30;
	v31 =	vsel vm7, v42, v31  }
0xb3: {  	v30 =	vsel vm8, v40, v30;
	v31 =	vsel vm8, v41, v31  }
0xb4: {  	v32 =	vperm.xlane v30, v27;
	v33 =	vperm.xlane v31, v27;
	_ =	sdelay $0x1  }
0xb5: {  	vm7 =	veq.f32 v32, v30;
	v43 =	vmin.f32 v31, v33  }
0xb6: {  	vm8 =	vgt.f32 v32, v30;
	v31 =	vsel vm7, v43, v31  }
0xb7: {  	v30 =	vsel vm8, v32, v30;
	v31 =	vsel vm8, v33, v31  }
0xb8: {  	v32 =	vperm.xlane v30, v25;
	v33 =	vperm.xlane v31, v25;
	_ =	sdelay $0x1  }
0xb9: {  	vm7 =	veq.f32 v32, v30;
	v44 =	vmin.f32 v31, v33  }
0xba: {  	vm8 =	vgt.f32 v32, v30;
	v31 =	vsel vm7, v44, v31  }
0xbb: {  	v32 =	vsel vm8, v32, v30;
	v31 =	vsel vm8, v33, v31  }
0xbc: {  	vm7 =	veq.f32 v28, v32;
	vm14 =	veq.f32 v29, v31  }
0xbd: {  	vm7 =	vmand vm7, vm14  }
0xbe: {  	v28 =	vnsel vm7, $0x11, v1  }
0xbf: {  	v29 =	vperm.xlane v28, v23;
	_ =	sdelay $0x1  }
0xc0: {  	vm7 =	vlt.s32 v28, v29  }
0xc1: {  	v28 =	vsel vm7, v28, v29  }
0xc2: {  	v29 =	vperm.xlane v28, v24;
	_ =	sdelay $0x1  }
0xc3: {  	vm7 =	vlt.s32 v28, v29  }
0xc4: {  	v28 =	vsel vm7, v28, v29  }
0xc5: {  	v29 =	vperm.xlane v28, v27;
	_ =	sdelay $0x1  }
0xc6: {  	vm7 =	vlt.s32 v28, v29  }
0xc7: {  	v28 =	vsel vm7, v28, v29  }
0xc8: {  	v29 =	vperm.xlane v28, v25;
	_ =	sdelay $0x1  }
0xc9: {  	vm7 =	vlt.s32 v28, v29  }
0xca: {  	v28 =	vsel vm7, v28, v29  }
0xcb: {  	v28 =	vshll.u32 v28, $0x4  }
0xcc: {  	v29 =	vor.u32 $0x6, v28;
	_ =	sdelay $0x1  }
0xcd: {  	v30 =	vor.u32 $0x5, v28  }
0xce: {  	v31 =	vtrunc.f32 v31;
	v45 =	vor.u32 $0x4, v28  }
0xcf: {  	v31 =	vcvt.f32.s32 v31;
	v46 =	vor.u32 $0x3, v28  }
0xd0: {  	v47 =	vor.u32 $0x2, v28;
	v36 =	vld.idx.msk [tilespmem:v29+s18+$0x0], $0xffff  }
0xd1: {  	v29 =	vsub.s32 v31, v0  }
0xd2: {  	v28 =	vld.idx.msk [tilespmem:v30+s18+$0x0], $0xffff;
	vm7 =	vlt.u32 v29, $0x140;
	vm15 =	vgt.s32 v29, $0x0  }
0xd3: {  	v30 =	vld.idx.msk [tilespmem:v45+s18+$0x0], $0xffff;
	vm6 =	vmand vm7, vm6;
	v31 =	vnsel vm15, $0x0, v29  }
0xd4: {  	v29 =	vld.idx.msk [tilespmem:v46+s18+$0x0], $0xffff;
	vm7 =	vgt.f32 @!p0 v32, $2.000000000e+00;
	v48 =	vmin.u32 v31, $0x13F  }
0xd5: {  	v34 =	vlaneseq.u32 @!p0;
	v31 =	vld.idx.msk [tilespmem:v47+s18+$0x0], $0xffff;
	v32 =	vnsel @!p0 vm7, $0xBF800000, v36;
	vm7 =	vcmask @!p0 $0x3F14  }
0xd6: {  	v34 =	vor.u32 @!p0 s22, v34;
	v32 =	vsel @!p0 vm7, $0x0, v32;
	vm7 =	vcmask @!p0 $0x3F10  }
0xd7: {  	v32 =	vsel @!p0 vm7, v32, v28;
	vm7 =	vcmask @!p0 $0x3F0C  }
0xd8: {  	v32 =	vsel @!p0 vm7, v32, v30;
	vm7 =	vcmask @!p0 $0x3F08  }
0xd9: {  	[tilespmem:v48+s19+$0x0] =	vst.idx.msk vm6, v21;
	v32 =	vsel @!p0 vm7, v32, v29;
	vm7 =	vmmov @!p0 $0x1  }
0xda: {  	s24 =	simm.s32 @!p0 $0xC00;
	[tilespmem:v48+s20+$0x0] =	vst.idx.msk vm6, v22;
	v32 =	vsel @!p0 vm7, v31, v32  }
0xdb: {  	[tilespmem:v34+s24+$0x0] =	vst.idx.msk @!p0 $0xffff, v32  }
0xdc: {  	v32 =	vld [tilespmem:$0x0]  }
0xdd: {  	v33 =	vld [tilespmem:$0x180]  }
0xde: {  	v34 =	vld [tilespmem:$0x300]  }
0xdf: {  	v49 =	vld [tilespmem:$0x480];
	_ =	sdelay $0x2  }
0xe0: {  	v37 =	vsub.f32 v28, v29;
	v50 =	vsub.f32 v30, v31;
	v53 =	vld [tilespmem:$0x10]  }
0xe1: {  	v55 =	vld [tilespmem:$0x190];
	v38 =	vmax.f32 v31, v32;
	v39 =	vmax.f32 v29, v33;
	v40 =	vmin.f32 v30, v34  }
0xe2: {  	v56 =	vld [tilespmem:$0x310];
	v41 =	vmin.f32 v28, v49;
	v34 =	vsub.f32 v34, v32;
	v33 =	vsub.f32 v49, v33  }
0xe3: {  	v57 =	vld [tilespmem:$0x490];
	v51 =	vsub.f32 v40, v38;
	v52 =	vsub.f32 v41, v39  }
0xe4: {  	v32 =	vmul.f32 v37, v50;
	v33 =	vmul.f32 v33, v34  }
0xe5: {  	v63 =	vld [tilespmem:$0x20];
	v35 =	vmax.f32 v51, $0.0e+00;
	v54 =	vmax.f32 v52, $0.0e+00  }
0xe6: {  	v48 =	vld [tilespmem:$0x320];
	v35 =	vmul.f32 v54, v35;
	v33 =	vadd.f32 v33, v32  }
0xe7: {  	v58 =	vmax.f32 v31, v53;
	v59 =	vmax.f32 v29, v55  }
0xe8: {  	v60 =	vmin.f32 v30, v56;
	v62 =	vsub.f32 v57, v55;
	v33 =	vsub.f32 v33, v35  }
0xe9: {  	v42 =	vmin.f32 v28, v57;
	v45 =	vsub.f32 v60, v58;
	v34 =	vsub.f32 v56, v53  }
0xea: {  	v47 =	vld [tilespmem:$0x1A0];
	v46 =	vsub.f32 v42, v59;
	v33 =	vadd.f32 $9.999999710e-10, v33  }
0xeb: {  	v49 =	vld [tilespmem:$0x4A0];
	v36 =	vsub.f32 v48, v63;
	v34 =	vmul.f32 v62, v34  }
0xec: {  	v55 =	vld [tilespmem:$0x600];
	v38 =	vmax.f32 v46, $0.0e+00;
	(erf) = vrcp.f32 v33;
	v33 =	vmax.f32 v45, $0.0e+00  }
0xed: {  	v53 =	vmin.f32 v30, v48;
	v48 =	vld [tilespmem:$0x330];
	v50 =	vadd.f32 v34, v32;
	v38 =	vmul.f32 v38, v33  }
0xee: {  	v51 =	vmax.f32 v31, v63;
	v63 =	vld [tilespmem:$0x1B0]  }
0xef: {  	v52 =	vmax.f32 v29, v47;
	v62 =	vld [tilespmem:$0x30];
	v33 =	vsub.f32 v50, v38  }
0xf0: {  	v43 =	vmin.f32 v28, v49;
	v54 =	vsub.f32 v49, v47;
	v49 =	vld [tilespmem:$0x4B0];
	v34 =	vsub.f32 v53, v51  }
0xf1: {  	v56 =	vsub.f32 v43, v52;
	v51 =	vld [tilespmem:$0x610];
	v33 =	vadd.f32 $9.999999710e-10, v33  }
0xf2: {  	vm7 =	vgt.f32 v55, $5.000000070e-02;
	v53 =	vld [tilespmem:$0x910];
	v36 =	vmul.f32 v54, v36;
	v34 =	vmax.f32 v34, $0.0e+00  }
0xf3: {  	v40 =	vmax.f32 v56, $0.0e+00;
	v44 =	vmax.f32 v29, v63;
	(erf) = vrcp.f32 v33  }
0xf4: {  	v57 =	vld [tilespmem:$0x780];
	v40 =	vmul.f32 v40, v34;
	v60 =	vadd.f32 v36, v32;
	v52 =	vmax.f32 v31, v62  }
0xf5: {  	v34 =	vsub.f32 v48, v62;
	v45 =	vmin.f32 v30, v48;
	v36 =	vsub.f32 v49, v63;
	v58 =	vpop (erf)  }
0xf6: {  	v59 =	vld [tilespmem:$0x900];
	v47 =	vsub.f32 v60, v40;
	v37 =	vsub.f32 v45, v52;
	v35 =	vmul.f32 v58, v35  }
0xf7: {  	vm12 =	vgt.f32 v51, $5.000000070e-02;
	v62 =	vadd.f32 $2.000000000e+00, v51;
	vm13 =	vgt.f32 v53, $5.000000000e-01  }
0xf8: {  	v34 =	vmul.f32 v36, v34;
	v50 =	vadd.f32 $2.000000000e+00, v55;
	vm6 =	vgt.f32 v35, $5.000000000e-01  }
0xf9: {  	v60 =	vld [tilespmem:$0x4C0];
	v35 =	vadd.f32 $9.999999710e-10, v47;
	v47 =	vmin.f32 v28, v49;
	v33 =	vsel vm6, $0x0, v57  }
0xfa: {  	v37 =	vmax.f32 v37, $0.0e+00;
	v44 =	vsub.f32 v47, v44;
	v57 =	vld [tilespmem:$0x1C0];
	vm6 =	vgt.f32 v33, $5.000000000e-01  }
0xfb: {  	v46 =	vld [tilespmem:$0x790];
	v58 =	vadd.f32 v34, v32;
	vm6 =	vmand vm7, vm6;
	vm7 =	vgt.f32 v59, $5.000000000e-01  }
0xfc: {  	(erf) = vrcp.f32 v35;
	v56 =	vmax.f32 v44, $0.0e+00;
	v59 =	vld [tilespmem:$0x340];
	v39 =	vsel vm7, $0xCE6E6B28, v55;
	v54 =	vpop (erf)  }
0xfd: {  	v55 =	vld [tilespmem:$0x40];
	v37 =	vmul.f32 v56, v37;
	v39 =	vsel vm6, v50, v39;
	v38 =	vmul.f32 v54, v38  }
0xfe: {  	v43 =	vld [tilespmem:$0x50];
	v35 =	vsel vm13, $0xCE6E6B28, v51;
	v50 =	vmin.f32 v28, v60;
	vm6 =	vgt.f32 v39, $-3.000000000e+09  }
0xff: {  	v56 =	vld [tilespmem:$0x1D0];
	v48 =	vmax.f32 v29, v57;
	vm7 =	vgt.f32 v38, $5.000000000e-01;
	v38 =	vsub.f32 v58, v37  }
0x100: {  	v53 =	vsub.f32 v60, v57;
	v57 =	vld [tilespmem:$0x350];
	v39 =	vnsel vm6, $0xCF32D05E, v39;
	v1 =	vsel vm7, $0x0, v46  }
0x101: {  	v60 =	vld [tilespmem:$0x920];
	v49 =	vmin.f32 v30, v59;
	vm7 =	vgt.f32 v1, $5.000000000e-01;
	v38 =	vadd.f32 $9.999999710e-10, v38  }
0x102: {  	v52 =	vmax.f32 v31, v55;
	v36 =	vsub.f32 v59, v55;
	v55 =	vsub.f32 v50, v48  }
0x103: {  	v46 =	vld [tilespmem:$0x620];
	v48 =	vnsel vm6, $0x0, v2;
	vm7 =	vmand vm12, vm7;
	v54 =	vsub.f32 v49, v52  }
0x104: {  	v34 =	vld [tilespmem:$0x7A0];
	(erf) = vrcp.f32 v38;
	v45 =	vsel vm7, v62, v35;
	v36 =	vmul.f32 v53, v36  }
0x105: {  	v59 =	vld [tilespmem:$0x4D0];
	v58 =	vmax.f32 v55, $0.0e+00;
	v35 =	vmax.f32 v29, v56;
	v51 =	vmin.f32 v30, v57  }
0x106: {  	v63 =	vpop (erf);
	v42 =	vsub.f32 v57, v43;
	vm15 =	vgt.f32 v60, $5.000000000e-01;
	v38 =	vmax.f32 v54, $0.0e+00  }
0x107: {  	v49 =	vld [tilespmem:$0x1E0];
	v40 =	vmul.f32 v63, v40;
	v63 =	vmax.f32 v31, v43;
	v38 =	vmul.f32 v58, v38  }
0x108: {  	v57 =	vld [tilespmem:$0x4E0];
	v36 =	vadd.f32 v36, v32;
	vm14 =	vgt.f32 v46, $5.000000070e-02;
	v62 =	vadd.f32 $2.000000000e+00, v46  }
0x109: {  	v44 =	vld [tilespmem:$0x60];
	v41 =	vsub.f32 v51, v63;
	v46 =	vsel vm15, $0xCE6E6B28, v46;
	vm6 =	vgt.f32 v40, $5.000000000e-01  }
0x10a: {  	v43 =	vld [tilespmem:$0x360];
	v52 =	vmin.f32 v28, v59;
	v54 =	vsub.f32 v59, v56;
	v34 =	vsel vm6, $0x0, v34  }
0x10b: {  	vm6 =	vgt.f32 v45, v39;
	v36 =	vsub.f32 v36, v38;
	v55 =	vsub.f32 v52, v35  }
0x10c: {  	v41 =	vmax.f32 v41, $0.0e+00;
	v63 =	vmax.f32 v29, v49;
	vm7 =	vgt.f32 v34, $5.000000000e-01  }
0x10d: {  	v42 =	vmul.f32 v54, v42;
	v39 =	vsel vm6, v45, v39;
	v53 =	vmin.f32 v28, v57  }
0x10e: {  	v58 =	vld [tilespmem:$0x7B0];
	v57 =	vsub.f32 v57, v49;
	vm7 =	vmand vm14, vm7;
	v36 =	vadd.f32 $9.999999710e-10, v36  }
0x10f: {  	v52 =	vld [tilespmem:$0x650];
	v47 =	vmax.f32 v55, $0.0e+00;
	v35 =	vmin.f32 v30, v43;
	v43 =	vsub.f32 v43, v44  }
0x110: {  	v45 =	vld [tilespmem:$0x630];
	v41 =	vmul.f32 v47, v41;
	v59 =	vadd.f32 v42, v32;
	v40 =	vsel vm7, v62, v46  }
0x111: {  	v55 =	vld [tilespmem:$0x950];
	v62 =	vmax.f32 v31, v44;
	v47 =	vsub.f32 v53, v63;
	(erf) = vrcp.f32 v36  }
0x112: {  	v42 =	vsel vm6, v3, v48;
	v44 =	vld [tilespmem:$0x70];
	vm6 =	vgt.f32 v40, v39;
	v46 =	vsub.f32 v35, v62  }
0x113: {  	v48 =	vld [tilespmem:$0x1F0];
	v43 =	vmul.f32 v57, v43;
	v56 =	vpop (erf);
	v60 =	vsub.f32 v59, v41;
	v47 =	vmax.f32 v47, $0.0e+00  }
0x114: {  	v39 =	vsel vm6, v40, v39;
	v40 =	vsel vm6, v4, v42;
	v37 =	vmul.f32 v56, v37;
	v56 =	vld [tilespmem:$0x930]  }
0x115: {  	v62 =	vld [tilespmem:$0x4F0];
	vm9 =	vgt.f32 v52, $5.000000070e-02;
	vm12 =	vgt.f32 v45, $5.000000070e-02;
	v46 =	vmax.f32 v46, $0.0e+00  }
0x116: {  	v59 =	vadd.f32 $2.000000000e+00, v45;
	v46 =	vmul.f32 v47, v46;
	vm7 =	vgt.f32 v37, $5.000000000e-01  }
0x117: {  	v37 =	vadd.f32 $9.999999710e-10, v60;
	v36 =	vsel vm7, $0x0, v58;
	v58 =	vadd.f32 v43, v32;
	v43 =	vld [tilespmem:$0x370]  }
0x118: {  	vm10 =	vgt.f32 v55, $5.000000000e-01;
	v35 =	vmax.f32 v31, v44;
	v57 =	vmax.f32 v29, v48  }
0x119: {  	vm7 =	vgt.f32 v36, $5.000000000e-01;
	(erf) = vrcp.f32 v37;
	vm13 =	vgt.f32 v56, $5.000000000e-01  }
0x11a: {  	v63 =	vld [tilespmem:$0x7C0];
	v54 =	vmin.f32 v28, v62;
	vm7 =	vmand vm12, vm7;
	v45 =	vsel vm13, $0xCE6E6B28, v45;
	v60 =	vpop (erf)  }
0x11b: {  	v37 =	vsub.f32 v58, v46;
	v42 =	vsel vm7, v59, v45;
	v38 =	vmul.f32 v60, v38  }
0x11c: {  	v45 =	vld [tilespmem:$0x640];
	v58 =	vmin.f32 v30, v43;
	v43 =	vsub.f32 v43, v44;
	v60 =	vsub.f32 v62, v48  }
0x11d: {  	v59 =	vld [tilespmem:$0x940];
	vm6 =	vgt.f32 v42, v39;
	v62 =	vsub.f32 v54, v57;
	v47 =	vsub.f32 v58, v35  }
0x11e: {  	v39 =	vsel vm6, v42, v39;
	v40 =	vsel vm6, v5, v40;
	vm7 =	vgt.f32 v38, $5.000000000e-01  }
0x11f: {  	v38 =	vadd.f32 $9.999999710e-10, v37;
	v35 =	vmul.f32 v60, v43;
	v37 =	vsel vm7, $0x0, v63  }
0x120: {  	v48 =	vmax.f32 v62, $0.0e+00;
	v60 =	vld [tilespmem:$0x500];
	v47 =	vmax.f32 v47, $0.0e+00;
	vm7 =	vgt.f32 v37, $5.000000000e-01  }
0x121: {  	v63 =	vld [tilespmem:$0x7D0];
	(erf) = vrcp.f32 v38;
	vm14 =	vgt.f32 v45, $5.000000070e-02;
	v44 =	vmul.f32 v48, v47  }
0x122: {  	v38 =	vadd.f32 v35, v32;
	v56 =	vadd.f32 $2.000000000e+00, v45;
	vm15 =	vgt.f32 v59, $5.000000000e-01;
	v48 =	vld [tilespmem:$0x80];
	v54 =	vpop (erf)  }
0x123: {  	v47 =	vld [tilespmem:$0x380];
	vm7 =	vmand vm14, vm7;
	v45 =	vsel vm15, $0xCE6E6B28, v45;
	v41 =	vmul.f32 v54, v41  }
0x124: {  	v43 =	vsel vm10, $0xCE6E6B28, v52;
	v57 =	vsub.f32 v38, v44;
	v58 =	vsel vm7, v56, v45;
	v45 =	vld [tilespmem:$0x200]  }
0x125: {  	v59 =	vadd.f32 $2.000000000e+00, v52;
	vm7 =	vgt.f32 v58, v39;
	vm12 =	vgt.f32 v41, $5.000000000e-01  }
0x126: {  	v41 =	vadd.f32 $9.999999710e-10, v57;
	v39 =	vsel vm7, v58, v39;
	v49 =	vsel vm7, v6, v40  }
0x127: {  	v40 =	vld [tilespmem:$0x660];
	v58 =	vmin.f32 v28, v60;
	v35 =	vsel vm12, $0x0, v63;
	v63 =	vmax.f32 v31, v48  }
0x128: {  	v51 =	vld [tilespmem:$0x210];
	v57 =	vmin.f32 v30, v47;
	v47 =	vsub.f32 v47, v48;
	vm8 =	vgt.f32 v35, $5.000000000e-01  }
0x129: {  	v42 =	vld [tilespmem:$0x7E0];
	(erf) = vrcp.f32 v41;
	vm8 =	vmand vm9, vm8;
	v38 =	vmax.f32 v29, v45  }
0x12a: {  	v48 =	vld [tilespmem:$0x90];
	v45 =	vsub.f32 v60, v45;
	v41 =	vsel vm8, v59, v43;
	v59 =	vsub.f32 v57, v63;
	v62 =	vpop (erf)  }
0x12b: {  	v60 =	vsub.f32 v58, v38;
	v38 =	vld [tilespmem:$0x510];
	vm6 =	vgt.f32 v41, v39;
	v43 =	vmul.f32 v62, v46  }
0x12c: {  	vm13 =	vgt.f32 v40, $5.000000070e-02;
	v46 =	vld [tilespmem:$0x960];
	v41 =	vsel vm6, v41, v39;
	v62 =	vmul.f32 v45, v47  }
0x12d: {  	v45 =	vld [tilespmem:$0x390];
	v63 =	vmax.f32 v60, $0.0e+00;
	vm7 =	vgt.f32 v43, $5.000000000e-01;
	v43 =	vmax.f32 v59, $0.0e+00  }
0x12e: {  	v47 =	vadd.f32 $2.000000000e+00, v40;
	v39 =	vsel vm7, $0x0, v42;
	v43 =	vmul.f32 v63, v43  }
0x12f: {  	v42 =	vadd.f32 v62, v32;
	v62 =	vmax.f32 v31, v48;
	v63 =	vmax.f32 v29, v51  }
0x130: {  	v50 =	vld [tilespmem:$0xA0];
	v56 =	vmin.f32 v28, v38;
	v38 =	vsub.f32 v38, v51;
	vm7 =	vgt.f32 v39, $5.000000000e-01  }
0x131: {  	v60 =	vld [tilespmem:$0x7F0];
	v58 =	vsub.f32 v56, v63;
	vm7 =	vmand vm13, vm7;
	vm14 =	vgt.f32 v46, $5.000000000e-01  }
0x132: {  	v54 =	vld [tilespmem:$0x220];
	v59 =	vpop (erf);
	v42 =	vsub.f32 v42, v43;
	v55 =	vmin.f32 v30, v45;
	v45 =	vsub.f32 v45, v48  }
0x133: {  	v63 =	vld [tilespmem:$0x520];
	v48 =	vsel vm6, v7, v49;
	v40 =	vsel vm14, $0xCE6E6B28, v40;
	v44 =	vmul.f32 v59, v44  }
0x134: {  	v56 =	vld [tilespmem:$0x680];
	v57 =	vsub.f32 v55, v62;
	v62 =	vmax.f32 v58, $0.0e+00;
	v47 =	vsel vm7, v47, v40  }
0x135: {  	v46 =	vld [tilespmem:$0x670];
	v42 =	vadd.f32 $9.999999710e-10, v42;
	v59 =	vmul.f32 v38, v45;
	vm7 =	vgt.f32 v44, $5.000000000e-01  }
0x136: {  	v49 =	vld [tilespmem:$0x970];
	v38 =	vmax.f32 v31, v50;
	vm6 =	vgt.f32 v47, v41;
	v40 =	vsel vm7, $0x0, v60  }
0x137: {  	v45 =	vld [tilespmem:$0x3A0];
	v60 =	vmax.f32 v57, $0.0e+00;
	(erf) = vrcp.f32 v42;
	v44 =	vadd.f32 v59, v32  }
0x138: {  	v57 =	vmin.f32 v28, v63;
	v63 =	vsub.f32 v63, v54;
	v41 =	vsel vm6, v47, v41  }
0x139: {  	v52 =	vld [tilespmem:$0xB0];
	v47 =	vsel vm6, v8, v48;
	vm13 =	vgt.f32 v56, $5.000000070e-02;
	v42 =	vmul.f32 v62, v60  }
0x13a: {  	v55 =	vld [tilespmem:$0x230];
	vm7 =	vgt.f32 v40, $5.000000000e-01;
	vm15 =	vgt.f32 v46, $5.000000070e-02;
	v51 =	vadd.f32 $2.000000000e+00, v46  }
0x13b: {  	v60 =	vmax.f32 v29, v54;
	vm12 =	vgt.f32 v49, $5.000000000e-01;
	vm7 =	vmand vm15, vm7  }
0x13c: {  	v49 =	vld [tilespmem:$0x3B0];
	v46 =	vsel vm12, $0xCE6E6B28, v46;
	v44 =	vsub.f32 v44, v42;
	v62 =	vmin.f32 v30, v45  }
0x13d: {  	v54 =	vld [tilespmem:$0x530];
	v45 =	vsub.f32 v45, v50;
	v46 =	vsel vm7, v51, v46;
	v53 =	vsub.f32 v62, v38  }
0x13e: {  	v38 =	vsub.f32 v57, v60;
	vm6 =	vgt.f32 v46, v41;
	v60 =	vmax.f32 v31, v52  }
0x13f: {  	v62 =	vmax.f32 v29, v55;
	v44 =	vadd.f32 $9.999999710e-10, v44;
	v45 =	vmul.f32 v63, v45  }
0x140: {  	v46 =	vsel vm6, v46, v41;
	v57 =	vmax.f32 v53, $0.0e+00;
	v58 =	vmax.f32 v38, $0.0e+00  }
0x141: {  	v48 =	vld [tilespmem:$0x800];
	(erf) = vrcp.f32 v44;
	v44 =	vmul.f32 v58, v57;
	v45 =	vadd.f32 v45, v32  }
0x142: {  	v51 =	vld [tilespmem:$0x240];
	v63 =	vmin.f32 v30, v49;
	v38 =	vmin.f32 v28, v54;
	v49 =	vsub.f32 v49, v52;
	v59 =	vpop (erf)  }
0x143: {  	v53 =	vld [tilespmem:$0x6A0];
	v58 =	vsub.f32 v54, v55;
	v45 =	vsub.f32 v45, v44;
	v43 =	vmul.f32 v59, v43  }
0x144: {  	v47 =	vsel vm6, v9, v47;
	v60 =	vsub.f32 v63, v60;
	v62 =	vsub.f32 v38, v62;
	v59 =	vld [tilespmem:$0x980]  }
0x145: {  	v63 =	vmul.f32 v58, v49;
	v49 =	vld [tilespmem:$0xC0];
	v45 =	vadd.f32 $9.999999710e-10, v45;
	vm7 =	vgt.f32 v43, $5.000000000e-01  }
0x146: {  	v50 =	vmax.f32 v62, $0.0e+00;
	v43 =	vmax.f32 v60, $0.0e+00;
	v41 =	vsel vm7, $0x0, v48;
	v48 =	vld [tilespmem:$0x3C0]  }
0x147: {  	v38 =	vadd.f32 v63, v32;
	v50 =	vmul.f32 v50, v43;
	(erf) = vrcp.f32 v45;
	v45 =	vld [tilespmem:$0x540]  }
0x148: {  	v57 =	vadd.f32 $2.000000000e+00, v56;
	v63 =	vmax.f32 v29, v51;
	vm12 =	vgt.f32 v53, $5.000000070e-02  }
0x149: {  	vm7 =	vgt.f32 v41, $5.000000000e-01;
	vm14 =	vgt.f32 v59, $5.000000000e-01;
	v43 =	vsub.f32 v38, v50  }
0x14a: {  	v62 =	vmax.f32 v31, v49;
	vm6 =	vmand vm13, vm7;
	v58 =	vpop (erf);
	v59 =	vsel vm14, $0xCE6E6B28, v56  }
0x14b: {  	v54 =	vld [tilespmem:$0x810];
	v42 =	vmul.f32 v58, v42;
	v52 =	vsel vm6, v57, v59;
	v60 =	vadd.f32 $9.999999710e-10, v43  }
0x14c: {  	v55 =	vld [tilespmem:$0xD0];
	v38 =	vmin.f32 v30, v48;
	v58 =	vmin.f32 v28, v45;
	v48 =	vsub.f32 v48, v49  }
0x14d: {  	v43 =	vld [tilespmem:$0x690];
	v45 =	vsub.f32 v45, v51;
	vm8 =	vgt.f32 v52, v46;
	vm6 =	vgt.f32 v42, $5.000000000e-01  }
0x14e: {  	v57 =	vld [tilespmem:$0x990];
	(erf) = vrcp.f32 v60;
	v60 =	vsub.f32 v38, v62;
	v62 =	vsub.f32 v58, v63  }
0x14f: {  	v56 =	vld [tilespmem:$0x250];
	v46 =	vsel vm8, v52, v46;
	v47 =	vsel vm8, v10, v47;
	v45 =	vmul.f32 v45, v48  }
0x150: {  	v59 =	vld [tilespmem:$0x9B0];
	v42 =	vsel vm6, $0x0, v54;
	v49 =	vmax.f32 v60, $0.0e+00;
	v51 =	vmax.f32 v62, $0.0e+00  }
0x151: {  	v38 =	vld [tilespmem:$0x9A0];
	v54 =	vmax.f32 v31, v55;
	v49 =	vmul.f32 v51, v49;
	v45 =	vadd.f32 v45, v32  }
0x152: {  	v63 =	vld [tilespmem:$0x820];
	vm6 =	vgt.f32 v42, $5.000000000e-01;
	vm7 =	vgt.f32 v43, $5.000000070e-02;
	v62 =	vadd.f32 $2.000000000e+00, v43;
	v60 =	vpop (erf)  }
0x153: {  	v48 =	vld [tilespmem:$0x550];
	vm15 =	vgt.f32 v57, $5.000000000e-01;
	v44 =	vmul.f32 v60, v44;
	v45 =	vsub.f32 v45, v49  }
0x154: {  	v57 =	vmax.f32 v29, v56;
	vm6 =	vmand vm7, vm6;
	v43 =	vsel vm15, $0xCE6E6B28, v43  }
0x155: {  	v51 =	vsel vm6, v62, v43;
	vm6 =	vgt.f32 v44, $5.000000000e-01;
	v44 =	vld [tilespmem:$0x3D0];
	v45 =	vadd.f32 $9.999999710e-10, v45  }
0x156: {  	vm11 =	vgt.f32 v59, $5.000000000e-01;
	vm13 =	vgt.f32 v38, $5.000000000e-01;
	vm7 =	vgt.f32 v51, v46  }
0x157: {  	v52 =	vsel vm13, $0xCE6E6B28, v53;
	v43 =	vsel vm6, $0x0, v63;
	(erf) = vrcp.f32 v45  }
0x158: {  	v60 =	vmin.f32 v28, v48;
	v48 =	vsub.f32 v48, v56;
	vm6 =	vgt.f32 v43, $5.000000000e-01  }
0x159: {  	v46 =	vsel vm7, v51, v46;
	v63 =	vpop (erf);
	v45 =	vadd.f32 $2.000000000e+00, v53;
	v53 =	vld [tilespmem:$0x830];
	vm6 =	vmand vm12, vm6  }
0x15a: {  	v51 =	vld [tilespmem:$0x6B0];
	v50 =	vmul.f32 v63, v50;
	v38 =	vmin.f32 v30, v44;
	v44 =	vsub.f32 v44, v55  }
0x15b: {  	v59 =	vld [tilespmem:$0x560];
	v45 =	vsel vm6, v45, v52;
	v54 =	vsub.f32 v38, v54;
	v38 =	vsub.f32 v60, v57  }
0x15c: {  	v21 =	vmovc v20;
	v47 =	vsel vm7, v11, v47;
	v52 =	vld [tilespmem:$0x6C0];
	vm6 =	vgt.f32 v45, v46;
	v48 =	vmul.f32 v48, v44  }
0x15d: {  	v20 =	vmovc v19;
	v19 =	vmovc v18;
	vm14 =	vgt.f32 v50, $5.000000000e-01;
	v55 =	vld [tilespmem:$0xE0];
	v57 =	vmax.f32 v54, $0.0e+00;
	v58 =	vmax.f32 v38, $0.0e+00  }
0x15e: {  	v18 =	vmovc v17;
	v17 =	vmovc v16;
	v44 =	vsel vm14, $0x0, v53;
	v54 =	vld [tilespmem:$0x3E0];
	v53 =	vmul.f32 v58, v57;
	v48 =	vadd.f32 v48, v32  }
0x15f: {  	v16 =	vmovc v15;
	v15 =	vmovc v14;
	vm15 =	vgt.f32 v51, $5.000000070e-02;
	v60 =	vadd.f32 $2.000000000e+00, v51;
	v51 =	vsel vm11, $0xCE6E6B28, v51;
	v57 =	vld [tilespmem:$0x260]  }
0x160: {  	v50 =	vld [tilespmem:$0x840];
	v46 =	vsel vm6, v45, v46;
	vm9 =	vgt.f32 v44, $5.000000000e-01;
	v62 =	vpop (erf);
	v48 =	vsub.f32 v48, v53  }
0x161: {  	v14 =	vmovc v13;
	v13 =	vmovc v61;
	v61 =	vld [tilespmem:$0x3F0];
	vm9 =	vmand vm15, vm9;
	vm13 =	vgt.f32 v52, $5.000000070e-02;
	v63 =	vmul.f32 v62, v49  }
0x162: {  	v56 =	vld [tilespmem:$0x270];
	v51 =	vsel vm9, v60, v51;
	v58 =	vmax.f32 v31, v55;
	v48 =	vadd.f32 $9.999999710e-10, v48  }
0x163: {  	v49 =	vld [tilespmem:$0xF0];
	v38 =	vmin.f32 v30, v54;
	v54 =	vsub.f32 v54, v55;
	vm12 =	vgt.f32 v63, $5.000000000e-01  }
0x164: {  	v60 =	vsub.f32 v38, v58;
	v62 =	vsub.f32 v59, v57;
	(erf) = vrcp.f32 v48  }
0x165: {  	v57 =	vmax.f32 v29, v57;
	v63 =	vmin.f32 v28, v59;
	v45 =	vsel vm12, $0x0, v50;
	v50 =	vld [tilespmem:$0x570]  }
0x166: {  	vm8 =	vgt.f32 v51, v46;
	v57 =	vsub.f32 v63, v57;
	v48 =	vmax.f32 v60, $0.0e+00;
	v60 =	vld [tilespmem:$0x9C0]  }
0x167: {  	v51 =	vsel vm8, v51, v46;
	v58 =	vmax.f32 v29, v56;
	v54 =	vmul.f32 v62, v54  }
0x168: {  	v38 =	vmin.f32 v30, v61;
	v55 =	vmax.f32 v31, v49;
	v57 =	vmax.f32 v57, $0.0e+00  }
0x169: {  	v49 =	vsub.f32 v61, v49;
	v48 =	vmul.f32 v57, v48;
	v54 =	vadd.f32 v54, v32;
	v57 =	vld [tilespmem:$0x400]  }
0x16a: {  	v55 =	vsub.f32 v38, v55;
	v62 =	vmin.f32 v28, v50;
	v50 =	vsub.f32 v50, v56;
	v56 =	vld [tilespmem:$0x850]  }
0x16b: {  	v54 =	vsub.f32 v54, v48;
	v58 =	vsub.f32 v62, v58;
	vm14 =	vgt.f32 v60, $5.000000000e-01;
	v60 =	vld [tilespmem:$0x6D0]  }
0x16c: {  	vm9 =	vgt.f32 v45, $5.000000000e-01;
	v61 =	vadd.f32 $2.000000000e+00, v52;
	v49 =	vmul.f32 v50, v49;
	v50 =	vld [tilespmem:$0x100]  }
0x16d: {  	v55 =	vmax.f32 v55, $0.0e+00;
	v54 =	vadd.f32 $9.999999710e-10, v54;
	v63 =	vmax.f32 v58, $0.0e+00;
	v58 =	vld [tilespmem:$0x280];
	v38 =	vpop (erf)  }
0x16e: {  	v55 =	vmul.f32 v63, v55;
	v49 =	vadd.f32 v49, v32;
	v53 =	vmul.f32 v38, v53;
	v38 =	vld [tilespmem:$0x580]  }
0x16f: {  	vm9 =	vmand vm13, vm9;
	v52 =	vsel vm14, $0xCE6E6B28, v52;
	(erf) = vrcp.f32 v54  }
0x170: {  	v52 =	vsel vm9, v61, v52;
	v49 =	vsub.f32 v49, v55;
	vm15 =	vgt.f32 v53, $5.000000000e-01;
	v53 =	vld [tilespmem:$0x9D0]  }
0x171: {  	v61 =	vmin.f32 v30, v57;
	vm14 =	vgt.f32 v52, v51;
	vm12 =	vgt.f32 v60, $5.000000070e-02  }
0x172: {  	v59 =	vld [tilespmem:$0x410];
	v54 =	vmax.f32 v31, v50;
	v50 =	vsub.f32 v57, v50;
	v49 =	vadd.f32 $9.999999710e-10, v49  }
0x173: {  	v57 =	vld [tilespmem:$0x290];
	v46 =	vsel vm15, $0x0, v56;
	v56 =	vmax.f32 v29, v58;
	v62 =	vmin.f32 v28, v38  }
0x174: {  	v26 =	vmovc v24;
	v24 =	vmovc v0;
	v38 =	vsub.f32 v38, v58;
	(erf) = vrcp.f32 v49;
	v63 =	vsub.f32 v62, v56;
	v56 =	vld [tilespmem:$0x110]  }
0x175: {  	v0 =	vmovc v12;
	v12 =	vmovc v11;
	v61 =	vsub.f32 v61, v54;
	vm9 =	vgt.f32 v46, $5.000000000e-01;
	vm13 =	vgt.f32 v53, $5.000000000e-01;
	v53 =	vld [tilespmem:$0x590]  }
0x176: {  	v11 =	vmovc v10;
	v10 =	vmovc v9;
	v58 =	vadd.f32 $2.000000000e+00, v60;
	v50 =	vmul.f32 v38, v50;
	v38 =	vsel vm13, $0xCE6E6B28, v60;
	v60 =	vld [tilespmem:$0x120]  }
0x177: {  	v9 =	vmovc v8;
	v8 =	vmovc v7;
	v49 =	vmax.f32 v61, $0.0e+00;
	vm10 =	vmand vm12, vm9;
	v54 =	vmax.f32 v63, $0.0e+00;
	v63 =	vld [tilespmem:$0x5A0]  }
0x178: {  	[tilespmem:$0x1FFF0] =	vst v1;
	v22 =	vpop (erf);
	v49 =	vmul.f32 v54, v49;
	v50 =	vadd.f32 v50, v32;
	v54 =	vsel vm10, v58, v38;
	v58 =	vld [tilespmem:$0x420]  }
0x179: {  	v7 =	vmovc v6;
	v51 =	vsel vm14, v52, v51;
	v62 =	vmin.f32 v30, v59;
	v22 =	vmul.f32 v22, v48  }
0x17a: {  	vm7 =	vgt.f32 v54, v51;
	v50 =	vsub.f32 v50, v49;
	v61 =	vmax.f32 v31, v56;
	v38 =	vmovc v27  }
0x17b: {  	v52 =	vld [tilespmem:$0x2A0];
	v27 =	vmovc v23;
	v23 =	vmax.f32 v29, v57;
	v51 =	vsel vm7, v54, v51;
	v61 =	vsub.f32 v62, v61  }
0x17c: {  	v6 =	vmovc v5;
	v5 =	vmovc v4;
	v1 =	vmin.f32 v28, v53;
	v53 =	vsub.f32 v53, v57;
	v50 =	vadd.f32 $9.999999710e-10, v50  }
0x17d: {  	v1 =	vsub.f32 v1, v23;
	v62 =	vmin.f32 v28, v63;
	v54 =	vpop (erf);
	v57 =	vsub.f32 v58, v60  }
0x17e: {  	v4 =	vmovc v3;
	v3 =	vmovc v2;
	v2 =	vld [tilespmem:$0x430];
	v48 =	vmul.f32 v54, v55;
	(erf) = vrcp.f32 v50;
	v50 =	vmax.f32 v61, $0.0e+00  }
0x17f: {  	v23 =	vld [tilespmem:$0x6E0];
	v1 =	vmax.f32 v1, $0.0e+00;
	v54 =	vsub.f32 v59, v56;
	v55 =	vmax.f32 v31, v60  }
0x180: {  	v56 =	vld [tilespmem:$0x130];
	v59 =	vmax.f32 v29, v52;
	v61 =	vmin.f32 v30, v58;
	v52 =	vsub.f32 v63, v52  }
0x181: {  	v58 =	vld [tilespmem:$0x9E0];
	v1 =	vmul.f32 v1, v50;
	v50 =	vsub.f32 v61, v55;
	v62 =	vsub.f32 v62, v59  }
0x182: {  	v60 =	vld [tilespmem:$0x2B0]  }
0x183: {  	v59 =	vld [tilespmem:$0x860];
	v52 =	vmul.f32 v52, v57;
	v61 =	vmovc v13;
	v50 =	vmax.f32 v50, $0.0e+00;
	v55 =	vmax.f32 v62, $0.0e+00  }
0x184: {  	v47 =	vsel vm6, v61, v47;
	vm6 =	vgt.f32 v22, $5.000000000e-01;
	v22 =	vmul.f32 v53, v54;
	v53 =	vld [tilespmem:$0x5B0]  }
0x185: {  	v30 =	vmin.f32 v30, v2;
	vm15 =	vgt.f32 v23, $5.000000070e-02;
	v50 =	vmul.f32 v55, v50  }
0x186: {  	v52 =	vadd.f32 v52, v32;
	v31 =	vmax.f32 v31, v56;
	v22 =	vadd.f32 v22, v32  }
0x187: {  	v2 =	vsub.f32 v2, v56;
	vm12 =	vgt.f32 v58, $5.000000000e-01;
	v29 =	vmax.f32 v29, v60  }
0x188: {  	v54 =	vsel vm6, $0x0, v59;
	v30 =	vsub.f32 v30, v31;
	v22 =	vsub.f32 v22, v1  }
0x189: {  	v31 =	vsub.f32 v52, v50;
	v63 =	vsub.f32 v53, v60;
	v28 =	vmin.f32 v28, v53  }
0x18a: {  	v62 =	vsel vm12, $0xCE6E6B28, v23;
	v60 =	vld [tilespmem:$0x870];
	v22 =	vadd.f32 $9.999999710e-10, v22;
	v28 =	vsub.f32 v28, v29  }
0x18b: {  	v23 =	vadd.f32 $2.000000000e+00, v23;
	vm6 =	vgt.f32 v54, $5.000000000e-01;
	v29 =	vld [tilespmem:$0x9F0];
	v2 =	vmul.f32 v63, v2  }
0x18c: {  	v30 =	vmax.f32 v30, $0.0e+00;
	(erf) = vrcp.f32 v22;
	v28 =	vmax.f32 v28, $0.0e+00  }
0x18d: {  	v22 =	vld [tilespmem:$0x6F0];
	v28 =	vmul.f32 v28, v30;
	v2 =	vadd.f32 v2, v32;
	v30 =	vadd.f32 $9.999999710e-10, v31  }
0x18e: {  	vm13 =	vgt.f32 v48, $5.000000000e-01;
	v13 =	vmov v14;
	vm6 =	vmand vm15, vm6;
	v63 =	vld [tilespmem:$0xA00]  }
0x18f: {  	v14 =	vmovc v15;
	v47 =	vsel vm8, v13, v47;
	v23 =	vsel vm6, v23, v62;
	v2 =	vsub.f32 v2, v28  }
0x190: {  	v15 =	vmovc v16;
	v31 =	vsel vm14, v14, v47;
	v32 =	vsel vm13, $0x0, v60;
	vm6 =	vgt.f32 v29, $5.000000000e-01;
	v29 =	vld [tilespmem:$0x700]  }
0x191: {  	v62 =	vld [tilespmem:$0x880];
	v31 =	vsel vm7, v15, v31;
	(erf) = vrcp.f32 v30;
	v30 =	vpop (erf);
	v2 =	vadd.f32 $9.999999710e-10, v2  }
0x192: {  	vm8 =	vgt.f32 v32, $5.000000000e-01;
	vm14 =	vgt.f32 v22, $5.000000070e-02;
	v30 =	vmul.f32 v30, v49  }
0x193: {  	vm13 =	vgt.f32 v63, $5.000000000e-01;
	vm7 =	vmand vm14, vm8;
	(erf) = vrcp.f32 v2  }
0x194: {  	vm15 =	vgt.f32 v30, $5.000000000e-01;
	v30 =	vsel vm6, $0xCE6E6B28, v22;
	v22 =	vadd.f32 $2.000000000e+00, v22  }
0x195: {  	v52 =	vld [tilespmem:$0x890];
	vm6 =	vgt.f32 v23, v51;
	vm12 =	vgt.f32 v29, $5.000000070e-02;
	v55 =	vadd.f32 $2.000000000e+00, v29  }
0x196: {  	[tilespmem:$0x780] =	vst v33;
	v29 =	vsel vm13, $0xCE6E6B28, v29;
	v33 =	vsel vm15, $0x0, v62;
	v2 =	vpop (erf);
	v22 =	vsel vm7, v22, v30;
	v30 =	vld [tilespmem:$0x710]  }
0x197: {  	v16 =	vmovc v17;
	v23 =	vsel vm6, v23, v51;
	vm7 =	vgt.f32 v33, $5.000000000e-01;
	v1 =	vmul.f32 v2, v1;
	v2 =	vld [tilespmem:$0xA10]  }
0x198: {  	[tilespmem:$0x7A0] =	vst v34;
	v57 =	vld [tilespmem:$0x720];
	v31 =	vsel vm6, v16, v31;
	vm7 =	vmand vm12, vm7;
	vm14 =	vgt.f32 v22, v23  }
0x199: {  	[tilespmem:$0x7B0] =	vst v36;
	v17 =	vmovc v18;
	v63 =	vld [tilespmem:$0xA30];
	v29 =	vsel vm7, v55, v29;
	vm7 =	vgt.f32 v1, $5.000000000e-01;
	v22 =	vsel vm14, v22, v23  }
0x19a: {  	[tilespmem:$0x7C0] =	vst v37;
	v1 =	vld [tilespmem:$0x8A0];
	v56 =	vpop (erf);
	v31 =	vsel vm14, v17, v31;
	v23 =	vsel vm7, $0x0, v52;
	vm12 =	vgt.f32 v29, v22  }
0x19b: {  	[tilespmem:$0x7D0] =	vst v35;
	v18 =	vmovc v19;
	v34 =	vmul.f32 v56, v50;
	vm6 =	vgt.f32 v23, $5.000000000e-01;
	v22 =	vsel vm12, v29, v22  }
0x19c: {  	[tilespmem:$0x7E0] =	vst v39;
	v29 =	vsel vm12, v18, v31;
	vm7 =	vgt.f32 v30, $5.000000070e-02;
	vm15 =	vgt.f32 v2, $5.000000000e-01;
	v2 =	vld [tilespmem:$0xA20]  }
0x19d: {  	[tilespmem:$0x7F0] =	vst v40;
	v59 =	vld [tilespmem:$0x8B0];
	v31 =	vadd.f32 $2.000000000e+00, v57;
	v58 =	vadd.f32 $2.000000000e+00, v30;
	vm6 =	vmand vm7, vm6  }
0x19e: {  	[tilespmem:$0x800] =	vst v41;
	v60 =	vld [tilespmem:$0x730];
	v30 =	vsel vm15, $0xCE6E6B28, v30;
	vm7 =	vgt.f32 v34, $5.000000000e-01;
	v62 =	vpop (erf);
	vm15 =	vgt.f32 v63, $5.000000000e-01  }
0x19f: {  	[tilespmem:$0x810] =	vst v42;
	v30 =	vsel vm6, v58, v30;
	v1 =	vsel vm7, $0x0, v1;
	v28 =	vmul.f32 v62, v28  }
0x1a0: {  	[tilespmem:$0x820] =	vst v43;
	vm7 =	vgt.f32 v57, $5.000000070e-02;
	vm6 =	vgt.f32 v1, $5.000000000e-01;
	vm14 =	vgt.f32 v30, v22  }
0x1a1: {  	[tilespmem:$0x830] =	vst v44;
	vm6 =	vmand vm7, vm6;
	vm13 =	vgt.f32 v28, $5.000000000e-01;
	vm7 =	vgt.f32 v2, $5.000000000e-01  }
0x1a2: {  	[tilespmem:$0x840] =	vst v45;
	v22 =	vsel vm14, v30, v22;
	v28 =	vsel vm13, $0x0, v59;
	v2 =	vsel vm7, $0xCE6E6B28, v57  }
0x1a3: {  	[tilespmem:$0x850] =	vst v46;
	vm7 =	vgt.f32 v60, $5.000000070e-02;
	v2 =	vsel vm6, v31, v2;
	vm6 =	vgt.f32 v28, $5.000000000e-01  }
0x1a4: {  	v19 =	vmovc v20;
	[tilespmem:$0x860] =	vst v54;
	v53 =	vld [tilespmem:$0x1FFF0];
	v30 =	vadd.f32 $2.000000000e+00, v60;
	vm6 =	vmand vm7, vm6;
	vm7 =	vgt.f32 v2, v22  }
0x1a5: {  	s23 =	sadd.s32 $0x100, s23;
	[tilespmem:$0x890] =	vst v23;
	v23 =	vsel vm14, v19, v29;
	v31 =	vsel vm15, $0xCE6E6B28, v60;
	v2 =	vsel vm7, v2, v22  }
0x1a6: {  	p1 =	sne.s32 s23, $0x6400;
	[tilespmem:$0x8A0] =	vst v1;
	v22 =	vsel vm6, v30, v31  }
.Ltmp0:
0x1a7: {  	v20 =	vmov v21;
	v21 =	vimm.f32 $1.000000000e+00;
	[tilespmem:$0x8B0] =	vst v28;
	vm6 =	vgt.f32 v22, v2;
	(pc) =	sbr.rel @p1 .LBB2_2-.Ltmp0, $4  }
0x1a8: {  	v1 =	vsel vm7, v20, v23;
	v23 =	vmovc v27;
	v27 =	vmovc v38;
	v28 =	vsel vm6, v22, v2;
	v2 =	vmov v3  }
0x1a9: {  	[tilespmem:$0x790] =	vst v53;
	v3 =	vmovc v4;
	v4 =	vmovc v5;
	v5 =	vmov v6;
	v6 =	vmov v7;
	v7 =	vmov v8  }
0x1aa: {  	[tilespmem:$0x870] =	vst v32;
	v8 =	vmovc v9;
	v9 =	vmovc v10;
	v10 =	vmov v11;
	v11 =	vmov v12;
	v12 =	vmov v0  }
0x1ab: {  	s22 =	sadd.s32 $0x10, s22;
	[tilespmem:$0x880] =	vst v33;
	v22 =	vimm.f32 $0.0e+00;
	v0 =	vmovc v24;
	v24 =	vmovc v26;
	v29 =	vsel vm6, v12, v1;
	v1 =	vlaneseq.u32  }
0x1ac: {  	s22 =	simm.s32 @!p0 $0x0;
	s21 =	sadd.s32 $0x1, s21  }
0x1ad: {  	[hbm4b:s4+s22] =	stream.linear.scatter @!p0 [tilespmem:s24], [sflag:$0x1], $0x680, $0x38;
	[tilespmem:$0x12A0] =	vst v63  }
0x1ae: {  	p1 =	sne.s32 s21, s10  }
.Ltmp1:
0x1af: {  	_ = 	snop;
	(pc) =	sbr.rel @p1 .LBB2_1-.Ltmp1, $4  }
0x1b0: {  	s22 =	simm.s32 @!p0 $0x1  }
0x1b1: {  	_ =	swait.ge @!p0 [sflag:s22], $0x680  }
0x1b2: {  	[sflag:s22] =	ssyncset.done @!p0 $0x0  }
0x1b3: {  	[sflag:s22] =	ssyncadd.s32 @!p0 $0xFFFFF980  }
0x1b4: {  	_ =	sfence.sel $0x180000  }
0x1b5: {  	[bflag:$0x0] =	sbarrier.arrive $0xFFFF  }
0x1b6: {  	p0 =	sne.s32 s0, $0x0;
	_ =	strace $0x90000047  }
0x1b7: {  	s0 =	sadd.s32 @!p0 $0x100000, s3;
	[bflag:$0x2] =	sbarrier.arrive $0xFFFF  }
0x1b8: {  	[sflag:s0] =	ssyncadd.tile.s32 @!p0 $0x1;
	_ =	shalt  }
.Lfunc_end2:
_tile_overlayer_lowered:
.L_overlay_start_2:
0x1b9: {  	(tag) =	ssettag $0x2  }
0x1ba: {  	s0 =	rddreg [dreg:$0x0];
	s2 =	stileid.u32  }
0x1bb: {  	s1 =	rddreg [dreg:$0x1];
	p0 =	sne.s32 s2, $0x0  }
0x1bc: {  	s3 =	rddreg [dreg:$0x2];
	[bflag:$0x3] =	sbarrier.arrive $0xFFFF;
	s2 =	simm.s32 @!p0 $0x1C01  }
0x1bd: {  	[timem:s3], [sflag:s2] =	dma.local @!p0 [hbm:s0], s1  }
0x1be: {  	s0 =	simm.s32 @!p0 $0x1  }
0x1bf: {  	_ =	swait.ge @!p0 [sflag:s0], s1  }
0x1c0: {  	s1 =	ssub.s32 @!p0 $0x0, s1;
	[sflag:s0] =	ssyncset.done @!p0 $0x0  }
0x1c1: {  	[sflag:s0] =	ssyncadd.s32 @!p0 s1  }
0x1c2: {  	[bflag:$0x3] =	sbarrier.arrive $0xFFFF  }
0x1c3: {  	_ =	shalt  }

</sc_bundles>
